<compile_context>
chip_gen: v7x
topology: tpu7x:2x2x1
jax: 0.10.2.dev20260603
libtpu: 0.0.44.dev20260713+nightly
codegen_flags: <defaults>
</compile_context>

<pallas_src>
import functools

import jax
import jax.numpy as jnp
from jax import lax
from jax.experimental import pallas as pl
from jax.experimental.pallas import tpu as pltpu
from jax.experimental.pallas import tpu_sc as plsc

_B, _L, _V, _D = 4096, 200, 32, 129
_NW = 32
_BC = 128
_NBT = _B // _BC


def _build_table(token_table, ooba_table, pos_table):
    def body(tok_ref, ooba_ref, pos_ref, tbl_ref):
        comb = jnp.concatenate([tok_ref[...], ooba_ref[...]], axis=-1)
        tbl_ref[...] = comb.T[None, :, :] + pos_ref[...][:, :, None]

    return pl.pallas_call(
        body,
        out_shape=jax.ShapeDtypeStruct((_L, _D, _V), jnp.float32),
    )(token_table, ooba_table, pos_table)


def _sc_lookup(tbl, xt):
    mesh = plsc.VectorSubcoreMesh(core_axis_name="c", subcore_axis_name="s")

    @functools.partial(
        pl.kernel,
        mesh=mesh,
        out_type=jax.ShapeDtypeStruct((_D, _L, _B), jnp.float32),
        scratch_types=[
            pltpu.VMEM((_D * _V,), jnp.float32),
            pltpu.VMEM((_B,), jnp.int32),
            [pltpu.VMEM((_D, 1, _BC), jnp.float32)] * 2,
            [pltpu.SemaphoreType.DMA] * 2,
        ],
        compiler_params=pltpu.CompilerParams(needs_layout_passes=False),
    )
    def k(tbl_hbm, xt_hbm, out_hbm, tbl_v, xv, buf, sem):
        wid = lax.axis_index("s") * 2 + lax.axis_index("c")
        l_lo = wid * 6 + jnp.minimum(wid, 8)
        l_hi = l_lo + 6 + jnp.where(wid < 8, 1, 0)

        def fill(bt, p):
            xs = [xv[pl.ds(bt * _BC + j * 16, 16)] for j in range(_BC // 16)]

            @plsc.parallel_loop(0, _D, unroll=8)
            def dbody(d):
                for j in range(_BC // 16):
                    vals = plsc.load_gather(tbl_v, [xs[j] + d * _V])
                    buf[p][d, 0, pl.ds(j * 16, 16)] = vals

        def flush_start(l, bt, p):
            pltpu.async_copy(
                buf[p],
                out_hbm.at[pl.ds(0, _D), pl.ds(l, 1), pl.ds(bt * _BC, _BC)],
                sem[p])

        def flush_wait(l, bt, p):
            pltpu.make_async_copy(
                buf[p],
                out_hbm.at[pl.ds(0, _D), pl.ds(l, 1), pl.ds(bt * _BC, _BC)],
                sem[p]).wait()

        def per_l(l, carry):
            pltpu.sync_copy(tbl_hbm.at[pl.ds(l * _D * _V, _D * _V)], tbl_v)
            pltpu.sync_copy(xt_hbm.at[pl.ds(l * _B, _B)], xv)
            fill(0, 0)
            flush_start(l, 0, 0)
            fill(1, 1)
            flush_start(l, 1, 1)

            def pair(h, c):
                bt = 2 * h
                flush_wait(l, bt, 0)
                fill(bt + 2, 0)
                flush_start(l, bt + 2, 0)
                flush_wait(l, bt + 1, 1)
                fill(bt + 3, 1)
                flush_start(l, bt + 3, 1)
                return c

            lax.fori_loop(0, _NBT // 2 - 1, pair, 0)
            flush_wait(l, _NBT - 2, 0)
            flush_wait(l, _NBT - 1, 1)
            return carry

        lax.fori_loop(l_lo, l_hi, per_l, 0)

    return k(tbl, xt)


def kernel(x, token_table, ooba_table, pos_table):
    tbl = _build_table(token_table, ooba_table, pos_table).reshape(-1)
    xt = x.T.reshape(-1).astype(jnp.int32)
    out = _sc_lookup(tbl, xt)
    return out.transpose(2, 1, 0)

# --- scband reference (transcript-rebuilt; emitter-appended) ---
"""Pipeline reference for scband-token-and-position-embedding-28467043238389 (READ-ONLY COPY).

The authoritative reference and input builder live on the scoring server;
editing this copy changes nothing except your own understanding.
"""

import jax, jax.numpy as jnp
import numpy as np

BATCH = 4096
MAXLEN = 200
VOCAB = 32
EMBED_DIM = 128
OOBA_DIM = 1


def setup_inputs(seed: int = 0) -> dict:
    key = jax.random.key(seed)
    k1, k2, k3 = jax.random.split(key, 3)
    x = jax.random.randint(k1, (BATCH, MAXLEN), 0, VOCAB)
    token_table = jax.random.normal(k2, (VOCAB, EMBED_DIM), dtype=jnp.float32) * 0.05
    # oobatake matrix is initialized to zeros in the original code (frozen embedding)
    ooba_table = jnp.zeros((VOCAB, OOBA_DIM), dtype=jnp.float32)
    pos_table = jax.random.normal(k3, (MAXLEN, EMBED_DIM + OOBA_DIM), dtype=jnp.float32) * 0.05
    return {"x": x, "token_table": token_table, "ooba_table": ooba_table, "pos_table": pos_table}


def reference(x, token_table, ooba_table, pos_table):
    seq_len = x.shape[-1]
    positions = jnp.arange(0, seq_len, 1)
    pos = jnp.take(pos_table, positions, axis=0)            # [L, D+ooba]
    tok = jnp.take(token_table, x, axis=0)                   # [B, L, D]
    ooba = jnp.take(ooba_table, x, axis=0)                   # [B, L, ooba]
    out = jnp.concatenate([tok, ooba], axis=-1)              # [B, L, D+ooba]
    return out + pos

if __name__ == "__main__":
    import jax
    _d = setup_inputs()
    print(jax.jit(kernel)(*tuple(_d.values())))

</pallas_src>

<mosaic_0001>
#map = affine_map<(d0, d1) -> (0)>
#map1 = affine_map<(d0, d1) -> (0, 0, 0)>
module attributes {stable_mosaic.version = 14 : i64} {
  func.func @k(%arg0: i32, %arg1: i32, %arg2: memref<825600xf32, #tpu.memory_space<hbm>>, %arg3: memref<819200xi32, #tpu.memory_space<hbm>>, %arg4: memref<129x200x4096xf32, #tpu.memory_space<hbm>>, %arg5: memref<4128xf32, #tpu.memory_space<vmem>>, %arg6: memref<4096xi32, #tpu.memory_space<vmem>>, %arg7: memref<129x1x128xf32, #tpu.memory_space<vmem>>, %arg8: memref<129x1x128xf32, #tpu.memory_space<vmem>>, %arg9: memref<!tpu.dma_semaphore, #tpu.memory_space<semaphore_mem>>, %arg10: memref<!tpu.dma_semaphore, #tpu.memory_space<semaphore_mem>>) attributes {dimension_semantics = [#tpu.dimension_semantics<core_parallel>, #tpu.dimension_semantics<subcore_parallel>], iteration_bounds = array<i64: 2, 16>, scalar_prefetch = 0 : i64, scratch_operands = 6 : i64, tpu.core_type = #tpu.core_type<sc_vector_subcore>, window_params = [{transform_indices = #map}, {transform_indices = #map}, {transform_indices = #map1}]} {
    %mul3A = arith.constant 2 : i32
    %mul3A_0 = arith.muli %arg1, %mul3A : i32
    %add3A = arith.addi %mul3A_0, %arg0 : i32
    %mul3A_1 = arith.constant 6 : i32
    %mul3A_2 = arith.muli %add3A, %mul3A_1 : i32
    %min3A = arith.constant 8 : i32
    %min3A_3 = arith.minsi %add3A, %min3A : i32
    %add3A_4 = arith.addi %mul3A_2, %min3A_3 : i32
    %add3A_5 = arith.constant 6 : i32
    %add3A_6 = arith.addi %add3A_4, %add3A_5 : i32
    %lt3A = arith.constant 8 : i32
    %lt3A_7 = arith.cmpi slt, %add3A, %lt3A : i32
    %jit3A = arith.constant 1 : i32
    %jit3A_8 = arith.constant 0 : i32
    %select_n3A = arith.select %lt3A_7, %jit3A, %jit3A_8 : i32
    %add3A_9 = arith.addi %add3A_6, %select_n3A : i32
    %while3A = arith.constant 0 : i32
    %while3A_10 = arith.subi %add3A_9, %add3A_4 : i32
    %while3A_11 = arith.addi %add3A_4, %while3A_10 : i32
    %while3A_12 = arith.constant 1 : i32
    %while3A_13 = arith.divsi %while3A_10, %while3A_12 : i32
    %while3A_14 = arith.muli %while3A_13, %while3A_12 : i32
    %while3A_15 = arith.addi %add3A_4, %while3A_14 : i32
    %while3A_16 = arith.constant 1 : i32
    scf.for %while3A_18 = %add3A_4 to %while3A_15 step %while3A_16  : i32 {
      %mul3A_19 = arith.constant 129 : i32
      %mul3A_20 = arith.muli %while3A_18, %mul3A_19 : i32
      %mul3A_21 = arith.constant 32 : i32
      %mul3A_22 = arith.muli %mul3A_20, %mul3A_21 : i32
      "tpu.region"() ({
        %run_scoped3A = tpu.sem_alloc : memref<!tpu.dma_semaphore, #tpu.memory_space<semaphore_mem>>
        %dma_start3A_88 = tpu.memref_slice %arg2[%mul3A_22] : memref<825600xf32, #tpu.memory_space<hbm>> -> memref<4128xf32, #tpu.memory_space<hbm>>
        %dma_start3A_89 = tpu.memref_slice %arg2[%mul3A_22] : memref<825600xf32, #tpu.memory_space<hbm>> -> memref<4128xf32, #tpu.memory_space<hbm>>
        tpu.enqueue_dma source(%dma_start3A_89 : memref<4128xf32, #tpu.memory_space<hbm>>) target(%arg5 : memref<4128xf32, #tpu.memory_space<vmem>>) target_semaphore(%run_scoped3A : memref<!tpu.dma_semaphore, #tpu.memory_space<semaphore_mem>>)
        %dma_wait3A_90 = tpu.memref_slice %arg2[%mul3A_22] : memref<825600xf32, #tpu.memory_space<hbm>> -> memref<4128xf32, #tpu.memory_space<hbm>>
        %dma_wait3A_91 = tpu.memref_slice %arg2[%mul3A_22] : memref<825600xf32, #tpu.memory_space<hbm>> -> memref<4128xf32, #tpu.memory_space<hbm>>
        tpu.wait_dma2 semaphore(%run_scoped3A : memref<!tpu.dma_semaphore, #tpu.memory_space<semaphore_mem>>) src(%dma_wait3A_91 : memref<4128xf32, #tpu.memory_space<hbm>>) dst(%arg5 : memref<4128xf32, #tpu.memory_space<vmem>>)
        tpu.yield
      }) : () -> ()
      %mul3A_23 = arith.constant 4096 : i32
      %mul3A_24 = arith.muli %while3A_18, %mul3A_23 : i32
      "tpu.region"() ({
        %run_scoped3A = tpu.sem_alloc : memref<!tpu.dma_semaphore, #tpu.memory_space<semaphore_mem>>
        %dma_start3A_88 = tpu.memref_slice %arg3[%mul3A_24] : memref<819200xi32, #tpu.memory_space<hbm>> -> memref<4096xi32, #tpu.memory_space<hbm>>
        %dma_start3A_89 = tpu.memref_slice %arg3[%mul3A_24] : memref<819200xi32, #tpu.memory_space<hbm>> -> memref<4096xi32, #tpu.memory_space<hbm>>
        tpu.enqueue_dma source(%dma_start3A_89 : memref<4096xi32, #tpu.memory_space<hbm>>) target(%arg6 : memref<4096xi32, #tpu.memory_space<vmem>>) target_semaphore(%run_scoped3A : memref<!tpu.dma_semaphore, #tpu.memory_space<semaphore_mem>>)
        %dma_wait3A_90 = tpu.memref_slice %arg3[%mul3A_24] : memref<819200xi32, #tpu.memory_space<hbm>> -> memref<4096xi32, #tpu.memory_space<hbm>>
        %dma_wait3A_91 = tpu.memref_slice %arg3[%mul3A_24] : memref<819200xi32, #tpu.memory_space<hbm>> -> memref<4096xi32, #tpu.memory_space<hbm>>
        tpu.wait_dma2 semaphore(%run_scoped3A : memref<!tpu.dma_semaphore, #tpu.memory_space<semaphore_mem>>) src(%dma_wait3A_91 : memref<4096xi32, #tpu.memory_space<hbm>>) dst(%arg6 : memref<4096xi32, #tpu.memory_space<vmem>>)
        tpu.yield
      }) : () -> ()
      %get3A = arith.constant 0 : index
      %get3A_25 = tpu.vector_load %arg6[%get3A] {strides = array<i32>} : memref<4096xi32, #tpu.memory_space<vmem>>, vector<16xi32>,
      %get3A_26 = arith.constant 16 : index
      %get3A_27 = tpu.vector_load %arg6[%get3A_26] {strides = array<i32>} : memref<4096xi32, #tpu.memory_space<vmem>>, vector<16xi32>,
      %get3A_28 = arith.constant 32 : index
      %get3A_29 = tpu.vector_load %arg6[%get3A_28] {strides = array<i32>} : memref<4096xi32, #tpu.memory_space<vmem>>, vector<16xi32>,
      %get3A_30 = arith.constant 48 : index
      %get3A_31 = tpu.vector_load %arg6[%get3A_30] {strides = array<i32>} : memref<4096xi32, #tpu.memory_space<vmem>>, vector<16xi32>,
      %get3A_32 = arith.constant 64 : index
      %get3A_33 = tpu.vector_load %arg6[%get3A_32] {strides = array<i32>} : memref<4096xi32, #tpu.memory_space<vmem>>, vector<16xi32>,
      %get3A_34 = arith.constant 80 : index
      %get3A_35 = tpu.vector_load %arg6[%get3A_34] {strides = array<i32>} : memref<4096xi32, #tpu.memory_space<vmem>>, vector<16xi32>,
      %get3A_36 = arith.constant 96 : index
      %get3A_37 = tpu.vector_load %arg6[%get3A_36] {strides = array<i32>} : memref<4096xi32, #tpu.memory_space<vmem>>, vector<16xi32>,
      %get3A_38 = arith.constant 112 : index
      %get3A_39 = tpu.vector_load %arg6[%get3A_38] {strides = array<i32>} : memref<4096xi32, #tpu.memory_space<vmem>>, vector<16xi32>,
      %parallel_loop3A = arith.constant 0 : i32
      %parallel_loop3A_40 = arith.constant 129 : i32
      %parallel_loop3A_41 = arith.constant 1 : i32
      scf.for %parallel_loop3A_88 = %parallel_loop3A to %parallel_loop3A_40 step %parallel_loop3A_41  : i32 {
        %parallel_loop3A_89 = arith.constant 32 : i32
        %parallel_loop3A_90 = arith.muli %parallel_loop3A_88, %parallel_loop3A_89 : i32
        %parallel_loop3A_91 = vector.broadcast %parallel_loop3A_90 : i32 to vector<16xi32>
        %parallel_loop3A_92 = arith.addi %get3A_25, %parallel_loop3A_91 : vector<16xi32>
        %parallel_loop3A_93 = tpu.vector_load_idx %arg5[%parallel_loop3A_92] : memref<4128xf32, #tpu.memory_space<vmem>>[vector<16xi32>], vector<16xf32>,
        %parallel_loop3A_94 = arith.constant 0 : i32
        %parallel_loop3A_95 = arith.index_cast %parallel_loop3A_88 : i32 to index
        %parallel_loop3A_96 = arith.index_cast %parallel_loop3A_94 : i32 to index
        %parallel_loop3A_97 = arith.constant 0 : index
        %parallel_loop3A_98 = tpu.vector_load %arg7[%parallel_loop3A_95, %parallel_loop3A_96, %parallel_loop3A_97] {strides = array<i32>} : memref<129x1x128xf32, #tpu.memory_space<vmem>>, vector<16xf32>,
        tpu.vector_store %arg7[%parallel_loop3A_95, %parallel_loop3A_96, %parallel_loop3A_97], %parallel_loop3A_93 {strides = array<i32>} : memref<129x1x128xf32, #tpu.memory_space<vmem>>, vector<16xf32>,
        %parallel_loop3A_99 = arith.constant 32 : i32
        %parallel_loop3A_100 = arith.muli %parallel_loop3A_88, %parallel_loop3A_99 : i32
        %parallel_loop3A_101 = vector.broadcast %parallel_loop3A_100 : i32 to vector<16xi32>
        %parallel_loop3A_102 = arith.addi %get3A_27, %parallel_loop3A_101 : vector<16xi32>
        %parallel_loop3A_103 = tpu.vector_load_idx %arg5[%parallel_loop3A_102] : memref<4128xf32, #tpu.memory_space<vmem>>[vector<16xi32>], vector<16xf32>,
        %parallel_loop3A_104 = arith.constant 0 : i32
        %parallel_loop3A_105 = arith.index_cast %parallel_loop3A_88 : i32 to index
        %parallel_loop3A_106 = arith.index_cast %parallel_loop3A_104 : i32 to index
        %parallel_loop3A_107 = arith.constant 16 : index
        %parallel_loop3A_108 = tpu.vector_load %arg7[%parallel_loop3A_105, %parallel_loop3A_106, %parallel_loop3A_107] {strides = array<i32>} : memref<129x1x128xf32, #tpu.memory_space<vmem>>, vector<16xf32>,
        tpu.vector_store %arg7[%parallel_loop3A_105, %parallel_loop3A_106, %parallel_loop3A_107], %parallel_loop3A_103 {strides = array<i32>} : memref<129x1x128xf32, #tpu.memory_space<vmem>>, vector<16xf32>,
        %parallel_loop3A_109 = arith.constant 32 : i32
        %parallel_loop3A_110 = arith.muli %parallel_loop3A_88, %parallel_loop3A_109 : i32
        %parallel_loop3A_111 = vector.broadcast %parallel_loop3A_110 : i32 to vector<16xi32>
        %parallel_loop3A_112 = arith.addi %get3A_29, %parallel_loop3A_111 : vector<16xi32>
        %parallel_loop3A_113 = tpu.vector_load_idx %arg5[%parallel_loop3A_112] : memref<4128xf32, #tpu.memory_space<vmem>>[vector<16xi32>], vector<16xf32>,
        %parallel_loop3A_114 = arith.constant 0 : i32
        %parallel_loop3A_115 = arith.index_cast %parallel_loop3A_88 : i32 to index
        %parallel_loop3A_116 = arith.index_cast %parallel_loop3A_114 : i32 to index
        %parallel_loop3A_117 = arith.constant 32 : index
        %parallel_loop3A_118 = tpu.vector_load %arg7[%parallel_loop3A_115, %parallel_loop3A_116, %parallel_loop3A_117] {strides = array<i32>} : memref<129x1x128xf32, #tpu.memory_space<vmem>>, vector<16xf32>,
        tpu.vector_store %arg7[%parallel_loop3A_115, %parallel_loop3A_116, %parallel_loop3A_117], %parallel_loop3A_113 {strides = array<i32>} : memref<129x1x128xf32, #tpu.memory_space<vmem>>, vector<16xf32>,
        %parallel_loop3A_119 = arith.constant 32 : i32
        %parallel_loop3A_120 = arith.muli %parallel_loop3A_88, %parallel_loop3A_119 : i32
        %parallel_loop3A_121 = vector.broadcast %parallel_loop3A_120 : i32 to vector<16xi32>
        %parallel_loop3A_122 = arith.addi %get3A_31, %parallel_loop3A_121 : vector<16xi32>
        %parallel_loop3A_123 = tpu.vector_load_idx %arg5[%parallel_loop3A_122] : memref<4128xf32, #tpu.memory_space<vmem>>[vector<16xi32>], vector<16xf32>,
        %parallel_loop3A_124 = arith.constant 0 : i32
        %parallel_loop3A_125 = arith.index_cast %parallel_loop3A_88 : i32 to index
        %parallel_loop3A_126 = arith.index_cast %parallel_loop3A_124 : i32 to index
        %parallel_loop3A_127 = arith.constant 48 : index
        %parallel_loop3A_128 = tpu.vector_load %arg7[%parallel_loop3A_125, %parallel_loop3A_126, %parallel_loop3A_127] {strides = array<i32>} : memref<129x1x128xf32, #tpu.memory_space<vmem>>, vector<16xf32>,
        tpu.vector_store %arg7[%parallel_loop3A_125, %parallel_loop3A_126, %parallel_loop3A_127], %parallel_loop3A_123 {strides = array<i32>} : memref<129x1x128xf32, #tpu.memory_space<vmem>>, vector<16xf32>,
        %parallel_loop3A_129 = arith.constant 32 : i32
        %parallel_loop3A_130 = arith.muli %parallel_loop3A_88, %parallel_loop3A_129 : i32
        %parallel_loop3A_131 = vector.broadcast %parallel_loop3A_130 : i32 to vector<16xi32>
        %parallel_loop3A_132 = arith.addi %get3A_33, %parallel_loop3A_131 : vector<16xi32>
        %parallel_loop3A_133 = tpu.vector_load_idx %arg5[%parallel_loop3A_132] : memref<4128xf32, #tpu.memory_space<vmem>>[vector<16xi32>], vector<16xf32>,
        %parallel_loop3A_134 = arith.constant 0 : i32
        %parallel_loop3A_135 = arith.index_cast %parallel_loop3A_88 : i32 to index
        %parallel_loop3A_136 = arith.index_cast %parallel_loop3A_134 : i32 to index
        %parallel_loop3A_137 = arith.constant 64 : index
        %parallel_loop3A_138 = tpu.vector_load %arg7[%parallel_loop3A_135, %parallel_loop3A_136, %parallel_loop3A_137] {strides = array<i32>} : memref<129x1x128xf32, #tpu.memory_space<vmem>>, vector<16xf32>,
        tpu.vector_store %arg7[%parallel_loop3A_135, %parallel_loop3A_136, %parallel_loop3A_137], %parallel_loop3A_133 {strides = array<i32>} : memref<129x1x128xf32, #tpu.memory_space<vmem>>, vector<16xf32>,
        %parallel_loop3A_139 = arith.constant 32 : i32
        %parallel_loop3A_140 = arith.muli %parallel_loop3A_88, %parallel_loop3A_139 : i32
        %parallel_loop3A_141 = vector.broadcast %parallel_loop3A_140 : i32 to vector<16xi32>
        %parallel_loop3A_142 = arith.addi %get3A_35, %parallel_loop3A_141 : vector<16xi32>
        %parallel_loop3A_143 = tpu.vector_load_idx %arg5[%parallel_loop3A_142] : memref<4128xf32, #tpu.memory_space<vmem>>[vector<16xi32>], vector<16xf32>,
        %parallel_loop3A_144 = arith.constant 0 : i32
        %parallel_loop3A_145 = arith.index_cast %parallel_loop3A_88 : i32 to index
        %parallel_loop3A_146 = arith.index_cast %parallel_loop3A_144 : i32 to index
        %parallel_loop3A_147 = arith.constant 80 : index
        %parallel_loop3A_148 = tpu.vector_load %arg7[%parallel_loop3A_145, %parallel_loop3A_146, %parallel_loop3A_147] {strides = array<i32>} : memref<129x1x128xf32, #tpu.memory_space<vmem>>, vector<16xf32>,
        tpu.vector_store %arg7[%parallel_loop3A_145, %parallel_loop3A_146, %parallel_loop3A_147], %parallel_loop3A_143 {strides = array<i32>} : memref<129x1x128xf32, #tpu.memory_space<vmem>>, vector<16xf32>,
        %parallel_loop3A_149 = arith.constant 32 : i32
        %parallel_loop3A_150 = arith.muli %parallel_loop3A_88, %parallel_loop3A_149 : i32
        %parallel_loop3A_151 = vector.broadcast %parallel_loop3A_150 : i32 to vector<16xi32>
        %parallel_loop3A_152 = arith.addi %get3A_37, %parallel_loop3A_151 : vector<16xi32>
        %parallel_loop3A_153 = tpu.vector_load_idx %arg5[%parallel_loop3A_152] : memref<4128xf32, #tpu.memory_space<vmem>>[vector<16xi32>], vector<16xf32>,
        %parallel_loop3A_154 = arith.constant 0 : i32
        %parallel_loop3A_155 = arith.index_cast %parallel_loop3A_88 : i32 to index
        %parallel_loop3A_156 = arith.index_cast %parallel_loop3A_154 : i32 to index
        %parallel_loop3A_157 = arith.constant 96 : index
        %parallel_loop3A_158 = tpu.vector_load %arg7[%parallel_loop3A_155, %parallel_loop3A_156, %parallel_loop3A_157] {strides = array<i32>} : memref<129x1x128xf32, #tpu.memory_space<vmem>>, vector<16xf32>,
        tpu.vector_store %arg7[%parallel_loop3A_155, %parallel_loop3A_156, %parallel_loop3A_157], %parallel_loop3A_153 {strides = array<i32>} : memref<129x1x128xf32, #tpu.memory_space<vmem>>, vector<16xf32>,
        %parallel_loop3A_159 = arith.constant 32 : i32
        %parallel_loop3A_160 = arith.muli %parallel_loop3A_88, %parallel_loop3A_159 : i32
        %parallel_loop3A_161 = vector.broadcast %parallel_loop3A_160 : i32 to vector<16xi32>
        %parallel_loop3A_162 = arith.addi %get3A_39, %parallel_loop3A_161 : vector<16xi32>
        %parallel_loop3A_163 = tpu.vector_load_idx %arg5[%parallel_loop3A_162] : memref<4128xf32, #tpu.memory_space<vmem>>[vector<16xi32>], vector<16xf32>,
        %parallel_loop3A_164 = arith.constant 0 : i32
        %parallel_loop3A_165 = arith.index_cast %parallel_loop3A_88 : i32 to index
        %parallel_loop3A_166 = arith.index_cast %parallel_loop3A_164 : i32 to index
        %parallel_loop3A_167 = arith.constant 112 : index
        %parallel_loop3A_168 = tpu.vector_load %arg7[%parallel_loop3A_165, %parallel_loop3A_166, %parallel_loop3A_167] {strides = array<i32>} : memref<129x1x128xf32, #tpu.memory_space<vmem>>, vector<16xf32>,
        tpu.vector_store %arg7[%parallel_loop3A_165, %parallel_loop3A_166, %parallel_loop3A_167], %parallel_loop3A_163 {strides = array<i32>} : memref<129x1x128xf32, #tpu.memory_space<vmem>>, vector<16xf32>,
      } {sc.loop_unroll_factor = 8 : i64, sc.parallel_access}
      %dma_start3A = arith.constant 0 : i32
      %dma_start3A_42 = arith.constant 0 : i32
      %dma_start3A_43 = tpu.memref_slice %arg4[%dma_start3A, %while3A_18, %dma_start3A_42] : memref<129x200x4096xf32, #tpu.memory_space<hbm>> -> memref<129x1x128xf32, #tpu.memory_space<hbm>>
      %dma_start3A_44 = arith.constant 0 : i32
      %dma_start3A_45 = arith.constant 0 : i32
      %dma_start3A_46 = tpu.memref_slice %arg4[%dma_start3A_44, %while3A_18, %dma_start3A_45] : memref<129x200x4096xf32, #tpu.memory_space<hbm>> -> memref<129x1x128xf32, #tpu.memory_space<hbm>>
      tpu.enqueue_dma source(%arg7 : memref<129x1x128xf32, #tpu.memory_space<vmem>>) target(%dma_start3A_46 : memref<129x1x128xf32, #tpu.memory_space<hbm>>) target_semaphore(%arg9 : memref<!tpu.dma_semaphore, #tpu.memory_space<semaphore_mem>>)
      %get3A_47 = arith.constant 128 : index
      %get3A_48 = tpu.vector_load %arg6[%get3A_47] {strides = array<i32>} : memref<4096xi32, #tpu.memory_space<vmem>>, vector<16xi32>,
      %get3A_49 = arith.constant 144 : index
      %get3A_50 = tpu.vector_load %arg6[%get3A_49] {strides = array<i32>} : memref<4096xi32, #tpu.memory_space<vmem>>, vector<16xi32>,
      %get3A_51 = arith.constant 160 : index
      %get3A_52 = tpu.vector_load %arg6[%get3A_51] {strides = array<i32>} : memref<4096xi32, #tpu.memory_space<vmem>>, vector<16xi32>,
      %get3A_53 = arith.constant 176 : index
      %get3A_54 = tpu.vector_load %arg6[%get3A_53] {strides = array<i32>} : memref<4096xi32, #tpu.memory_space<vmem>>, vector<16xi32>,
      %get3A_55 = arith.constant 192 : index
      %get3A_56 = tpu.vector_load %arg6[%get3A_55] {strides = array<i32>} : memref<4096xi32, #tpu.memory_space<vmem>>, vector<16xi32>,
      %get3A_57 = arith.constant 208 : index
      %get3A_58 = tpu.vector_load %arg6[%get3A_57] {strides = array<i32>} : memref<4096xi32, #tpu.memory_space<vmem>>, vector<16xi32>,
      %get3A_59 = arith.constant 224 : index
      %get3A_60 = tpu.vector_load %arg6[%get3A_59] {strides = array<i32>} : memref<4096xi32, #tpu.memory_space<vmem>>, vector<16xi32>,
      %get3A_61 = arith.constant 240 : index
      %get3A_62 = tpu.vector_load %arg6[%get3A_61] {strides = array<i32>} : memref<4096xi32, #tpu.memory_space<vmem>>, vector<16xi32>,
      %parallel_loop3A_63 = arith.constant 0 : i32
      %parallel_loop3A_64 = arith.constant 129 : i32
      %parallel_loop3A_65 = arith.constant 1 : i32
      scf.for %parallel_loop3A_88 = %parallel_loop3A_63 to %parallel_loop3A_64 step %parallel_loop3A_65  : i32 {
        %parallel_loop3A_89 = arith.constant 32 : i32
        %parallel_loop3A_90 = arith.muli %parallel_loop3A_88, %parallel_loop3A_89 : i32
        %parallel_loop3A_91 = vector.broadcast %parallel_loop3A_90 : i32 to vector<16xi32>
        %parallel_loop3A_92 = arith.addi %get3A_48, %parallel_loop3A_91 : vector<16xi32>
        %parallel_loop3A_93 = tpu.vector_load_idx %arg5[%parallel_loop3A_92] : memref<4128xf32, #tpu.memory_space<vmem>>[vector<16xi32>], vector<16xf32>,
        %parallel_loop3A_94 = arith.constant 0 : i32
        %parallel_loop3A_95 = arith.index_cast %parallel_loop3A_88 : i32 to index
        %parallel_loop3A_96 = arith.index_cast %parallel_loop3A_94 : i32 to index
        %parallel_loop3A_97 = arith.constant 0 : index
        %parallel_loop3A_98 = tpu.vector_load %arg8[%parallel_loop3A_95, %parallel_loop3A_96, %parallel_loop3A_97] {strides = array<i32>} : memref<129x1x128xf32, #tpu.memory_space<vmem>>, vector<16xf32>,
        tpu.vector_store %arg8[%parallel_loop3A_95, %parallel_loop3A_96, %parallel_loop3A_97], %parallel_loop3A_93 {strides = array<i32>} : memref<129x1x128xf32, #tpu.memory_space<vmem>>, vector<16xf32>,
        %parallel_loop3A_99 = arith.constant 32 : i32
        %parallel_loop3A_100 = arith.muli %parallel_loop3A_88, %parallel_loop3A_99 : i32
        %parallel_loop3A_101 = vector.broadcast %parallel_loop3A_100 : i32 to vector<16xi32>
        %parallel_loop3A_102 = arith.addi %get3A_50, %parallel_loop3A_101 : vector<16xi32>
        %parallel_loop3A_103 = tpu.vector_load_idx %arg5[%parallel_loop3A_102] : memref<4128xf32, #tpu.memory_space<vmem>>[vector<16xi32>], vector<16xf32>,
        %parallel_loop3A_104 = arith.constant 0 : i32
        %parallel_loop3A_105 = arith.index_cast %parallel_loop3A_88 : i32 to index
        %parallel_loop3A_106 = arith.index_cast %parallel_loop3A_104 : i32 to index
        %parallel_loop3A_107 = arith.constant 16 : index
        %parallel_loop3A_108 = tpu.vector_load %arg8[%parallel_loop3A_105, %parallel_loop3A_106, %parallel_loop3A_107] {strides = array<i32>} : memref<129x1x128xf32, #tpu.memory_space<vmem>>, vector<16xf32>,
        tpu.vector_store %arg8[%parallel_loop3A_105, %parallel_loop3A_106, %parallel_loop3A_107], %parallel_loop3A_103 {strides = array<i32>} : memref<129x1x128xf32, #tpu.memory_space<vmem>>, vector<16xf32>,
        %parallel_loop3A_109 = arith.constant 32 : i32
        %parallel_loop3A_110 = arith.muli %parallel_loop3A_88, %parallel_loop3A_109 : i32
        %parallel_loop3A_111 = vector.broadcast %parallel_loop3A_110 : i32 to vector<16xi32>
        %parallel_loop3A_112 = arith.addi %get3A_52, %parallel_loop3A_111 : vector<16xi32>
        %parallel_loop3A_113 = tpu.vector_load_idx %arg5[%parallel_loop3A_112] : memref<4128xf32, #tpu.memory_space<vmem>>[vector<16xi32>], vector<16xf32>,
        %parallel_loop3A_114 = arith.constant 0 : i32
        %parallel_loop3A_115 = arith.index_cast %parallel_loop3A_88 : i32 to index
        %parallel_loop3A_116 = arith.index_cast %parallel_loop3A_114 : i32 to index
        %parallel_loop3A_117 = arith.constant 32 : index
        %parallel_loop3A_118 = tpu.vector_load %arg8[%parallel_loop3A_115, %parallel_loop3A_116, %parallel_loop3A_117] {strides = array<i32>} : memref<129x1x128xf32, #tpu.memory_space<vmem>>, vector<16xf32>,
        tpu.vector_store %arg8[%parallel_loop3A_115, %parallel_loop3A_116, %parallel_loop3A_117], %parallel_loop3A_113 {strides = array<i32>} : memref<129x1x128xf32, #tpu.memory_space<vmem>>, vector<16xf32>,
        %parallel_loop3A_119 = arith.constant 32 : i32
        %parallel_loop3A_120 = arith.muli %parallel_loop3A_88, %parallel_loop3A_119 : i32
        %parallel_loop3A_121 = vector.broadcast %parallel_loop3A_120 : i32 to vector<16xi32>
        %parallel_loop3A_122 = arith.addi %get3A_54, %parallel_loop3A_121 : vector<16xi32>
        %parallel_loop3A_123 = tpu.vector_load_idx %arg5[%parallel_loop3A_122] : memref<4128xf32, #tpu.memory_space<vmem>>[vector<16xi32>], vector<16xf32>,
        %parallel_loop3A_124 = arith.constant 0 : i32
        %parallel_loop3A_125 = arith.index_cast %parallel_loop3A_88 : i32 to index
        %parallel_loop3A_126 = arith.index_cast %parallel_loop3A_124 : i32 to index
        %parallel_loop3A_127 = arith.constant 48 : index
        %parallel_loop3A_128 = tpu.vector_load %arg8[%parallel_loop3A_125, %parallel_loop3A_126, %parallel_loop3A_127] {strides = array<i32>} : memref<129x1x128xf32, #tpu.memory_space<vmem>>, vector<16xf32>,
        tpu.vector_store %arg8[%parallel_loop3A_125, %parallel_loop3A_126, %parallel_loop3A_127], %parallel_loop3A_123 {strides = array<i32>} : memref<129x1x128xf32, #tpu.memory_space<vmem>>, vector<16xf32>,
        %parallel_loop3A_129 = arith.constant 32 : i32
        %parallel_loop3A_130 = arith.muli %parallel_loop3A_88, %parallel_loop3A_129 : i32
        %parallel_loop3A_131 = vector.broadcast %parallel_loop3A_130 : i32 to vector<16xi32>
        %parallel_loop3A_132 = arith.addi %get3A_56, %parallel_loop3A_131 : vector<16xi32>
        %parallel_loop3A_133 = tpu.vector_load_idx %arg5[%parallel_loop3A_132] : memref<4128xf32, #tpu.memory_space<vmem>>[vector<16xi32>], vector<16xf32>,
        %parallel_loop3A_134 = arith.constant 0 : i32
        %parallel_loop3A_135 = arith.index_cast %parallel_loop3A_88 : i32 to index
        %parallel_loop3A_136 = arith.index_cast %parallel_loop3A_134 : i32 to index
        %parallel_loop3A_137 = arith.constant 64 : index
        %parallel_loop3A_138 = tpu.vector_load %arg8[%parallel_loop3A_135, %parallel_loop3A_136, %parallel_loop3A_137] {strides = array<i32>} : memref<129x1x128xf32, #tpu.memory_space<vmem>>, vector<16xf32>,
        tpu.vector_store %arg8[%parallel_loop3A_135, %parallel_loop3A_136, %parallel_loop3A_137], %parallel_loop3A_133 {strides = array<i32>} : memref<129x1x128xf32, #tpu.memory_space<vmem>>, vector<16xf32>,
        %parallel_loop3A_139 = arith.constant 32 : i32
        %parallel_loop3A_140 = arith.muli %parallel_loop3A_88, %parallel_loop3A_139 : i32
        %parallel_loop3A_141 = vector.broadcast %parallel_loop3A_140 : i32 to vector<16xi32>
        %parallel_loop3A_142 = arith.addi %get3A_58, %parallel_loop3A_141 : vector<16xi32>
        %parallel_loop3A_143 = tpu.vector_load_idx %arg5[%parallel_loop3A_142] : memref<4128xf32, #tpu.memory_space<vmem>>[vector<16xi32>], vector<16xf32>,
        %parallel_loop3A_144 = arith.constant 0 : i32
        %parallel_loop3A_145 = arith.index_cast %parallel_loop3A_88 : i32 to index
        %parallel_loop3A_146 = arith.index_cast %parallel_loop3A_144 : i32 to index
        %parallel_loop3A_147 = arith.constant 80 : index
        %parallel_loop3A_148 = tpu.vector_load %arg8[%parallel_loop3A_145, %parallel_loop3A_146, %parallel_loop3A_147] {strides = array<i32>} : memref<129x1x128xf32, #tpu.memory_space<vmem>>, vector<16xf32>,
        tpu.vector_store %arg8[%parallel_loop3A_145, %parallel_loop3A_146, %parallel_loop3A_147], %parallel_loop3A_143 {strides = array<i32>} : memref<129x1x128xf32, #tpu.memory_space<vmem>>, vector<16xf32>,
        %parallel_loop3A_149 = arith.constant 32 : i32
        %parallel_loop3A_150 = arith.muli %parallel_loop3A_88, %parallel_loop3A_149 : i32
        %parallel_loop3A_151 = vector.broadcast %parallel_loop3A_150 : i32 to vector<16xi32>
        %parallel_loop3A_152 = arith.addi %get3A_60, %parallel_loop3A_151 : vector<16xi32>
        %parallel_loop3A_153 = tpu.vector_load_idx %arg5[%parallel_loop3A_152] : memref<4128xf32, #tpu.memory_space<vmem>>[vector<16xi32>], vector<16xf32>,
        %parallel_loop3A_154 = arith.constant 0 : i32
        %parallel_loop3A_155 = arith.index_cast %parallel_loop3A_88 : i32 to index
        %parallel_loop3A_156 = arith.index_cast %parallel_loop3A_154 : i32 to index
        %parallel_loop3A_157 = arith.constant 96 : index
        %parallel_loop3A_158 = tpu.vector_load %arg8[%parallel_loop3A_155, %parallel_loop3A_156, %parallel_loop3A_157] {strides = array<i32>} : memref<129x1x128xf32, #tpu.memory_space<vmem>>, vector<16xf32>,
        tpu.vector_store %arg8[%parallel_loop3A_155, %parallel_loop3A_156, %parallel_loop3A_157], %parallel_loop3A_153 {strides = array<i32>} : memref<129x1x128xf32, #tpu.memory_space<vmem>>, vector<16xf32>,
        %parallel_loop3A_159 = arith.constant 32 : i32
        %parallel_loop3A_160 = arith.muli %parallel_loop3A_88, %parallel_loop3A_159 : i32
        %parallel_loop3A_161 = vector.broadcast %parallel_loop3A_160 : i32 to vector<16xi32>
        %parallel_loop3A_162 = arith.addi %get3A_62, %parallel_loop3A_161 : vector<16xi32>
        %parallel_loop3A_163 = tpu.vector_load_idx %arg5[%parallel_loop3A_162] : memref<4128xf32, #tpu.memory_space<vmem>>[vector<16xi32>], vector<16xf32>,
        %parallel_loop3A_164 = arith.constant 0 : i32
        %parallel_loop3A_165 = arith.index_cast %parallel_loop3A_88 : i32 to index
        %parallel_loop3A_166 = arith.index_cast %parallel_loop3A_164 : i32 to index
        %parallel_loop3A_167 = arith.constant 112 : index
        %parallel_loop3A_168 = tpu.vector_load %arg8[%parallel_loop3A_165, %parallel_loop3A_166, %parallel_loop3A_167] {strides = array<i32>} : memref<129x1x128xf32, #tpu.memory_space<vmem>>, vector<16xf32>,
        tpu.vector_store %arg8[%parallel_loop3A_165, %parallel_loop3A_166, %parallel_loop3A_167], %parallel_loop3A_163 {strides = array<i32>} : memref<129x1x128xf32, #tpu.memory_space<vmem>>, vector<16xf32>,
      } {sc.loop_unroll_factor = 8 : i64, sc.parallel_access}
      %dma_start3A_66 = arith.constant 0 : i32
      %dma_start3A_67 = arith.constant 128 : i32
      %dma_start3A_68 = tpu.memref_slice %arg4[%dma_start3A_66, %while3A_18, %dma_start3A_67] : memref<129x200x4096xf32, #tpu.memory_space<hbm>> -> memref<129x1x128xf32, #tpu.memory_space<hbm>>
      %dma_start3A_69 = arith.constant 0 : i32
      %dma_start3A_70 = arith.constant 128 : i32
      %dma_start3A_71 = tpu.memref_slice %arg4[%dma_start3A_69, %while3A_18, %dma_start3A_70] : memref<129x200x4096xf32, #tpu.memory_space<hbm>> -> memref<129x1x128xf32, #tpu.memory_space<hbm>>
      tpu.enqueue_dma source(%arg8 : memref<129x1x128xf32, #tpu.memory_space<vmem>>) target(%dma_start3A_71 : memref<129x1x128xf32, #tpu.memory_space<hbm>>) target_semaphore(%arg10 : memref<!tpu.dma_semaphore, #tpu.memory_space<semaphore_mem>>)
      %scan3A = arith.constant 0 : i32
      %scan3A_72 = arith.constant 0 : i32
      %scan3A_73 = arith.constant 15 : i32
      %scan3A_74 = arith.addi %scan3A_72, %scan3A_73 : i32
      %scan3A_75 = arith.constant 1 : i32
      scf.for %scan3A_88 = %scan3A_72 to %scan3A_74 step %scan3A_75  : i32 {
        %mul3A_89 = arith.constant 2 : i32
        %mul3A_90 = arith.muli %mul3A_89, %scan3A_88 : i32
        %mul3A_91 = arith.constant 128 : i32
        %mul3A_92 = arith.muli %mul3A_90, %mul3A_91 : i32
        %dma_wait3A_93 = arith.constant 0 : i32
        %dma_wait3A_94 = tpu.memref_slice %arg4[%dma_wait3A_93, %while3A_18, %mul3A_92] : memref<129x200x4096xf32, #tpu.memory_space<hbm>> -> memref<129x1x128xf32, #tpu.memory_space<hbm>>
        %dma_wait3A_95 = arith.constant 0 : i32
        %dma_wait3A_96 = tpu.memref_slice %arg4[%dma_wait3A_95, %while3A_18, %mul3A_92] : memref<129x200x4096xf32, #tpu.memory_space<hbm>> -> memref<129x1x128xf32, #tpu.memory_space<hbm>>
        tpu.wait_dma2 semaphore(%arg9 : memref<!tpu.dma_semaphore, #tpu.memory_space<semaphore_mem>>) src(%arg7 : memref<129x1x128xf32, #tpu.memory_space<vmem>>) dst(%dma_wait3A_96 : memref<129x1x128xf32, #tpu.memory_space<hbm>>)
        %add3A_97 = arith.constant 2 : i32
        %add3A_98 = arith.addi %mul3A_90, %add3A_97 : i32
        %mul3A_99 = arith.constant 128 : i32
        %mul3A_100 = arith.muli %add3A_98, %mul3A_99 : i32
        %add3A_101 = arith.constant 0 : i32
        %add3A_102 = arith.addi %mul3A_100, %add3A_101 : i32
        %get3A_103 = arith.index_cast %add3A_102 : i32 to index
        %get3A_104 = tpu.vector_load %arg6[%get3A_103] {strides = array<i32>} : memref<4096xi32, #tpu.memory_space<vmem>>, vector<16xi32>,
        %mul3A_105 = arith.constant 128 : i32
        %mul3A_106 = arith.muli %add3A_98, %mul3A_105 : i32
        %add3A_107 = arith.constant 16 : i32
        %add3A_108 = arith.addi %mul3A_106, %add3A_107 : i32
        %get3A_109 = arith.index_cast %add3A_108 : i32 to index
        %get3A_110 = tpu.vector_load %arg6[%get3A_109] {strides = array<i32>} : memref<4096xi32, #tpu.memory_space<vmem>>, vector<16xi32>,
        %mul3A_111 = arith.constant 128 : i32
        %mul3A_112 = arith.muli %add3A_98, %mul3A_111 : i32
        %add3A_113 = arith.constant 32 : i32
        %add3A_114 = arith.addi %mul3A_112, %add3A_113 : i32
        %get3A_115 = arith.index_cast %add3A_114 : i32 to index
        %get3A_116 = tpu.vector_load %arg6[%get3A_115] {strides = array<i32>} : memref<4096xi32, #tpu.memory_space<vmem>>, vector<16xi32>,
        %mul3A_117 = arith.constant 128 : i32
        %mul3A_118 = arith.muli %add3A_98, %mul3A_117 : i32
        %add3A_119 = arith.constant 48 : i32
        %add3A_120 = arith.addi %mul3A_118, %add3A_119 : i32
        %get3A_121 = arith.index_cast %add3A_120 : i32 to index
        %get3A_122 = tpu.vector_load %arg6[%get3A_121] {strides = array<i32>} : memref<4096xi32, #tpu.memory_space<vmem>>, vector<16xi32>,
        %mul3A_123 = arith.constant 128 : i32
        %mul3A_124 = arith.muli %add3A_98, %mul3A_123 : i32
        %add3A_125 = arith.constant 64 : i32
        %add3A_126 = arith.addi %mul3A_124, %add3A_125 : i32
        %get3A_127 = arith.index_cast %add3A_126 : i32 to index
        %get3A_128 = tpu.vector_load %arg6[%get3A_127] {strides = array<i32>} : memref<4096xi32, #tpu.memory_space<vmem>>, vector<16xi32>,
        %mul3A_129 = arith.constant 128 : i32
        %mul3A_130 = arith.muli %add3A_98, %mul3A_129 : i32
        %add3A_131 = arith.constant 80 : i32
        %add3A_132 = arith.addi %mul3A_130, %add3A_131 : i32
        %get3A_133 = arith.index_cast %add3A_132 : i32 to index
        %get3A_134 = tpu.vector_load %arg6[%get3A_133] {strides = array<i32>} : memref<4096xi32, #tpu.memory_space<vmem>>, vector<16xi32>,
        %mul3A_135 = arith.constant 128 : i32
        %mul3A_136 = arith.muli %add3A_98, %mul3A_135 : i32
        %add3A_137 = arith.constant 96 : i32
        %add3A_138 = arith.addi %mul3A_136, %add3A_137 : i32
        %get3A_139 = arith.index_cast %add3A_138 : i32 to index
        %get3A_140 = tpu.vector_load %arg6[%get3A_139] {strides = array<i32>} : memref<4096xi32, #tpu.memory_space<vmem>>, vector<16xi32>,
        %mul3A_141 = arith.constant 128 : i32
        %mul3A_142 = arith.muli %add3A_98, %mul3A_141 : i32
        %add3A_143 = arith.constant 112 : i32
        %add3A_144 = arith.addi %mul3A_142, %add3A_143 : i32
        %get3A_145 = arith.index_cast %add3A_144 : i32 to index
        %get3A_146 = tpu.vector_load %arg6[%get3A_145] {strides = array<i32>} : memref<4096xi32, #tpu.memory_space<vmem>>, vector<16xi32>,
        %parallel_loop3A_147 = arith.constant 0 : i32
        %parallel_loop3A_148 = arith.constant 129 : i32
        %parallel_loop3A_149 = arith.constant 1 : i32
        scf.for %parallel_loop3A_227 = %parallel_loop3A_147 to %parallel_loop3A_148 step %parallel_loop3A_149  : i32 {
          %parallel_loop3A_228 = arith.constant 32 : i32
          %parallel_loop3A_229 = arith.muli %parallel_loop3A_227, %parallel_loop3A_228 : i32
          %parallel_loop3A_230 = vector.broadcast %parallel_loop3A_229 : i32 to vector<16xi32>
          %parallel_loop3A_231 = arith.addi %get3A_104, %parallel_loop3A_230 : vector<16xi32>
          %parallel_loop3A_232 = tpu.vector_load_idx %arg5[%parallel_loop3A_231] : memref<4128xf32, #tpu.memory_space<vmem>>[vector<16xi32>], vector<16xf32>,
          %parallel_loop3A_233 = arith.constant 0 : i32
          %parallel_loop3A_234 = arith.index_cast %parallel_loop3A_227 : i32 to index
          %parallel_loop3A_235 = arith.index_cast %parallel_loop3A_233 : i32 to index
          %parallel_loop3A_236 = arith.constant 0 : index
          %parallel_loop3A_237 = tpu.vector_load %arg7[%parallel_loop3A_234, %parallel_loop3A_235, %parallel_loop3A_236] {strides = array<i32>} : memref<129x1x128xf32, #tpu.memory_space<vmem>>, vector<16xf32>,
          tpu.vector_store %arg7[%parallel_loop3A_234, %parallel_loop3A_235, %parallel_loop3A_236], %parallel_loop3A_232 {strides = array<i32>} : memref<129x1x128xf32, #tpu.memory_space<vmem>>, vector<16xf32>,
          %parallel_loop3A_238 = arith.constant 32 : i32
          %parallel_loop3A_239 = arith.muli %parallel_loop3A_227, %parallel_loop3A_238 : i32
          %parallel_loop3A_240 = vector.broadcast %parallel_loop3A_239 : i32 to vector<16xi32>
          %parallel_loop3A_241 = arith.addi %get3A_110, %parallel_loop3A_240 : vector<16xi32>
          %parallel_loop3A_242 = tpu.vector_load_idx %arg5[%parallel_loop3A_241] : memref<4128xf32, #tpu.memory_space<vmem>>[vector<16xi32>], vector<16xf32>,
          %parallel_loop3A_243 = arith.constant 0 : i32
          %parallel_loop3A_244 = arith.index_cast %parallel_loop3A_227 : i32 to index
          %parallel_loop3A_245 = arith.index_cast %parallel_loop3A_243 : i32 to index
          %parallel_loop3A_246 = arith.constant 16 : index
          %parallel_loop3A_247 = tpu.vector_load %arg7[%parallel_loop3A_244, %parallel_loop3A_245, %parallel_loop3A_246] {strides = array<i32>} : memref<129x1x128xf32, #tpu.memory_space<vmem>>, vector<16xf32>,
          tpu.vector_store %arg7[%parallel_loop3A_244, %parallel_loop3A_245, %parallel_loop3A_246], %parallel_loop3A_242 {strides = array<i32>} : memref<129x1x128xf32, #tpu.memory_space<vmem>>, vector<16xf32>,
          %parallel_loop3A_248 = arith.constant 32 : i32
          %parallel_loop3A_249 = arith.muli %parallel_loop3A_227, %parallel_loop3A_248 : i32
          %parallel_loop3A_250 = vector.broadcast %parallel_loop3A_249 : i32 to vector<16xi32>
          %parallel_loop3A_251 = arith.addi %get3A_116, %parallel_loop3A_250 : vector<16xi32>
          %parallel_loop3A_252 = tpu.vector_load_idx %arg5[%parallel_loop3A_251] : memref<4128xf32, #tpu.memory_space<vmem>>[vector<16xi32>], vector<16xf32>,
          %parallel_loop3A_253 = arith.constant 0 : i32
          %parallel_loop3A_254 = arith.index_cast %parallel_loop3A_227 : i32 to index
          %parallel_loop3A_255 = arith.index_cast %parallel_loop3A_253 : i32 to index
          %parallel_loop3A_256 = arith.constant 32 : index
          %parallel_loop3A_257 = tpu.vector_load %arg7[%parallel_loop3A_254, %parallel_loop3A_255, %parallel_loop3A_256] {strides = array<i32>} : memref<129x1x128xf32, #tpu.memory_space<vmem>>, vector<16xf32>,
          tpu.vector_store %arg7[%parallel_loop3A_254, %parallel_loop3A_255, %parallel_loop3A_256], %parallel_loop3A_252 {strides = array<i32>} : memref<129x1x128xf32, #tpu.memory_space<vmem>>, vector<16xf32>,
          %parallel_loop3A_258 = arith.constant 32 : i32
          %parallel_loop3A_259 = arith.muli %parallel_loop3A_227, %parallel_loop3A_258 : i32
          %parallel_loop3A_260 = vector.broadcast %parallel_loop3A_259 : i32 to vector<16xi32>
          %parallel_loop3A_261 = arith.addi %get3A_122, %parallel_loop3A_260 : vector<16xi32>
          %parallel_loop3A_262 = tpu.vector_load_idx %arg5[%parallel_loop3A_261] : memref<4128xf32, #tpu.memory_space<vmem>>[vector<16xi32>], vector<16xf32>,
          %parallel_loop3A_263 = arith.constant 0 : i32
          %parallel_loop3A_264 = arith.index_cast %parallel_loop3A_227 : i32 to index
          %parallel_loop3A_265 = arith.index_cast %parallel_loop3A_263 : i32 to index
          %parallel_loop3A_266 = arith.constant 48 : index
          %parallel_loop3A_267 = tpu.vector_load %arg7[%parallel_loop3A_264, %parallel_loop3A_265, %parallel_loop3A_266] {strides = array<i32>} : memref<129x1x128xf32, #tpu.memory_space<vmem>>, vector<16xf32>,
          tpu.vector_store %arg7[%parallel_loop3A_264, %parallel_loop3A_265, %parallel_loop3A_266], %parallel_loop3A_262 {strides = array<i32>} : memref<129x1x128xf32, #tpu.memory_space<vmem>>, vector<16xf32>,
          %parallel_loop3A_268 = arith.constant 32 : i32
          %parallel_loop3A_269 = arith.muli %parallel_loop3A_227, %parallel_loop3A_268 : i32
          %parallel_loop3A_270 = vector.broadcast %parallel_loop3A_269 : i32 to vector<16xi32>
          %parallel_loop3A_271 = arith.addi %get3A_128, %parallel_loop3A_270 : vector<16xi32>
          %parallel_loop3A_272 = tpu.vector_load_idx %arg5[%parallel_loop3A_271] : memref<4128xf32, #tpu.memory_space<vmem>>[vector<16xi32>], vector<16xf32>,
          %parallel_loop3A_273 = arith.constant 0 : i32
          %parallel_loop3A_274 = arith.index_cast %parallel_loop3A_227 : i32 to index
          %parallel_loop3A_275 = arith.index_cast %parallel_loop3A_273 : i32 to index
          %parallel_loop3A_276 = arith.constant 64 : index
          %parallel_loop3A_277 = tpu.vector_load %arg7[%parallel_loop3A_274, %parallel_loop3A_275, %parallel_loop3A_276] {strides = array<i32>} : memref<129x1x128xf32, #tpu.memory_space<vmem>>, vector<16xf32>,
          tpu.vector_store %arg7[%parallel_loop3A_274, %parallel_loop3A_275, %parallel_loop3A_276], %parallel_loop3A_272 {strides = array<i32>} : memref<129x1x128xf32, #tpu.memory_space<vmem>>, vector<16xf32>,
          %parallel_loop3A_278 = arith.constant 32 : i32
          %parallel_loop3A_279 = arith.muli %parallel_loop3A_227, %parallel_loop3A_278 : i32
          %parallel_loop3A_280 = vector.broadcast %parallel_loop3A_279 : i32 to vector<16xi32>
          %parallel_loop3A_281 = arith.addi %get3A_134, %parallel_loop3A_280 : vector<16xi32>
          %parallel_loop3A_282 = tpu.vector_load_idx %arg5[%parallel_loop3A_281] : memref<4128xf32, #tpu.memory_space<vmem>>[vector<16xi32>], vector<16xf32>,
          %parallel_loop3A_283 = arith.constant 0 : i32
          %parallel_loop3A_284 = arith.index_cast %parallel_loop3A_227 : i32 to index
          %parallel_loop3A_285 = arith.index_cast %parallel_loop3A_283 : i32 to index
          %parallel_loop3A_286 = arith.constant 80 : index
          %parallel_loop3A_287 = tpu.vector_load %arg7[%parallel_loop3A_284, %parallel_loop3A_285, %parallel_loop3A_286] {strides = array<i32>} : memref<129x1x128xf32, #tpu.memory_space<vmem>>, vector<16xf32>,
          tpu.vector_store %arg7[%parallel_loop3A_284, %parallel_loop3A_285, %parallel_loop3A_286], %parallel_loop3A_282 {strides = array<i32>} : memref<129x1x128xf32, #tpu.memory_space<vmem>>, vector<16xf32>,
          %parallel_loop3A_288 = arith.constant 32 : i32
          %parallel_loop3A_289 = arith.muli %parallel_loop3A_227, %parallel_loop3A_288 : i32
          %parallel_loop3A_290 = vector.broadcast %parallel_loop3A_289 : i32 to vector<16xi32>
          %parallel_loop3A_291 = arith.addi %get3A_140, %parallel_loop3A_290 : vector<16xi32>
          %parallel_loop3A_292 = tpu.vector_load_idx %arg5[%parallel_loop3A_291] : memref<4128xf32, #tpu.memory_space<vmem>>[vector<16xi32>], vector<16xf32>,
          %parallel_loop3A_293 = arith.constant 0 : i32
          %parallel_loop3A_294 = arith.index_cast %parallel_loop3A_227 : i32 to index
          %parallel_loop3A_295 = arith.index_cast %parallel_loop3A_293 : i32 to index
          %parallel_loop3A_296 = arith.constant 96 : index
          %parallel_loop3A_297 = tpu.vector_load %arg7[%parallel_loop3A_294, %parallel_loop3A_295, %parallel_loop3A_296] {strides = array<i32>} : memref<129x1x128xf32, #tpu.memory_space<vmem>>, vector<16xf32>,
          tpu.vector_store %arg7[%parallel_loop3A_294, %parallel_loop3A_295, %parallel_loop3A_296], %parallel_loop3A_292 {strides = array<i32>} : memref<129x1x128xf32, #tpu.memory_space<vmem>>, vector<16xf32>,
          %parallel_loop3A_298 = arith.constant 32 : i32
          %parallel_loop3A_299 = arith.muli %parallel_loop3A_227, %parallel_loop3A_298 : i32
          %parallel_loop3A_300 = vector.broadcast %parallel_loop3A_299 : i32 to vector<16xi32>
          %parallel_loop3A_301 = arith.addi %get3A_146, %parallel_loop3A_300 : vector<16xi32>
          %parallel_loop3A_302 = tpu.vector_load_idx %arg5[%parallel_loop3A_301] : memref<4128xf32, #tpu.memory_space<vmem>>[vector<16xi32>], vector<16xf32>,
          %parallel_loop3A_303 = arith.constant 0 : i32
          %parallel_loop3A_304 = arith.index_cast %parallel_loop3A_227 : i32 to index
          %parallel_loop3A_305 = arith.index_cast %parallel_loop3A_303 : i32 to index
          %parallel_loop3A_306 = arith.constant 112 : index
          %parallel_loop3A_307 = tpu.vector_load %arg7[%parallel_loop3A_304, %parallel_loop3A_305, %parallel_loop3A_306] {strides = array<i32>} : memref<129x1x128xf32, #tpu.memory_space<vmem>>, vector<16xf32>,
          tpu.vector_store %arg7[%parallel_loop3A_304, %parallel_loop3A_305, %parallel_loop3A_306], %parallel_loop3A_302 {strides = array<i32>} : memref<129x1x128xf32, #tpu.memory_space<vmem>>, vector<16xf32>,
        } {sc.loop_unroll_factor = 8 : i64, sc.parallel_access}
        %add3A_150 = arith.constant 2 : i32
        %add3A_151 = arith.addi %mul3A_90, %add3A_150 : i32
        %mul3A_152 = arith.constant 128 : i32
        %mul3A_153 = arith.muli %add3A_151, %mul3A_152 : i32
        %dma_start3A_154 = arith.constant 0 : i32
        %dma_start3A_155 = tpu.memref_slice %arg4[%dma_start3A_154, %while3A_18, %mul3A_153] : memref<129x200x4096xf32, #tpu.memory_space<hbm>> -> memref<129x1x128xf32, #tpu.memory_space<hbm>>
        %dma_start3A_156 = arith.constant 0 : i32
        %dma_start3A_157 = tpu.memref_slice %arg4[%dma_start3A_156, %while3A_18, %mul3A_153] : memref<129x200x4096xf32, #tpu.memory_space<hbm>> -> memref<129x1x128xf32, #tpu.memory_space<hbm>>
        tpu.enqueue_dma source(%arg7 : memref<129x1x128xf32, #tpu.memory_space<vmem>>) target(%dma_start3A_157 : memref<129x1x128xf32, #tpu.memory_space<hbm>>) target_semaphore(%arg9 : memref<!tpu.dma_semaphore, #tpu.memory_space<semaphore_mem>>)
        %add3A_158 = arith.constant 1 : i32
        %add3A_159 = arith.addi %mul3A_90, %add3A_158 : i32
        %mul3A_160 = arith.constant 128 : i32
        %mul3A_161 = arith.muli %add3A_159, %mul3A_160 : i32
        %dma_wait3A_162 = arith.constant 0 : i32
        %dma_wait3A_163 = tpu.memref_slice %arg4[%dma_wait3A_162, %while3A_18, %mul3A_161] : memref<129x200x4096xf32, #tpu.memory_space<hbm>> -> memref<129x1x128xf32, #tpu.memory_space<hbm>>
        %dma_wait3A_164 = arith.constant 0 : i32
        %dma_wait3A_165 = tpu.memref_slice %arg4[%dma_wait3A_164, %while3A_18, %mul3A_161] : memref<129x200x4096xf32, #tpu.memory_space<hbm>> -> memref<129x1x128xf32, #tpu.memory_space<hbm>>
        tpu.wait_dma2 semaphore(%arg10 : memref<!tpu.dma_semaphore, #tpu.memory_space<semaphore_mem>>) src(%arg8 : memref<129x1x128xf32, #tpu.memory_space<vmem>>) dst(%dma_wait3A_165 : memref<129x1x128xf32, #tpu.memory_space<hbm>>)
        %add3A_166 = arith.constant 3 : i32
        %add3A_167 = arith.addi %mul3A_90, %add3A_166 : i32
        %mul3A_168 = arith.constant 128 : i32
        %mul3A_169 = arith.muli %add3A_167, %mul3A_168 : i32
        %add3A_170 = arith.constant 0 : i32
        %add3A_171 = arith.addi %mul3A_169, %add3A_170 : i32
        %get3A_172 = arith.index_cast %add3A_171 : i32 to index
        %get3A_173 = tpu.vector_load %arg6[%get3A_172] {strides = array<i32>} : memref<4096xi32, #tpu.memory_space<vmem>>, vector<16xi32>,
        %mul3A_174 = arith.constant 128 : i32
        %mul3A_175 = arith.muli %add3A_167, %mul3A_174 : i32
        %add3A_176 = arith.constant 16 : i32
        %add3A_177 = arith.addi %mul3A_175, %add3A_176 : i32
        %get3A_178 = arith.index_cast %add3A_177 : i32 to index
        %get3A_179 = tpu.vector_load %arg6[%get3A_178] {strides = array<i32>} : memref<4096xi32, #tpu.memory_space<vmem>>, vector<16xi32>,
        %mul3A_180 = arith.constant 128 : i32
        %mul3A_181 = arith.muli %add3A_167, %mul3A_180 : i32
        %add3A_182 = arith.constant 32 : i32
        %add3A_183 = arith.addi %mul3A_181, %add3A_182 : i32
        %get3A_184 = arith.index_cast %add3A_183 : i32 to index
        %get3A_185 = tpu.vector_load %arg6[%get3A_184] {strides = array<i32>} : memref<4096xi32, #tpu.memory_space<vmem>>, vector<16xi32>,
        %mul3A_186 = arith.constant 128 : i32
        %mul3A_187 = arith.muli %add3A_167, %mul3A_186 : i32
        %add3A_188 = arith.constant 48 : i32
        %add3A_189 = arith.addi %mul3A_187, %add3A_188 : i32
        %get3A_190 = arith.index_cast %add3A_189 : i32 to index
        %get3A_191 = tpu.vector_load %arg6[%get3A_190] {strides = array<i32>} : memref<4096xi32, #tpu.memory_space<vmem>>, vector<16xi32>,
        %mul3A_192 = arith.constant 128 : i32
        %mul3A_193 = arith.muli %add3A_167, %mul3A_192 : i32
        %add3A_194 = arith.constant 64 : i32
        %add3A_195 = arith.addi %mul3A_193, %add3A_194 : i32
        %get3A_196 = arith.index_cast %add3A_195 : i32 to index
        %get3A_197 = tpu.vector_load %arg6[%get3A_196] {strides = array<i32>} : memref<4096xi32, #tpu.memory_space<vmem>>, vector<16xi32>,
        %mul3A_198 = arith.constant 128 : i32
        %mul3A_199 = arith.muli %add3A_167, %mul3A_198 : i32
        %add3A_200 = arith.constant 80 : i32
        %add3A_201 = arith.addi %mul3A_199, %add3A_200 : i32
        %get3A_202 = arith.index_cast %add3A_201 : i32 to index
        %get3A_203 = tpu.vector_load %arg6[%get3A_202] {strides = array<i32>} : memref<4096xi32, #tpu.memory_space<vmem>>, vector<16xi32>,
        %mul3A_204 = arith.constant 128 : i32
        %mul3A_205 = arith.muli %add3A_167, %mul3A_204 : i32
        %add3A_206 = arith.constant 96 : i32
        %add3A_207 = arith.addi %mul3A_205, %add3A_206 : i32
        %get3A_208 = arith.index_cast %add3A_207 : i32 to index
        %get3A_209 = tpu.vector_load %arg6[%get3A_208] {strides = array<i32>} : memref<4096xi32, #tpu.memory_space<vmem>>, vector<16xi32>,
        %mul3A_210 = arith.constant 128 : i32
        %mul3A_211 = arith.muli %add3A_167, %mul3A_210 : i32
        %add3A_212 = arith.constant 112 : i32
        %add3A_213 = arith.addi %mul3A_211, %add3A_212 : i32
        %get3A_214 = arith.index_cast %add3A_213 : i32 to index
        %get3A_215 = tpu.vector_load %arg6[%get3A_214] {strides = array<i32>} : memref<4096xi32, #tpu.memory_space<vmem>>, vector<16xi32>,
        %parallel_loop3A_216 = arith.constant 0 : i32
        %parallel_loop3A_217 = arith.constant 129 : i32
        %parallel_loop3A_218 = arith.constant 1 : i32
        scf.for %parallel_loop3A_227 = %parallel_loop3A_216 to %parallel_loop3A_217 step %parallel_loop3A_218  : i32 {
          %parallel_loop3A_228 = arith.constant 32 : i32
          %parallel_loop3A_229 = arith.muli %parallel_loop3A_227, %parallel_loop3A_228 : i32
          %parallel_loop3A_230 = vector.broadcast %parallel_loop3A_229 : i32 to vector<16xi32>
          %parallel_loop3A_231 = arith.addi %get3A_173, %parallel_loop3A_230 : vector<16xi32>
          %parallel_loop3A_232 = tpu.vector_load_idx %arg5[%parallel_loop3A_231] : memref<4128xf32, #tpu.memory_space<vmem>>[vector<16xi32>], vector<16xf32>,
          %parallel_loop3A_233 = arith.constant 0 : i32
          %parallel_loop3A_234 = arith.index_cast %parallel_loop3A_227 : i32 to index
          %parallel_loop3A_235 = arith.index_cast %parallel_loop3A_233 : i32 to index
          %parallel_loop3A_236 = arith.constant 0 : index
          %parallel_loop3A_237 = tpu.vector_load %arg8[%parallel_loop3A_234, %parallel_loop3A_235, %parallel_loop3A_236] {strides = array<i32>} : memref<129x1x128xf32, #tpu.memory_space<vmem>>, vector<16xf32>,
          tpu.vector_store %arg8[%parallel_loop3A_234, %parallel_loop3A_235, %parallel_loop3A_236], %parallel_loop3A_232 {strides = array<i32>} : memref<129x1x128xf32, #tpu.memory_space<vmem>>, vector<16xf32>,
          %parallel_loop3A_238 = arith.constant 32 : i32
          %parallel_loop3A_239 = arith.muli %parallel_loop3A_227, %parallel_loop3A_238 : i32
          %parallel_loop3A_240 = vector.broadcast %parallel_loop3A_239 : i32 to vector<16xi32>
          %parallel_loop3A_241 = arith.addi %get3A_179, %parallel_loop3A_240 : vector<16xi32>
          %parallel_loop3A_242 = tpu.vector_load_idx %arg5[%parallel_loop3A_241] : memref<4128xf32, #tpu.memory_space<vmem>>[vector<16xi32>], vector<16xf32>,
          %parallel_loop3A_243 = arith.constant 0 : i32
          %parallel_loop3A_244 = arith.index_cast %parallel_loop3A_227 : i32 to index
          %parallel_loop3A_245 = arith.index_cast %parallel_loop3A_243 : i32 to index
          %parallel_loop3A_246 = arith.constant 16 : index
          %parallel_loop3A_247 = tpu.vector_load %arg8[%parallel_loop3A_244, %parallel_loop3A_245, %parallel_loop3A_246] {strides = array<i32>} : memref<129x1x128xf32, #tpu.memory_space<vmem>>, vector<16xf32>,
          tpu.vector_store %arg8[%parallel_loop3A_244, %parallel_loop3A_245, %parallel_loop3A_246], %parallel_loop3A_242 {strides = array<i32>} : memref<129x1x128xf32, #tpu.memory_space<vmem>>, vector<16xf32>,
          %parallel_loop3A_248 = arith.constant 32 : i32
          %parallel_loop3A_249 = arith.muli %parallel_loop3A_227, %parallel_loop3A_248 : i32
          %parallel_loop3A_250 = vector.broadcast %parallel_loop3A_249 : i32 to vector<16xi32>
          %parallel_loop3A_251 = arith.addi %get3A_185, %parallel_loop3A_250 : vector<16xi32>
          %parallel_loop3A_252 = tpu.vector_load_idx %arg5[%parallel_loop3A_251] : memref<4128xf32, #tpu.memory_space<vmem>>[vector<16xi32>], vector<16xf32>,
          %parallel_loop3A_253 = arith.constant 0 : i32
          %parallel_loop3A_254 = arith.index_cast %parallel_loop3A_227 : i32 to index
          %parallel_loop3A_255 = arith.index_cast %parallel_loop3A_253 : i32 to index
          %parallel_loop3A_256 = arith.constant 32 : index
          %parallel_loop3A_257 = tpu.vector_load %arg8[%parallel_loop3A_254, %parallel_loop3A_255, %parallel_loop3A_256] {strides = array<i32>} : memref<129x1x128xf32, #tpu.memory_space<vmem>>, vector<16xf32>,
          tpu.vector_store %arg8[%parallel_loop3A_254, %parallel_loop3A_255, %parallel_loop3A_256], %parallel_loop3A_252 {strides = array<i32>} : memref<129x1x128xf32, #tpu.memory_space<vmem>>, vector<16xf32>,
          %parallel_loop3A_258 = arith.constant 32 : i32
          %parallel_loop3A_259 = arith.muli %parallel_loop3A_227, %parallel_loop3A_258 : i32
          %parallel_loop3A_260 = vector.broadcast %parallel_loop3A_259 : i32 to vector<16xi32>
          %parallel_loop3A_261 = arith.addi %get3A_191, %parallel_loop3A_260 : vector<16xi32>
          %parallel_loop3A_262 = tpu.vector_load_idx %arg5[%parallel_loop3A_261] : memref<4128xf32, #tpu.memory_space<vmem>>[vector<16xi32>], vector<16xf32>,
          %parallel_loop3A_263 = arith.constant 0 : i32
          %parallel_loop3A_264 = arith.index_cast %parallel_loop3A_227 : i32 to index
          %parallel_loop3A_265 = arith.index_cast %parallel_loop3A_263 : i32 to index
          %parallel_loop3A_266 = arith.constant 48 : index
          %parallel_loop3A_267 = tpu.vector_load %arg8[%parallel_loop3A_264, %parallel_loop3A_265, %parallel_loop3A_266] {strides = array<i32>} : memref<129x1x128xf32, #tpu.memory_space<vmem>>, vector<16xf32>,
          tpu.vector_store %arg8[%parallel_loop3A_264, %parallel_loop3A_265, %parallel_loop3A_266], %parallel_loop3A_262 {strides = array<i32>} : memref<129x1x128xf32, #tpu.memory_space<vmem>>, vector<16xf32>,
          %parallel_loop3A_268 = arith.constant 32 : i32
          %parallel_loop3A_269 = arith.muli %parallel_loop3A_227, %parallel_loop3A_268 : i32
          %parallel_loop3A_270 = vector.broadcast %parallel_loop3A_269 : i32 to vector<16xi32>
          %parallel_loop3A_271 = arith.addi %get3A_197, %parallel_loop3A_270 : vector<16xi32>
          %parallel_loop3A_272 = tpu.vector_load_idx %arg5[%parallel_loop3A_271] : memref<4128xf32, #tpu.memory_space<vmem>>[vector<16xi32>], vector<16xf32>,
          %parallel_loop3A_273 = arith.constant 0 : i32
          %parallel_loop3A_274 = arith.index_cast %parallel_loop3A_227 : i32 to index
          %parallel_loop3A_275 = arith.index_cast %parallel_loop3A_273 : i32 to index
          %parallel_loop3A_276 = arith.constant 64 : index
          %parallel_loop3A_277 = tpu.vector_load %arg8[%parallel_loop3A_274, %parallel_loop3A_275, %parallel_loop3A_276] {strides = array<i32>} : memref<129x1x128xf32, #tpu.memory_space<vmem>>, vector<16xf32>,
          tpu.vector_store %arg8[%parallel_loop3A_274, %parallel_loop3A_275, %parallel_loop3A_276], %parallel_loop3A_272 {strides = array<i32>} : memref<129x1x128xf32, #tpu.memory_space<vmem>>, vector<16xf32>,
          %parallel_loop3A_278 = arith.constant 32 : i32
          %parallel_loop3A_279 = arith.muli %parallel_loop3A_227, %parallel_loop3A_278 : i32
          %parallel_loop3A_280 = vector.broadcast %parallel_loop3A_279 : i32 to vector<16xi32>
          %parallel_loop3A_281 = arith.addi %get3A_203, %parallel_loop3A_280 : vector<16xi32>
          %parallel_loop3A_282 = tpu.vector_load_idx %arg5[%parallel_loop3A_281] : memref<4128xf32, #tpu.memory_space<vmem>>[vector<16xi32>], vector<16xf32>,
          %parallel_loop3A_283 = arith.constant 0 : i32
          %parallel_loop3A_284 = arith.index_cast %parallel_loop3A_227 : i32 to index
          %parallel_loop3A_285 = arith.index_cast %parallel_loop3A_283 : i32 to index
          %parallel_loop3A_286 = arith.constant 80 : index
          %parallel_loop3A_287 = tpu.vector_load %arg8[%parallel_loop3A_284, %parallel_loop3A_285, %parallel_loop3A_286] {strides = array<i32>} : memref<129x1x128xf32, #tpu.memory_space<vmem>>, vector<16xf32>,
          tpu.vector_store %arg8[%parallel_loop3A_284, %parallel_loop3A_285, %parallel_loop3A_286], %parallel_loop3A_282 {strides = array<i32>} : memref<129x1x128xf32, #tpu.memory_space<vmem>>, vector<16xf32>,
          %parallel_loop3A_288 = arith.constant 32 : i32
          %parallel_loop3A_289 = arith.muli %parallel_loop3A_227, %parallel_loop3A_288 : i32
          %parallel_loop3A_290 = vector.broadcast %parallel_loop3A_289 : i32 to vector<16xi32>
          %parallel_loop3A_291 = arith.addi %get3A_209, %parallel_loop3A_290 : vector<16xi32>
          %parallel_loop3A_292 = tpu.vector_load_idx %arg5[%parallel_loop3A_291] : memref<4128xf32, #tpu.memory_space<vmem>>[vector<16xi32>], vector<16xf32>,
          %parallel_loop3A_293 = arith.constant 0 : i32
          %parallel_loop3A_294 = arith.index_cast %parallel_loop3A_227 : i32 to index
          %parallel_loop3A_295 = arith.index_cast %parallel_loop3A_293 : i32 to index
          %parallel_loop3A_296 = arith.constant 96 : index
          %parallel_loop3A_297 = tpu.vector_load %arg8[%parallel_loop3A_294, %parallel_loop3A_295, %parallel_loop3A_296] {strides = array<i32>} : memref<129x1x128xf32, #tpu.memory_space<vmem>>, vector<16xf32>,
          tpu.vector_store %arg8[%parallel_loop3A_294, %parallel_loop3A_295, %parallel_loop3A_296], %parallel_loop3A_292 {strides = array<i32>} : memref<129x1x128xf32, #tpu.memory_space<vmem>>, vector<16xf32>,
          %parallel_loop3A_298 = arith.constant 32 : i32
          %parallel_loop3A_299 = arith.muli %parallel_loop3A_227, %parallel_loop3A_298 : i32
          %parallel_loop3A_300 = vector.broadcast %parallel_loop3A_299 : i32 to vector<16xi32>
          %parallel_loop3A_301 = arith.addi %get3A_215, %parallel_loop3A_300 : vector<16xi32>
          %parallel_loop3A_302 = tpu.vector_load_idx %arg5[%parallel_loop3A_301] : memref<4128xf32, #tpu.memory_space<vmem>>[vector<16xi32>], vector<16xf32>,
          %parallel_loop3A_303 = arith.constant 0 : i32
          %parallel_loop3A_304 = arith.index_cast %parallel_loop3A_227 : i32 to index
          %parallel_loop3A_305 = arith.index_cast %parallel_loop3A_303 : i32 to index
          %parallel_loop3A_306 = arith.constant 112 : index
          %parallel_loop3A_307 = tpu.vector_load %arg8[%parallel_loop3A_304, %parallel_loop3A_305, %parallel_loop3A_306] {strides = array<i32>} : memref<129x1x128xf32, #tpu.memory_space<vmem>>, vector<16xf32>,
          tpu.vector_store %arg8[%parallel_loop3A_304, %parallel_loop3A_305, %parallel_loop3A_306], %parallel_loop3A_302 {strides = array<i32>} : memref<129x1x128xf32, #tpu.memory_space<vmem>>, vector<16xf32>,
        } {sc.loop_unroll_factor = 8 : i64, sc.parallel_access}
        %add3A_219 = arith.constant 3 : i32
        %add3A_220 = arith.addi %mul3A_90, %add3A_219 : i32
        %mul3A_221 = arith.constant 128 : i32
        %mul3A_222 = arith.muli %add3A_220, %mul3A_221 : i32
        %dma_start3A_223 = arith.constant 0 : i32
        %dma_start3A_224 = tpu.memref_slice %arg4[%dma_start3A_223, %while3A_18, %mul3A_222] : memref<129x200x4096xf32, #tpu.memory_space<hbm>> -> memref<129x1x128xf32, #tpu.memory_space<hbm>>
        %dma_start3A_225 = arith.constant 0 : i32
        %dma_start3A_226 = tpu.memref_slice %arg4[%dma_start3A_225, %while3A_18, %mul3A_222] : memref<129x200x4096xf32, #tpu.memory_space<hbm>> -> memref<129x1x128xf32, #tpu.memory_space<hbm>>
        tpu.enqueue_dma source(%arg8 : memref<129x1x128xf32, #tpu.memory_space<vmem>>) target(%dma_start3A_226 : memref<129x1x128xf32, #tpu.memory_space<hbm>>) target_semaphore(%arg10 : memref<!tpu.dma_semaphore, #tpu.memory_space<semaphore_mem>>)
      }
      %scan3A_76 = arith.constant 15 : i32
      %dma_wait3A = arith.constant 0 : i32
      %dma_wait3A_77 = arith.constant 3840 : i32
      %dma_wait3A_78 = tpu.memref_slice %arg4[%dma_wait3A, %while3A_18, %dma_wait3A_77] : memref<129x200x4096xf32, #tpu.memory_space<hbm>> -> memref<129x1x128xf32, #tpu.memory_space<hbm>>
      %dma_wait3A_79 = arith.constant 0 : i32
      %dma_wait3A_80 = arith.constant 3840 : i32
      %dma_wait3A_81 = tpu.memref_slice %arg4[%dma_wait3A_79, %while3A_18, %dma_wait3A_80] : memref<129x200x4096xf32, #tpu.memory_space<hbm>> -> memref<129x1x128xf32, #tpu.memory_space<hbm>>
      tpu.wait_dma2 semaphore(%arg9 : memref<!tpu.dma_semaphore, #tpu.memory_space<semaphore_mem>>) src(%arg7 : memref<129x1x128xf32, #tpu.memory_space<vmem>>) dst(%dma_wait3A_81 : memref<129x1x128xf32, #tpu.memory_space<hbm>>)
      %dma_wait3A_82 = arith.constant 0 : i32
      %dma_wait3A_83 = arith.constant 3968 : i32
      %dma_wait3A_84 = tpu.memref_slice %arg4[%dma_wait3A_82, %while3A_18, %dma_wait3A_83] : memref<129x200x4096xf32, #tpu.memory_space<hbm>> -> memref<129x1x128xf32, #tpu.memory_space<hbm>>
      %dma_wait3A_85 = arith.constant 0 : i32
      %dma_wait3A_86 = arith.constant 3968 : i32
      %dma_wait3A_87 = tpu.memref_slice %arg4[%dma_wait3A_85, %while3A_18, %dma_wait3A_86] : memref<129x200x4096xf32, #tpu.memory_space<hbm>> -> memref<129x1x128xf32, #tpu.memory_space<hbm>>
      tpu.wait_dma2 semaphore(%arg10 : memref<!tpu.dma_semaphore, #tpu.memory_space<semaphore_mem>>) src(%arg8 : memref<129x1x128xf32, #tpu.memory_space<vmem>>) dst(%dma_wait3A_87 : memref<129x1x128xf32, #tpu.memory_space<hbm>>)
    }
    %while3A_17 = arith.constant 1 : i32
    scf.for %while3A_18 = %while3A_15 to %while3A_11 step %while3A_17  : i32 {
      %mul3A_19 = arith.constant 129 : i32
      %mul3A_20 = arith.muli %while3A_18, %mul3A_19 : i32
      %mul3A_21 = arith.constant 32 : i32
      %mul3A_22 = arith.muli %mul3A_20, %mul3A_21 : i32
      "tpu.region"() ({
        %run_scoped3A = tpu.sem_alloc : memref<!tpu.dma_semaphore, #tpu.memory_space<semaphore_mem>>
        %dma_start3A_88 = tpu.memref_slice %arg2[%mul3A_22] : memref<825600xf32, #tpu.memory_space<hbm>> -> memref<4128xf32, #tpu.memory_space<hbm>>
        %dma_start3A_89 = tpu.memref_slice %arg2[%mul3A_22] : memref<825600xf32, #tpu.memory_space<hbm>> -> memref<4128xf32, #tpu.memory_space<hbm>>
        tpu.enqueue_dma source(%dma_start3A_89 : memref<4128xf32, #tpu.memory_space<hbm>>) target(%arg5 : memref<4128xf32, #tpu.memory_space<vmem>>) target_semaphore(%run_scoped3A : memref<!tpu.dma_semaphore, #tpu.memory_space<semaphore_mem>>)
        %dma_wait3A_90 = tpu.memref_slice %arg2[%mul3A_22] : memref<825600xf32, #tpu.memory_space<hbm>> -> memref<4128xf32, #tpu.memory_space<hbm>>
        %dma_wait3A_91 = tpu.memref_slice %arg2[%mul3A_22] : memref<825600xf32, #tpu.memory_space<hbm>> -> memref<4128xf32, #tpu.memory_space<hbm>>
        tpu.wait_dma2 semaphore(%run_scoped3A : memref<!tpu.dma_semaphore, #tpu.memory_space<semaphore_mem>>) src(%dma_wait3A_91 : memref<4128xf32, #tpu.memory_space<hbm>>) dst(%arg5 : memref<4128xf32, #tpu.memory_space<vmem>>)
        tpu.yield
      }) : () -> ()
      %mul3A_23 = arith.constant 4096 : i32
      %mul3A_24 = arith.muli %while3A_18, %mul3A_23 : i32
      "tpu.region"() ({
        %run_scoped3A = tpu.sem_alloc : memref<!tpu.dma_semaphore, #tpu.memory_space<semaphore_mem>>
        %dma_start3A_88 = tpu.memref_slice %arg3[%mul3A_24] : memref<819200xi32, #tpu.memory_space<hbm>> -> memref<4096xi32, #tpu.memory_space<hbm>>
        %dma_start3A_89 = tpu.memref_slice %arg3[%mul3A_24] : memref<819200xi32, #tpu.memory_space<hbm>> -> memref<4096xi32, #tpu.memory_space<hbm>>
        tpu.enqueue_dma source(%dma_start3A_89 : memref<4096xi32, #tpu.memory_space<hbm>>) target(%arg6 : memref<4096xi32, #tpu.memory_space<vmem>>) target_semaphore(%run_scoped3A : memref<!tpu.dma_semaphore, #tpu.memory_space<semaphore_mem>>)
        %dma_wait3A_90 = tpu.memref_slice %arg3[%mul3A_24] : memref<819200xi32, #tpu.memory_space<hbm>> -> memref<4096xi32, #tpu.memory_space<hbm>>
        %dma_wait3A_91 = tpu.memref_slice %arg3[%mul3A_24] : memref<819200xi32, #tpu.memory_space<hbm>> -> memref<4096xi32, #tpu.memory_space<hbm>>
        tpu.wait_dma2 semaphore(%run_scoped3A : memref<!tpu.dma_semaphore, #tpu.memory_space<semaphore_mem>>) src(%dma_wait3A_91 : memref<4096xi32, #tpu.memory_space<hbm>>) dst(%arg6 : memref<4096xi32, #tpu.memory_space<vmem>>)
        tpu.yield
      }) : () -> ()
      %get3A = arith.constant 0 : index
      %get3A_25 = tpu.vector_load %arg6[%get3A] {strides = array<i32>} : memref<4096xi32, #tpu.memory_space<vmem>>, vector<16xi32>,
      %get3A_26 = arith.constant 16 : index
      %get3A_27 = tpu.vector_load %arg6[%get3A_26] {strides = array<i32>} : memref<4096xi32, #tpu.memory_space<vmem>>, vector<16xi32>,
      %get3A_28 = arith.constant 32 : index
      %get3A_29 = tpu.vector_load %arg6[%get3A_28] {strides = array<i32>} : memref<4096xi32, #tpu.memory_space<vmem>>, vector<16xi32>,
      %get3A_30 = arith.constant 48 : index
      %get3A_31 = tpu.vector_load %arg6[%get3A_30] {strides = array<i32>} : memref<4096xi32, #tpu.memory_space<vmem>>, vector<16xi32>,
      %get3A_32 = arith.constant 64 : index
      %get3A_33 = tpu.vector_load %arg6[%get3A_32] {strides = array<i32>} : memref<4096xi32, #tpu.memory_space<vmem>>, vector<16xi32>,
      %get3A_34 = arith.constant 80 : index
      %get3A_35 = tpu.vector_load %arg6[%get3A_34] {strides = array<i32>} : memref<4096xi32, #tpu.memory_space<vmem>>, vector<16xi32>,
      %get3A_36 = arith.constant 96 : index
      %get3A_37 = tpu.vector_load %arg6[%get3A_36] {strides = array<i32>} : memref<4096xi32, #tpu.memory_space<vmem>>, vector<16xi32>,
      %get3A_38 = arith.constant 112 : index
      %get3A_39 = tpu.vector_load %arg6[%get3A_38] {strides = array<i32>} : memref<4096xi32, #tpu.memory_space<vmem>>, vector<16xi32>,
      %parallel_loop3A = arith.constant 0 : i32
      %parallel_loop3A_40 = arith.constant 129 : i32
      %parallel_loop3A_41 = arith.constant 1 : i32
      scf.for %parallel_loop3A_88 = %parallel_loop3A to %parallel_loop3A_40 step %parallel_loop3A_41  : i32 {
        %parallel_loop3A_89 = arith.constant 32 : i32
        %parallel_loop3A_90 = arith.muli %parallel_loop3A_88, %parallel_loop3A_89 : i32
        %parallel_loop3A_91 = vector.broadcast %parallel_loop3A_90 : i32 to vector<16xi32>
        %parallel_loop3A_92 = arith.addi %get3A_25, %parallel_loop3A_91 : vector<16xi32>
        %parallel_loop3A_93 = tpu.vector_load_idx %arg5[%parallel_loop3A_92] : memref<4128xf32, #tpu.memory_space<vmem>>[vector<16xi32>], vector<16xf32>,
        %parallel_loop3A_94 = arith.constant 0 : i32
        %parallel_loop3A_95 = arith.index_cast %parallel_loop3A_88 : i32 to index
        %parallel_loop3A_96 = arith.index_cast %parallel_loop3A_94 : i32 to index
        %parallel_loop3A_97 = arith.constant 0 : index
        %parallel_loop3A_98 = tpu.vector_load %arg7[%parallel_loop3A_95, %parallel_loop3A_96, %parallel_loop3A_97] {strides = array<i32>} : memref<129x1x128xf32, #tpu.memory_space<vmem>>, vector<16xf32>,
        tpu.vector_store %arg7[%parallel_loop3A_95, %parallel_loop3A_96, %parallel_loop3A_97], %parallel_loop3A_93 {strides = array<i32>} : memref<129x1x128xf32, #tpu.memory_space<vmem>>, vector<16xf32>,
        %parallel_loop3A_99 = arith.constant 32 : i32
        %parallel_loop3A_100 = arith.muli %parallel_loop3A_88, %parallel_loop3A_99 : i32
        %parallel_loop3A_101 = vector.broadcast %parallel_loop3A_100 : i32 to vector<16xi32>
        %parallel_loop3A_102 = arith.addi %get3A_27, %parallel_loop3A_101 : vector<16xi32>
        %parallel_loop3A_103 = tpu.vector_load_idx %arg5[%parallel_loop3A_102] : memref<4128xf32, #tpu.memory_space<vmem>>[vector<16xi32>], vector<16xf32>,
        %parallel_loop3A_104 = arith.constant 0 : i32
        %parallel_loop3A_105 = arith.index_cast %parallel_loop3A_88 : i32 to index
        %parallel_loop3A_106 = arith.index_cast %parallel_loop3A_104 : i32 to index
        %parallel_loop3A_107 = arith.constant 16 : index
        %parallel_loop3A_108 = tpu.vector_load %arg7[%parallel_loop3A_105, %parallel_loop3A_106, %parallel_loop3A_107] {strides = array<i32>} : memref<129x1x128xf32, #tpu.memory_space<vmem>>, vector<16xf32>,
        tpu.vector_store %arg7[%parallel_loop3A_105, %parallel_loop3A_106, %parallel_loop3A_107], %parallel_loop3A_103 {strides = array<i32>} : memref<129x1x128xf32, #tpu.memory_space<vmem>>, vector<16xf32>,
        %parallel_loop3A_109 = arith.constant 32 : i32
        %parallel_loop3A_110 = arith.muli %parallel_loop3A_88, %parallel_loop3A_109 : i32
        %parallel_loop3A_111 = vector.broadcast %parallel_loop3A_110 : i32 to vector<16xi32>
        %parallel_loop3A_112 = arith.addi %get3A_29, %parallel_loop3A_111 : vector<16xi32>
        %parallel_loop3A_113 = tpu.vector_load_idx %arg5[%parallel_loop3A_112] : memref<4128xf32, #tpu.memory_space<vmem>>[vector<16xi32>], vector<16xf32>,
        %parallel_loop3A_114 = arith.constant 0 : i32
        %parallel_loop3A_115 = arith.index_cast %parallel_loop3A_88 : i32 to index
        %parallel_loop3A_116 = arith.index_cast %parallel_loop3A_114 : i32 to index
        %parallel_loop3A_117 = arith.constant 32 : index
        %parallel_loop3A_118 = tpu.vector_load %arg7[%parallel_loop3A_115, %parallel_loop3A_116, %parallel_loop3A_117] {strides = array<i32>} : memref<129x1x128xf32, #tpu.memory_space<vmem>>, vector<16xf32>,
        tpu.vector_store %arg7[%parallel_loop3A_115, %parallel_loop3A_116, %parallel_loop3A_117], %parallel_loop3A_113 {strides = array<i32>} : memref<129x1x128xf32, #tpu.memory_space<vmem>>, vector<16xf32>,
        %parallel_loop3A_119 = arith.constant 32 : i32
        %parallel_loop3A_120 = arith.muli %parallel_loop3A_88, %parallel_loop3A_119 : i32
        %parallel_loop3A_121 = vector.broadcast %parallel_loop3A_120 : i32 to vector<16xi32>
        %parallel_loop3A_122 = arith.addi %get3A_31, %parallel_loop3A_121 : vector<16xi32>
        %parallel_loop3A_123 = tpu.vector_load_idx %arg5[%parallel_loop3A_122] : memref<4128xf32, #tpu.memory_space<vmem>>[vector<16xi32>], vector<16xf32>,
        %parallel_loop3A_124 = arith.constant 0 : i32
        %parallel_loop3A_125 = arith.index_cast %parallel_loop3A_88 : i32 to index
        %parallel_loop3A_126 = arith.index_cast %parallel_loop3A_124 : i32 to index
        %parallel_loop3A_127 = arith.constant 48 : index
        %parallel_loop3A_128 = tpu.vector_load %arg7[%parallel_loop3A_125, %parallel_loop3A_126, %parallel_loop3A_127] {strides = array<i32>} : memref<129x1x128xf32, #tpu.memory_space<vmem>>, vector<16xf32>,
        tpu.vector_store %arg7[%parallel_loop3A_125, %parallel_loop3A_126, %parallel_loop3A_127], %parallel_loop3A_123 {strides = array<i32>} : memref<129x1x128xf32, #tpu.memory_space<vmem>>, vector<16xf32>,
        %parallel_loop3A_129 = arith.constant 32 : i32
        %parallel_loop3A_130 = arith.muli %parallel_loop3A_88, %parallel_loop3A_129 : i32
        %parallel_loop3A_131 = vector.broadcast %parallel_loop3A_130 : i32 to vector<16xi32>
        %parallel_loop3A_132 = arith.addi %get3A_33, %parallel_loop3A_131 : vector<16xi32>
        %parallel_loop3A_133 = tpu.vector_load_idx %arg5[%parallel_loop3A_132] : memref<4128xf32, #tpu.memory_space<vmem>>[vector<16xi32>], vector<16xf32>,
        %parallel_loop3A_134 = arith.constant 0 : i32
        %parallel_loop3A_135 = arith.index_cast %parallel_loop3A_88 : i32 to index
        %parallel_loop3A_136 = arith.index_cast %parallel_loop3A_134 : i32 to index
        %parallel_loop3A_137 = arith.constant 64 : index
        %parallel_loop3A_138 = tpu.vector_load %arg7[%parallel_loop3A_135, %parallel_loop3A_136, %parallel_loop3A_137] {strides = array<i32>} : memref<129x1x128xf32, #tpu.memory_space<vmem>>, vector<16xf32>,
        tpu.vector_store %arg7[%parallel_loop3A_135, %parallel_loop3A_136, %parallel_loop3A_137], %parallel_loop3A_133 {strides = array<i32>} : memref<129x1x128xf32, #tpu.memory_space<vmem>>, vector<16xf32>,
        %parallel_loop3A_139 = arith.constant 32 : i32
        %parallel_loop3A_140 = arith.muli %parallel_loop3A_88, %parallel_loop3A_139 : i32
        %parallel_loop3A_141 = vector.broadcast %parallel_loop3A_140 : i32 to vector<16xi32>
        %parallel_loop3A_142 = arith.addi %get3A_35, %parallel_loop3A_141 : vector<16xi32>
        %parallel_loop3A_143 = tpu.vector_load_idx %arg5[%parallel_loop3A_142] : memref<4128xf32, #tpu.memory_space<vmem>>[vector<16xi32>], vector<16xf32>,
        %parallel_loop3A_144 = arith.constant 0 : i32
        %parallel_loop3A_145 = arith.index_cast %parallel_loop3A_88 : i32 to index
        %parallel_loop3A_146 = arith.index_cast %parallel_loop3A_144 : i32 to index
        %parallel_loop3A_147 = arith.constant 80 : index
        %parallel_loop3A_148 = tpu.vector_load %arg7[%parallel_loop3A_145, %parallel_loop3A_146, %parallel_loop3A_147] {strides = array<i32>} : memref<129x1x128xf32, #tpu.memory_space<vmem>>, vector<16xf32>,
        tpu.vector_store %arg7[%parallel_loop3A_145, %parallel_loop3A_146, %parallel_loop3A_147], %parallel_loop3A_143 {strides = array<i32>} : memref<129x1x128xf32, #tpu.memory_space<vmem>>, vector<16xf32>,
        %parallel_loop3A_149 = arith.constant 32 : i32
        %parallel_loop3A_150 = arith.muli %parallel_loop3A_88, %parallel_loop3A_149 : i32
        %parallel_loop3A_151 = vector.broadcast %parallel_loop3A_150 : i32 to vector<16xi32>
        %parallel_loop3A_152 = arith.addi %get3A_37, %parallel_loop3A_151 : vector<16xi32>
        %parallel_loop3A_153 = tpu.vector_load_idx %arg5[%parallel_loop3A_152] : memref<4128xf32, #tpu.memory_space<vmem>>[vector<16xi32>], vector<16xf32>,
        %parallel_loop3A_154 = arith.constant 0 : i32
        %parallel_loop3A_155 = arith.index_cast %parallel_loop3A_88 : i32 to index
        %parallel_loop3A_156 = arith.index_cast %parallel_loop3A_154 : i32 to index
        %parallel_loop3A_157 = arith.constant 96 : index
        %parallel_loop3A_158 = tpu.vector_load %arg7[%parallel_loop3A_155, %parallel_loop3A_156, %parallel_loop3A_157] {strides = array<i32>} : memref<129x1x128xf32, #tpu.memory_space<vmem>>, vector<16xf32>,
        tpu.vector_store %arg7[%parallel_loop3A_155, %parallel_loop3A_156, %parallel_loop3A_157], %parallel_loop3A_153 {strides = array<i32>} : memref<129x1x128xf32, #tpu.memory_space<vmem>>, vector<16xf32>,
        %parallel_loop3A_159 = arith.constant 32 : i32
        %parallel_loop3A_160 = arith.muli %parallel_loop3A_88, %parallel_loop3A_159 : i32
        %parallel_loop3A_161 = vector.broadcast %parallel_loop3A_160 : i32 to vector<16xi32>
        %parallel_loop3A_162 = arith.addi %get3A_39, %parallel_loop3A_161 : vector<16xi32>
        %parallel_loop3A_163 = tpu.vector_load_idx %arg5[%parallel_loop3A_162] : memref<4128xf32, #tpu.memory_space<vmem>>[vector<16xi32>], vector<16xf32>,
        %parallel_loop3A_164 = arith.constant 0 : i32
        %parallel_loop3A_165 = arith.index_cast %parallel_loop3A_88 : i32 to index
        %parallel_loop3A_166 = arith.index_cast %parallel_loop3A_164 : i32 to index
        %parallel_loop3A_167 = arith.constant 112 : index
        %parallel_loop3A_168 = tpu.vector_load %arg7[%parallel_loop3A_165, %parallel_loop3A_166, %parallel_loop3A_167] {strides = array<i32>} : memref<129x1x128xf32, #tpu.memory_space<vmem>>, vector<16xf32>,
        tpu.vector_store %arg7[%parallel_loop3A_165, %parallel_loop3A_166, %parallel_loop3A_167], %parallel_loop3A_163 {strides = array<i32>} : memref<129x1x128xf32, #tpu.memory_space<vmem>>, vector<16xf32>,
      } {sc.loop_unroll_factor = 8 : i64, sc.parallel_access}
      %dma_start3A = arith.constant 0 : i32
      %dma_start3A_42 = arith.constant 0 : i32
      %dma_start3A_43 = tpu.memref_slice %arg4[%dma_start3A, %while3A_18, %dma_start3A_42] : memref<129x200x4096xf32, #tpu.memory_space<hbm>> -> memref<129x1x128xf32, #tpu.memory_space<hbm>>
      %dma_start3A_44 = arith.constant 0 : i32
      %dma_start3A_45 = arith.constant 0 : i32
      %dma_start3A_46 = tpu.memref_slice %arg4[%dma_start3A_44, %while3A_18, %dma_start3A_45] : memref<129x200x4096xf32, #tpu.memory_space<hbm>> -> memref<129x1x128xf32, #tpu.memory_space<hbm>>
      tpu.enqueue_dma source(%arg7 : memref<129x1x128xf32, #tpu.memory_space<vmem>>) target(%dma_start3A_46 : memref<129x1x128xf32, #tpu.memory_space<hbm>>) target_semaphore(%arg9 : memref<!tpu.dma_semaphore, #tpu.memory_space<semaphore_mem>>)
      %get3A_47 = arith.constant 128 : index
      %get3A_48 = tpu.vector_load %arg6[%get3A_47] {strides = array<i32>} : memref<4096xi32, #tpu.memory_space<vmem>>, vector<16xi32>,
      %get3A_49 = arith.constant 144 : index
      %get3A_50 = tpu.vector_load %arg6[%get3A_49] {strides = array<i32>} : memref<4096xi32, #tpu.memory_space<vmem>>, vector<16xi32>,
      %get3A_51 = arith.constant 160 : index
      %get3A_52 = tpu.vector_load %arg6[%get3A_51] {strides = array<i32>} : memref<4096xi32, #tpu.memory_space<vmem>>, vector<16xi32>,
      %get3A_53 = arith.constant 176 : index
      %get3A_54 = tpu.vector_load %arg6[%get3A_53] {strides = array<i32>} : memref<4096xi32, #tpu.memory_space<vmem>>, vector<16xi32>,
      %get3A_55 = arith.constant 192 : index
      %get3A_56 = tpu.vector_load %arg6[%get3A_55] {strides = array<i32>} : memref<4096xi32, #tpu.memory_space<vmem>>, vector<16xi32>,
      %get3A_57 = arith.constant 208 : index
      %get3A_58 = tpu.vector_load %arg6[%get3A_57] {strides = array<i32>} : memref<4096xi32, #tpu.memory_space<vmem>>, vector<16xi32>,
      %get3A_59 = arith.constant 224 : index
      %get3A_60 = tpu.vector_load %arg6[%get3A_59] {strides = array<i32>} : memref<4096xi32, #tpu.memory_space<vmem>>, vector<16xi32>,
      %get3A_61 = arith.constant 240 : index
      %get3A_62 = tpu.vector_load %arg6[%get3A_61] {strides = array<i32>} : memref<4096xi32, #tpu.memory_space<vmem>>, vector<16xi32>,
      %parallel_loop3A_63 = arith.constant 0 : i32
      %parallel_loop3A_64 = arith.constant 129 : i32
      %parallel_loop3A_65 = arith.constant 1 : i32
      scf.for %parallel_loop3A_88 = %parallel_loop3A_63 to %parallel_loop3A_64 step %parallel_loop3A_65  : i32 {
        %parallel_loop3A_89 = arith.constant 32 : i32
        %parallel_loop3A_90 = arith.muli %parallel_loop3A_88, %parallel_loop3A_89 : i32
        %parallel_loop3A_91 = vector.broadcast %parallel_loop3A_90 : i32 to vector<16xi32>
        %parallel_loop3A_92 = arith.addi %get3A_48, %parallel_loop3A_91 : vector<16xi32>
        %parallel_loop3A_93 = tpu.vector_load_idx %arg5[%parallel_loop3A_92] : memref<4128xf32, #tpu.memory_space<vmem>>[vector<16xi32>], vector<16xf32>,
        %parallel_loop3A_94 = arith.constant 0 : i32
        %parallel_loop3A_95 = arith.index_cast %parallel_loop3A_88 : i32 to index
        %parallel_loop3A_96 = arith.index_cast %parallel_loop3A_94 : i32 to index
        %parallel_loop3A_97 = arith.constant 0 : index
        %parallel_loop3A_98 = tpu.vector_load %arg8[%parallel_loop3A_95, %parallel_loop3A_96, %parallel_loop3A_97] {strides = array<i32>} : memref<129x1x128xf32, #tpu.memory_space<vmem>>, vector<16xf32>,
        tpu.vector_store %arg8[%parallel_loop3A_95, %parallel_loop3A_96, %parallel_loop3A_97], %parallel_loop3A_93 {strides = array<i32>} : memref<129x1x128xf32, #tpu.memory_space<vmem>>, vector<16xf32>,
        %parallel_loop3A_99 = arith.constant 32 : i32
        %parallel_loop3A_100 = arith.muli %parallel_loop3A_88, %parallel_loop3A_99 : i32
        %parallel_loop3A_101 = vector.broadcast %parallel_loop3A_100 : i32 to vector<16xi32>
        %parallel_loop3A_102 = arith.addi %get3A_50, %parallel_loop3A_101 : vector<16xi32>
        %parallel_loop3A_103 = tpu.vector_load_idx %arg5[%parallel_loop3A_102] : memref<4128xf32, #tpu.memory_space<vmem>>[vector<16xi32>], vector<16xf32>,
        %parallel_loop3A_104 = arith.constant 0 : i32
        %parallel_loop3A_105 = arith.index_cast %parallel_loop3A_88 : i32 to index
        %parallel_loop3A_106 = arith.index_cast %parallel_loop3A_104 : i32 to index
        %parallel_loop3A_107 = arith.constant 16 : index
        %parallel_loop3A_108 = tpu.vector_load %arg8[%parallel_loop3A_105, %parallel_loop3A_106, %parallel_loop3A_107] {strides = array<i32>} : memref<129x1x128xf32, #tpu.memory_space<vmem>>, vector<16xf32>,
        tpu.vector_store %arg8[%parallel_loop3A_105, %parallel_loop3A_106, %parallel_loop3A_107], %parallel_loop3A_103 {strides = array<i32>} : memref<129x1x128xf32, #tpu.memory_space<vmem>>, vector<16xf32>,
        %parallel_loop3A_109 = arith.constant 32 : i32
        %parallel_loop3A_110 = arith.muli %parallel_loop3A_88, %parallel_loop3A_109 : i32
        %parallel_loop3A_111 = vector.broadcast %parallel_loop3A_110 : i32 to vector<16xi32>
        %parallel_loop3A_112 = arith.addi %get3A_52, %parallel_loop3A_111 : vector<16xi32>
        %parallel_loop3A_113 = tpu.vector_load_idx %arg5[%parallel_loop3A_112] : memref<4128xf32, #tpu.memory_space<vmem>>[vector<16xi32>], vector<16xf32>,
        %parallel_loop3A_114 = arith.constant 0 : i32
        %parallel_loop3A_115 = arith.index_cast %parallel_loop3A_88 : i32 to index
        %parallel_loop3A_116 = arith.index_cast %parallel_loop3A_114 : i32 to index
        %parallel_loop3A_117 = arith.constant 32 : index
        %parallel_loop3A_118 = tpu.vector_load %arg8[%parallel_loop3A_115, %parallel_loop3A_116, %parallel_loop3A_117] {strides = array<i32>} : memref<129x1x128xf32, #tpu.memory_space<vmem>>, vector<16xf32>,
        tpu.vector_store %arg8[%parallel_loop3A_115, %parallel_loop3A_116, %parallel_loop3A_117], %parallel_loop3A_113 {strides = array<i32>} : memref<129x1x128xf32, #tpu.memory_space<vmem>>, vector<16xf32>,
        %parallel_loop3A_119 = arith.constant 32 : i32
        %parallel_loop3A_120 = arith.muli %parallel_loop3A_88, %parallel_loop3A_119 : i32
        %parallel_loop3A_121 = vector.broadcast %parallel_loop3A_120 : i32 to vector<16xi32>
        %parallel_loop3A_122 = arith.addi %get3A_54, %parallel_loop3A_121 : vector<16xi32>
        %parallel_loop3A_123 = tpu.vector_load_idx %arg5[%parallel_loop3A_122] : memref<4128xf32, #tpu.memory_space<vmem>>[vector<16xi32>], vector<16xf32>,
        %parallel_loop3A_124 = arith.constant 0 : i32
        %parallel_loop3A_125 = arith.index_cast %parallel_loop3A_88 : i32 to index
        %parallel_loop3A_126 = arith.index_cast %parallel_loop3A_124 : i32 to index
        %parallel_loop3A_127 = arith.constant 48 : index
        %parallel_loop3A_128 = tpu.vector_load %arg8[%parallel_loop3A_125, %parallel_loop3A_126, %parallel_loop3A_127] {strides = array<i32>} : memref<129x1x128xf32, #tpu.memory_space<vmem>>, vector<16xf32>,
        tpu.vector_store %arg8[%parallel_loop3A_125, %parallel_loop3A_126, %parallel_loop3A_127], %parallel_loop3A_123 {strides = array<i32>} : memref<129x1x128xf32, #tpu.memory_space<vmem>>, vector<16xf32>,
        %parallel_loop3A_129 = arith.constant 32 : i32
        %parallel_loop3A_130 = arith.muli %parallel_loop3A_88, %parallel_loop3A_129 : i32
        %parallel_loop3A_131 = vector.broadcast %parallel_loop3A_130 : i32 to vector<16xi32>
        %parallel_loop3A_132 = arith.addi %get3A_56, %parallel_loop3A_131 : vector<16xi32>
        %parallel_loop3A_133 = tpu.vector_load_idx %arg5[%parallel_loop3A_132] : memref<4128xf32, #tpu.memory_space<vmem>>[vector<16xi32>], vector<16xf32>,
        %parallel_loop3A_134 = arith.constant 0 : i32
        %parallel_loop3A_135 = arith.index_cast %parallel_loop3A_88 : i32 to index
        %parallel_loop3A_136 = arith.index_cast %parallel_loop3A_134 : i32 to index
        %parallel_loop3A_137 = arith.constant 64 : index
        %parallel_loop3A_138 = tpu.vector_load %arg8[%parallel_loop3A_135, %parallel_loop3A_136, %parallel_loop3A_137] {strides = array<i32>} : memref<129x1x128xf32, #tpu.memory_space<vmem>>, vector<16xf32>,
        tpu.vector_store %arg8[%parallel_loop3A_135, %parallel_loop3A_136, %parallel_loop3A_137], %parallel_loop3A_133 {strides = array<i32>} : memref<129x1x128xf32, #tpu.memory_space<vmem>>, vector<16xf32>,
        %parallel_loop3A_139 = arith.constant 32 : i32
        %parallel_loop3A_140 = arith.muli %parallel_loop3A_88, %parallel_loop3A_139 : i32
        %parallel_loop3A_141 = vector.broadcast %parallel_loop3A_140 : i32 to vector<16xi32>
        %parallel_loop3A_142 = arith.addi %get3A_58, %parallel_loop3A_141 : vector<16xi32>
        %parallel_loop3A_143 = tpu.vector_load_idx %arg5[%parallel_loop3A_142] : memref<4128xf32, #tpu.memory_space<vmem>>[vector<16xi32>], vector<16xf32>,
        %parallel_loop3A_144 = arith.constant 0 : i32
        %parallel_loop3A_145 = arith.index_cast %parallel_loop3A_88 : i32 to index
        %parallel_loop3A_146 = arith.index_cast %parallel_loop3A_144 : i32 to index
        %parallel_loop3A_147 = arith.constant 80 : index
        %parallel_loop3A_148 = tpu.vector_load %arg8[%parallel_loop3A_145, %parallel_loop3A_146, %parallel_loop3A_147] {strides = array<i32>} : memref<129x1x128xf32, #tpu.memory_space<vmem>>, vector<16xf32>,
        tpu.vector_store %arg8[%parallel_loop3A_145, %parallel_loop3A_146, %parallel_loop3A_147], %parallel_loop3A_143 {strides = array<i32>} : memref<129x1x128xf32, #tpu.memory_space<vmem>>, vector<16xf32>,
        %parallel_loop3A_149 = arith.constant 32 : i32
        %parallel_loop3A_150 = arith.muli %parallel_loop3A_88, %parallel_loop3A_149 : i32
        %parallel_loop3A_151 = vector.broadcast %parallel_loop3A_150 : i32 to vector<16xi32>
        %parallel_loop3A_152 = arith.addi %get3A_60, %parallel_loop3A_151 : vector<16xi32>
        %parallel_loop3A_153 = tpu.vector_load_idx %arg5[%parallel_loop3A_152] : memref<4128xf32, #tpu.memory_space<vmem>>[vector<16xi32>], vector<16xf32>,
        %parallel_loop3A_154 = arith.constant 0 : i32
        %parallel_loop3A_155 = arith.index_cast %parallel_loop3A_88 : i32 to index
        %parallel_loop3A_156 = arith.index_cast %parallel_loop3A_154 : i32 to index
        %parallel_loop3A_157 = arith.constant 96 : index
        %parallel_loop3A_158 = tpu.vector_load %arg8[%parallel_loop3A_155, %parallel_loop3A_156, %parallel_loop3A_157] {strides = array<i32>} : memref<129x1x128xf32, #tpu.memory_space<vmem>>, vector<16xf32>,
        tpu.vector_store %arg8[%parallel_loop3A_155, %parallel_loop3A_156, %parallel_loop3A_157], %parallel_loop3A_153 {strides = array<i32>} : memref<129x1x128xf32, #tpu.memory_space<vmem>>, vector<16xf32>,
        %parallel_loop3A_159 = arith.constant 32 : i32
        %parallel_loop3A_160 = arith.muli %parallel_loop3A_88, %parallel_loop3A_159 : i32
        %parallel_loop3A_161 = vector.broadcast %parallel_loop3A_160 : i32 to vector<16xi32>
        %parallel_loop3A_162 = arith.addi %get3A_62, %parallel_loop3A_161 : vector<16xi32>
        %parallel_loop3A_163 = tpu.vector_load_idx %arg5[%parallel_loop3A_162] : memref<4128xf32, #tpu.memory_space<vmem>>[vector<16xi32>], vector<16xf32>,
        %parallel_loop3A_164 = arith.constant 0 : i32
        %parallel_loop3A_165 = arith.index_cast %parallel_loop3A_88 : i32 to index
        %parallel_loop3A_166 = arith.index_cast %parallel_loop3A_164 : i32 to index
        %parallel_loop3A_167 = arith.constant 112 : index
        %parallel_loop3A_168 = tpu.vector_load %arg8[%parallel_loop3A_165, %parallel_loop3A_166, %parallel_loop3A_167] {strides = array<i32>} : memref<129x1x128xf32, #tpu.memory_space<vmem>>, vector<16xf32>,
        tpu.vector_store %arg8[%parallel_loop3A_165, %parallel_loop3A_166, %parallel_loop3A_167], %parallel_loop3A_163 {strides = array<i32>} : memref<129x1x128xf32, #tpu.memory_space<vmem>>, vector<16xf32>,
      } {sc.loop_unroll_factor = 8 : i64, sc.parallel_access}
      %dma_start3A_66 = arith.constant 0 : i32
      %dma_start3A_67 = arith.constant 128 : i32
      %dma_start3A_68 = tpu.memref_slice %arg4[%dma_start3A_66, %while3A_18, %dma_start3A_67] : memref<129x200x4096xf32, #tpu.memory_space<hbm>> -> memref<129x1x128xf32, #tpu.memory_space<hbm>>
      %dma_start3A_69 = arith.constant 0 : i32
      %dma_start3A_70 = arith.constant 128 : i32
      %dma_start3A_71 = tpu.memref_slice %arg4[%dma_start3A_69, %while3A_18, %dma_start3A_70] : memref<129x200x4096xf32, #tpu.memory_space<hbm>> -> memref<129x1x128xf32, #tpu.memory_space<hbm>>
      tpu.enqueue_dma source(%arg8 : memref<129x1x128xf32, #tpu.memory_space<vmem>>) target(%dma_start3A_71 : memref<129x1x128xf32, #tpu.memory_space<hbm>>) target_semaphore(%arg10 : memref<!tpu.dma_semaphore, #tpu.memory_space<semaphore_mem>>)
      %scan3A = arith.constant 0 : i32
      %scan3A_72 = arith.constant 0 : i32
      %scan3A_73 = arith.constant 15 : i32
      %scan3A_74 = arith.addi %scan3A_72, %scan3A_73 : i32
      %scan3A_75 = arith.constant 1 : i32
      scf.for %scan3A_88 = %scan3A_72 to %scan3A_74 step %scan3A_75  : i32 {
        %mul3A_89 = arith.constant 2 : i32
        %mul3A_90 = arith.muli %mul3A_89, %scan3A_88 : i32
        %mul3A_91 = arith.constant 128 : i32
        %mul3A_92 = arith.muli %mul3A_90, %mul3A_91 : i32
        %dma_wait3A_93 = arith.constant 0 : i32
        %dma_wait3A_94 = tpu.memref_slice %arg4[%dma_wait3A_93, %while3A_18, %mul3A_92] : memref<129x200x4096xf32, #tpu.memory_space<hbm>> -> memref<129x1x128xf32, #tpu.memory_space<hbm>>
        %dma_wait3A_95 = arith.constant 0 : i32
        %dma_wait3A_96 = tpu.memref_slice %arg4[%dma_wait3A_95, %while3A_18, %mul3A_92] : memref<129x200x4096xf32, #tpu.memory_space<hbm>> -> memref<129x1x128xf32, #tpu.memory_space<hbm>>
        tpu.wait_dma2 semaphore(%arg9 : memref<!tpu.dma_semaphore, #tpu.memory_space<semaphore_mem>>) src(%arg7 : memref<129x1x128xf32, #tpu.memory_space<vmem>>) dst(%dma_wait3A_96 : memref<129x1x128xf32, #tpu.memory_space<hbm>>)
        %add3A_97 = arith.constant 2 : i32
        %add3A_98 = arith.addi %mul3A_90, %add3A_97 : i32
        %mul3A_99 = arith.constant 128 : i32
        %mul3A_100 = arith.muli %add3A_98, %mul3A_99 : i32
        %add3A_101 = arith.constant 0 : i32
        %add3A_102 = arith.addi %mul3A_100, %add3A_101 : i32
        %get3A_103 = arith.index_cast %add3A_102 : i32 to index
        %get3A_104 = tpu.vector_load %arg6[%get3A_103] {strides = array<i32>} : memref<4096xi32, #tpu.memory_space<vmem>>, vector<16xi32>,
        %mul3A_105 = arith.constant 128 : i32
        %mul3A_106 = arith.muli %add3A_98, %mul3A_105 : i32
        %add3A_107 = arith.constant 16 : i32
        %add3A_108 = arith.addi %mul3A_106, %add3A_107 : i32
        %get3A_109 = arith.index_cast %add3A_108 : i32 to index
        %get3A_110 = tpu.vector_load %arg6[%get3A_109] {strides = array<i32>} : memref<4096xi32, #tpu.memory_space<vmem>>, vector<16xi32>,
        %mul3A_111 = arith.constant 128 : i32
        %mul3A_112 = arith.muli %add3A_98, %mul3A_111 : i32
        %add3A_113 = arith.constant 32 : i32
        %add3A_114 = arith.addi %mul3A_112, %add3A_113 : i32
        %get3A_115 = arith.index_cast %add3A_114 : i32 to index
        %get3A_116 = tpu.vector_load %arg6[%get3A_115] {strides = array<i32>} : memref<4096xi32, #tpu.memory_space<vmem>>, vector<16xi32>,
        %mul3A_117 = arith.constant 128 : i32
        %mul3A_118 = arith.muli %add3A_98, %mul3A_117 : i32
        %add3A_119 = arith.constant 48 : i32
        %add3A_120 = arith.addi %mul3A_118, %add3A_119 : i32
        %get3A_121 = arith.index_cast %add3A_120 : i32 to index
        %get3A_122 = tpu.vector_load %arg6[%get3A_121] {strides = array<i32>} : memref<4096xi32, #tpu.memory_space<vmem>>, vector<16xi32>,
        %mul3A_123 = arith.constant 128 : i32
        %mul3A_124 = arith.muli %add3A_98, %mul3A_123 : i32
        %add3A_125 = arith.constant 64 : i32
        %add3A_126 = arith.addi %mul3A_124, %add3A_125 : i32
        %get3A_127 = arith.index_cast %add3A_126 : i32 to index
        %get3A_128 = tpu.vector_load %arg6[%get3A_127] {strides = array<i32>} : memref<4096xi32, #tpu.memory_space<vmem>>, vector<16xi32>,
        %mul3A_129 = arith.constant 128 : i32
        %mul3A_130 = arith.muli %add3A_98, %mul3A_129 : i32
        %add3A_131 = arith.constant 80 : i32
        %add3A_132 = arith.addi %mul3A_130, %add3A_131 : i32
        %get3A_133 = arith.index_cast %add3A_132 : i32 to index
        %get3A_134 = tpu.vector_load %arg6[%get3A_133] {strides = array<i32>} : memref<4096xi32, #tpu.memory_space<vmem>>, vector<16xi32>,
        %mul3A_135 = arith.constant 128 : i32
        %mul3A_136 = arith.muli %add3A_98, %mul3A_135 : i32
        %add3A_137 = arith.constant 96 : i32
        %add3A_138 = arith.addi %mul3A_136, %add3A_137 : i32
        %get3A_139 = arith.index_cast %add3A_138 : i32 to index
        %get3A_140 = tpu.vector_load %arg6[%get3A_139] {strides = array<i32>} : memref<4096xi32, #tpu.memory_space<vmem>>, vector<16xi32>,
        %mul3A_141 = arith.constant 128 : i32
        %mul3A_142 = arith.muli %add3A_98, %mul3A_141 : i32
        %add3A_143 = arith.constant 112 : i32
        %add3A_144 = arith.addi %mul3A_142, %add3A_143 : i32
        %get3A_145 = arith.index_cast %add3A_144 : i32 to index
        %get3A_146 = tpu.vector_load %arg6[%get3A_145] {strides = array<i32>} : memref<4096xi32, #tpu.memory_space<vmem>>, vector<16xi32>,
        %parallel_loop3A_147 = arith.constant 0 : i32
        %parallel_loop3A_148 = arith.constant 129 : i32
        %parallel_loop3A_149 = arith.constant 1 : i32
        scf.for %parallel_loop3A_227 = %parallel_loop3A_147 to %parallel_loop3A_148 step %parallel_loop3A_149  : i32 {
          %parallel_loop3A_228 = arith.constant 32 : i32
          %parallel_loop3A_229 = arith.muli %parallel_loop3A_227, %parallel_loop3A_228 : i32
          %parallel_loop3A_230 = vector.broadcast %parallel_loop3A_229 : i32 to vector<16xi32>
          %parallel_loop3A_231 = arith.addi %get3A_104, %parallel_loop3A_230 : vector<16xi32>
          %parallel_loop3A_232 = tpu.vector_load_idx %arg5[%parallel_loop3A_231] : memref<4128xf32, #tpu.memory_space<vmem>>[vector<16xi32>], vector<16xf32>,
          %parallel_loop3A_233 = arith.constant 0 : i32
          %parallel_loop3A_234 = arith.index_cast %parallel_loop3A_227 : i32 to index
          %parallel_loop3A_235 = arith.index_cast %parallel_loop3A_233 : i32 to index
          %parallel_loop3A_236 = arith.constant 0 : index
          %parallel_loop3A_237 = tpu.vector_load %arg7[%parallel_loop3A_234, %parallel_loop3A_235, %parallel_loop3A_236] {strides = array<i32>} : memref<129x1x128xf32, #tpu.memory_space<vmem>>, vector<16xf32>,
          tpu.vector_store %arg7[%parallel_loop3A_234, %parallel_loop3A_235, %parallel_loop3A_236], %parallel_loop3A_232 {strides = array<i32>} : memref<129x1x128xf32, #tpu.memory_space<vmem>>, vector<16xf32>,
          %parallel_loop3A_238 = arith.constant 32 : i32
          %parallel_loop3A_239 = arith.muli %parallel_loop3A_227, %parallel_loop3A_238 : i32
          %parallel_loop3A_240 = vector.broadcast %parallel_loop3A_239 : i32 to vector<16xi32>
          %parallel_loop3A_241 = arith.addi %get3A_110, %parallel_loop3A_240 : vector<16xi32>
          %parallel_loop3A_242 = tpu.vector_load_idx %arg5[%parallel_loop3A_241] : memref<4128xf32, #tpu.memory_space<vmem>>[vector<16xi32>], vector<16xf32>,
          %parallel_loop3A_243 = arith.constant 0 : i32
          %parallel_loop3A_244 = arith.index_cast %parallel_loop3A_227 : i32 to index
          %parallel_loop3A_245 = arith.index_cast %parallel_loop3A_243 : i32 to index
          %parallel_loop3A_246 = arith.constant 16 : index
          %parallel_loop3A_247 = tpu.vector_load %arg7[%parallel_loop3A_244, %parallel_loop3A_245, %parallel_loop3A_246] {strides = array<i32>} : memref<129x1x128xf32, #tpu.memory_space<vmem>>, vector<16xf32>,
          tpu.vector_store %arg7[%parallel_loop3A_244, %parallel_loop3A_245, %parallel_loop3A_246], %parallel_loop3A_242 {strides = array<i32>} : memref<129x1x128xf32, #tpu.memory_space<vmem>>, vector<16xf32>,
          %parallel_loop3A_248 = arith.constant 32 : i32
          %parallel_loop3A_249 = arith.muli %parallel_loop3A_227, %parallel_loop3A_248 : i32
          %parallel_loop3A_250 = vector.broadcast %parallel_loop3A_249 : i32 to vector<16xi32>
          %parallel_loop3A_251 = arith.addi %get3A_116, %parallel_loop3A_250 : vector<16xi32>
          %parallel_loop3A_252 = tpu.vector_load_idx %arg5[%parallel_loop3A_251] : memref<4128xf32, #tpu.memory_space<vmem>>[vector<16xi32>], vector<16xf32>,
          %parallel_loop3A_253 = arith.constant 0 : i32
          %parallel_loop3A_254 = arith.index_cast %parallel_loop3A_227 : i32 to index
          %parallel_loop3A_255 = arith.index_cast %parallel_loop3A_253 : i32 to index
          %parallel_loop3A_256 = arith.constant 32 : index
          %parallel_loop3A_257 = tpu.vector_load %arg7[%parallel_loop3A_254, %parallel_loop3A_255, %parallel_loop3A_256] {strides = array<i32>} : memref<129x1x128xf32, #tpu.memory_space<vmem>>, vector<16xf32>,
          tpu.vector_store %arg7[%parallel_loop3A_254, %parallel_loop3A_255, %parallel_loop3A_256], %parallel_loop3A_252 {strides = array<i32>} : memref<129x1x128xf32, #tpu.memory_space<vmem>>, vector<16xf32>,
          %parallel_loop3A_258 = arith.constant 32 : i32
          %parallel_loop3A_259 = arith.muli %parallel_loop3A_227, %parallel_loop3A_258 : i32
          %parallel_loop3A_260 = vector.broadcast %parallel_loop3A_259 : i32 to vector<16xi32>
          %parallel_loop3A_261 = arith.addi %get3A_122, %parallel_loop3A_260 : vector<16xi32>
          %parallel_loop3A_262 = tpu.vector_load_idx %arg5[%parallel_loop3A_261] : memref<4128xf32, #tpu.memory_space<vmem>>[vector<16xi32>], vector<16xf32>,
          %parallel_loop3A_263 = arith.constant 0 : i32
          %parallel_loop3A_264 = arith.index_cast %parallel_loop3A_227 : i32 to index
          %parallel_loop3A_265 = arith.index_cast %parallel_loop3A_263 : i32 to index
          %parallel_loop3A_266 = arith.constant 48 : index
          %parallel_loop3A_267 = tpu.vector_load %arg7[%parallel_loop3A_264, %parallel_loop3A_265, %parallel_loop3A_266] {strides = array<i32>} : memref<129x1x128xf32, #tpu.memory_space<vmem>>, vector<16xf32>,
          tpu.vector_store %arg7[%parallel_loop3A_264, %parallel_loop3A_265, %parallel_loop3A_266], %parallel_loop3A_262 {strides = array<i32>} : memref<129x1x128xf32, #tpu.memory_space<vmem>>, vector<16xf32>,
          %parallel_loop3A_268 = arith.constant 32 : i32
          %parallel_loop3A_269 = arith.muli %parallel_loop3A_227, %parallel_loop3A_268 : i32
          %parallel_loop3A_270 = vector.broadcast %parallel_loop3A_269 : i32 to vector<16xi32>
          %parallel_loop3A_271 = arith.addi %get3A_128, %parallel_loop3A_270 : vector<16xi32>
          %parallel_loop3A_272 = tpu.vector_load_idx %arg5[%parallel_loop3A_271] : memref<4128xf32, #tpu.memory_space<vmem>>[vector<16xi32>], vector<16xf32>,
          %parallel_loop3A_273 = arith.constant 0 : i32
          %parallel_loop3A_274 = arith.index_cast %parallel_loop3A_227 : i32 to index
          %parallel_loop3A_275 = arith.index_cast %parallel_loop3A_273 : i32 to index
          %parallel_loop3A_276 = arith.constant 64 : index
          %parallel_loop3A_277 = tpu.vector_load %arg7[%parallel_loop3A_274, %parallel_loop3A_275, %parallel_loop3A_276] {strides = array<i32>} : memref<129x1x128xf32, #tpu.memory_space<vmem>>, vector<16xf32>,
          tpu.vector_store %arg7[%parallel_loop3A_274, %parallel_loop3A_275, %parallel_loop3A_276], %parallel_loop3A_272 {strides = array<i32>} : memref<129x1x128xf32, #tpu.memory_space<vmem>>, vector<16xf32>,
          %parallel_loop3A_278 = arith.constant 32 : i32
          %parallel_loop3A_279 = arith.muli %parallel_loop3A_227, %parallel_loop3A_278 : i32
          %parallel_loop3A_280 = vector.broadcast %parallel_loop3A_279 : i32 to vector<16xi32>
          %parallel_loop3A_281 = arith.addi %get3A_134, %parallel_loop3A_280 : vector<16xi32>
          %parallel_loop3A_282 = tpu.vector_load_idx %arg5[%parallel_loop3A_281] : memref<4128xf32, #tpu.memory_space<vmem>>[vector<16xi32>], vector<16xf32>,
          %parallel_loop3A_283 = arith.constant 0 : i32
          %parallel_loop3A_284 = arith.index_cast %parallel_loop3A_227 : i32 to index
          %parallel_loop3A_285 = arith.index_cast %parallel_loop3A_283 : i32 to index
          %parallel_loop3A_286 = arith.constant 80 : index
          %parallel_loop3A_287 = tpu.vector_load %arg7[%parallel_loop3A_284, %parallel_loop3A_285, %parallel_loop3A_286] {strides = array<i32>} : memref<129x1x128xf32, #tpu.memory_space<vmem>>, vector<16xf32>,
          tpu.vector_store %arg7[%parallel_loop3A_284, %parallel_loop3A_285, %parallel_loop3A_286], %parallel_loop3A_282 {strides = array<i32>} : memref<129x1x128xf32, #tpu.memory_space<vmem>>, vector<16xf32>,
          %parallel_loop3A_288 = arith.constant 32 : i32
          %parallel_loop3A_289 = arith.muli %parallel_loop3A_227, %parallel_loop3A_288 : i32
          %parallel_loop3A_290 = vector.broadcast %parallel_loop3A_289 : i32 to vector<16xi32>
          %parallel_loop3A_291 = arith.addi %get3A_140, %parallel_loop3A_290 : vector<16xi32>
          %parallel_loop3A_292 = tpu.vector_load_idx %arg5[%parallel_loop3A_291] : memref<4128xf32, #tpu.memory_space<vmem>>[vector<16xi32>], vector<16xf32>,
          %parallel_loop3A_293 = arith.constant 0 : i32
          %parallel_loop3A_294 = arith.index_cast %parallel_loop3A_227 : i32 to index
          %parallel_loop3A_295 = arith.index_cast %parallel_loop3A_293 : i32 to index
          %parallel_loop3A_296 = arith.constant 96 : index
          %parallel_loop3A_297 = tpu.vector_load %arg7[%parallel_loop3A_294, %parallel_loop3A_295, %parallel_loop3A_296] {strides = array<i32>} : memref<129x1x128xf32, #tpu.memory_space<vmem>>, vector<16xf32>,
          tpu.vector_store %arg7[%parallel_loop3A_294, %parallel_loop3A_295, %parallel_loop3A_296], %parallel_loop3A_292 {strides = array<i32>} : memref<129x1x128xf32, #tpu.memory_space<vmem>>, vector<16xf32>,
          %parallel_loop3A_298 = arith.constant 32 : i32
          %parallel_loop3A_299 = arith.muli %parallel_loop3A_227, %parallel_loop3A_298 : i32
          %parallel_loop3A_300 = vector.broadcast %parallel_loop3A_299 : i32 to vector<16xi32>
          %parallel_loop3A_301 = arith.addi %get3A_146, %parallel_loop3A_300 : vector<16xi32>
          %parallel_loop3A_302 = tpu.vector_load_idx %arg5[%parallel_loop3A_301] : memref<4128xf32, #tpu.memory_space<vmem>>[vector<16xi32>], vector<16xf32>,
          %parallel_loop3A_303 = arith.constant 0 : i32
          %parallel_loop3A_304 = arith.index_cast %parallel_loop3A_227 : i32 to index
          %parallel_loop3A_305 = arith.index_cast %parallel_loop3A_303 : i32 to index
          %parallel_loop3A_306 = arith.constant 112 : index
          %parallel_loop3A_307 = tpu.vector_load %arg7[%parallel_loop3A_304, %parallel_loop3A_305, %parallel_loop3A_306] {strides = array<i32>} : memref<129x1x128xf32, #tpu.memory_space<vmem>>, vector<16xf32>,
          tpu.vector_store %arg7[%parallel_loop3A_304, %parallel_loop3A_305, %parallel_loop3A_306], %parallel_loop3A_302 {strides = array<i32>} : memref<129x1x128xf32, #tpu.memory_space<vmem>>, vector<16xf32>,
        } {sc.loop_unroll_factor = 8 : i64, sc.parallel_access}
        %add3A_150 = arith.constant 2 : i32
        %add3A_151 = arith.addi %mul3A_90, %add3A_150 : i32
        %mul3A_152 = arith.constant 128 : i32
        %mul3A_153 = arith.muli %add3A_151, %mul3A_152 : i32
        %dma_start3A_154 = arith.constant 0 : i32
        %dma_start3A_155 = tpu.memref_slice %arg4[%dma_start3A_154, %while3A_18, %mul3A_153] : memref<129x200x4096xf32, #tpu.memory_space<hbm>> -> memref<129x1x128xf32, #tpu.memory_space<hbm>>
        %dma_start3A_156 = arith.constant 0 : i32
        %dma_start3A_157 = tpu.memref_slice %arg4[%dma_start3A_156, %while3A_18, %mul3A_153] : memref<129x200x4096xf32, #tpu.memory_space<hbm>> -> memref<129x1x128xf32, #tpu.memory_space<hbm>>
        tpu.enqueue_dma source(%arg7 : memref<129x1x128xf32, #tpu.memory_space<vmem>>) target(%dma_start3A_157 : memref<129x1x128xf32, #tpu.memory_space<hbm>>) target_semaphore(%arg9 : memref<!tpu.dma_semaphore, #tpu.memory_space<semaphore_mem>>)
        %add3A_158 = arith.constant 1 : i32
        %add3A_159 = arith.addi %mul3A_90, %add3A_158 : i32
        %mul3A_160 = arith.constant 128 : i32
        %mul3A_161 = arith.muli %add3A_159, %mul3A_160 : i32
        %dma_wait3A_162 = arith.constant 0 : i32
        %dma_wait3A_163 = tpu.memref_slice %arg4[%dma_wait3A_162, %while3A_18, %mul3A_161] : memref<129x200x4096xf32, #tpu.memory_space<hbm>> -> memref<129x1x128xf32, #tpu.memory_space<hbm>>
        %dma_wait3A_164 = arith.constant 0 : i32
        %dma_wait3A_165 = tpu.memref_slice %arg4[%dma_wait3A_164, %while3A_18, %mul3A_161] : memref<129x200x4096xf32, #tpu.memory_space<hbm>> -> memref<129x1x128xf32, #tpu.memory_space<hbm>>
        tpu.wait_dma2 semaphore(%arg10 : memref<!tpu.dma_semaphore, #tpu.memory_space<semaphore_mem>>) src(%arg8 : memref<129x1x128xf32, #tpu.memory_space<vmem>>) dst(%dma_wait3A_165 : memref<129x1x128xf32, #tpu.memory_space<hbm>>)
        %add3A_166 = arith.constant 3 : i32
        %add3A_167 = arith.addi %mul3A_90, %add3A_166 : i32
        %mul3A_168 = arith.constant 128 : i32
        %mul3A_169 = arith.muli %add3A_167, %mul3A_168 : i32
        %add3A_170 = arith.constant 0 : i32
        %add3A_171 = arith.addi %mul3A_169, %add3A_170 : i32
        %get3A_172 = arith.index_cast %add3A_171 : i32 to index
        %get3A_173 = tpu.vector_load %arg6[%get3A_172] {strides = array<i32>} : memref<4096xi32, #tpu.memory_space<vmem>>, vector<16xi32>,
        %mul3A_174 = arith.constant 128 : i32
        %mul3A_175 = arith.muli %add3A_167, %mul3A_174 : i32
        %add3A_176 = arith.constant 16 : i32
        %add3A_177 = arith.addi %mul3A_175, %add3A_176 : i32
        %get3A_178 = arith.index_cast %add3A_177 : i32 to index
        %get3A_179 = tpu.vector_load %arg6[%get3A_178] {strides = array<i32>} : memref<4096xi32, #tpu.memory_space<vmem>>, vector<16xi32>,
        %mul3A_180 = arith.constant 128 : i32
        %mul3A_181 = arith.muli %add3A_167, %mul3A_180 : i32
        %add3A_182 = arith.constant 32 : i32
        %add3A_183 = arith.addi %mul3A_181, %add3A_182 : i32
        %get3A_184 = arith.index_cast %add3A_183 : i32 to index
        %get3A_185 = tpu.vector_load %arg6[%get3A_184] {strides = array<i32>} : memref<4096xi32, #tpu.memory_space<vmem>>, vector<16xi32>,
        %mul3A_186 = arith.constant 128 : i32
        %mul3A_187 = arith.muli %add3A_167, %mul3A_186 : i32
        %add3A_188 = arith.constant 48 : i32
        %add3A_189 = arith.addi %mul3A_187, %add3A_188 : i32
        %get3A_190 = arith.index_cast %add3A_189 : i32 to index
        %get3A_191 = tpu.vector_load %arg6[%get3A_190] {strides = array<i32>} : memref<4096xi32, #tpu.memory_space<vmem>>, vector<16xi32>,
        %mul3A_192 = arith.constant 128 : i32
        %mul3A_193 = arith.muli %add3A_167, %mul3A_192 : i32
        %add3A_194 = arith.constant 64 : i32
        %add3A_195 = arith.addi %mul3A_193, %add3A_194 : i32
        %get3A_196 = arith.index_cast %add3A_195 : i32 to index
        %get3A_197 = tpu.vector_load %arg6[%get3A_196] {strides = array<i32>} : memref<4096xi32, #tpu.memory_space<vmem>>, vector<16xi32>,
        %mul3A_198 = arith.constant 128 : i32
        %mul3A_199 = arith.muli %add3A_167, %mul3A_198 : i32
        %add3A_200 = arith.constant 80 : i32
        %add3A_201 = arith.addi %mul3A_199, %add3A_200 : i32
        %get3A_202 = arith.index_cast %add3A_201 : i32 to index
        %get3A_203 = tpu.vector_load %arg6[%get3A_202] {strides = array<i32>} : memref<4096xi32, #tpu.memory_space<vmem>>, vector<16xi32>,
        %mul3A_204 = arith.constant 128 : i32
        %mul3A_205 = arith.muli %add3A_167, %mul3A_204 : i32
        %add3A_206 = arith.constant 96 : i32
        %add3A_207 = arith.addi %mul3A_205, %add3A_206 : i32
        %get3A_208 = arith.index_cast %add3A_207 : i32 to index
        %get3A_209 = tpu.vector_load %arg6[%get3A_208] {strides = array<i32>} : memref<4096xi32, #tpu.memory_space<vmem>>, vector<16xi32>,
        %mul3A_210 = arith.constant 128 : i32
        %mul3A_211 = arith.muli %add3A_167, %mul3A_210 : i32
        %add3A_212 = arith.constant 112 : i32
        %add3A_213 = arith.addi %mul3A_211, %add3A_212 : i32
        %get3A_214 = arith.index_cast %add3A_213 : i32 to index
        %get3A_215 = tpu.vector_load %arg6[%get3A_214] {strides = array<i32>} : memref<4096xi32, #tpu.memory_space<vmem>>, vector<16xi32>,
        %parallel_loop3A_216 = arith.constant 0 : i32
        %parallel_loop3A_217 = arith.constant 129 : i32
        %parallel_loop3A_218 = arith.constant 1 : i32
        scf.for %parallel_loop3A_227 = %parallel_loop3A_216 to %parallel_loop3A_217 step %parallel_loop3A_218  : i32 {
          %parallel_loop3A_228 = arith.constant 32 : i32
          %parallel_loop3A_229 = arith.muli %parallel_loop3A_227, %parallel_loop3A_228 : i32
          %parallel_loop3A_230 = vector.broadcast %parallel_loop3A_229 : i32 to vector<16xi32>
          %parallel_loop3A_231 = arith.addi %get3A_173, %parallel_loop3A_230 : vector<16xi32>
          %parallel_loop3A_232 = tpu.vector_load_idx %arg5[%parallel_loop3A_231] : memref<4128xf32, #tpu.memory_space<vmem>>[vector<16xi32>], vector<16xf32>,
          %parallel_loop3A_233 = arith.constant 0 : i32
          %parallel_loop3A_234 = arith.index_cast %parallel_loop3A_227 : i32 to index
          %parallel_loop3A_235 = arith.index_cast %parallel_loop3A_233 : i32 to index
          %parallel_loop3A_236 = arith.constant 0 : index
          %parallel_loop3A_237 = tpu.vector_load %arg8[%parallel_loop3A_234, %parallel_loop3A_235, %parallel_loop3A_236] {strides = array<i32>} : memref<129x1x128xf32, #tpu.memory_space<vmem>>, vector<16xf32>,
          tpu.vector_store %arg8[%parallel_loop3A_234, %parallel_loop3A_235, %parallel_loop3A_236], %parallel_loop3A_232 {strides = array<i32>} : memref<129x1x128xf32, #tpu.memory_space<vmem>>, vector<16xf32>,
          %parallel_loop3A_238 = arith.constant 32 : i32
          %parallel_loop3A_239 = arith.muli %parallel_loop3A_227, %parallel_loop3A_238 : i32
          %parallel_loop3A_240 = vector.broadcast %parallel_loop3A_239 : i32 to vector<16xi32>
          %parallel_loop3A_241 = arith.addi %get3A_179, %parallel_loop3A_240 : vector<16xi32>
          %parallel_loop3A_242 = tpu.vector_load_idx %arg5[%parallel_loop3A_241] : memref<4128xf32, #tpu.memory_space<vmem>>[vector<16xi32>], vector<16xf32>,
          %parallel_loop3A_243 = arith.constant 0 : i32
          %parallel_loop3A_244 = arith.index_cast %parallel_loop3A_227 : i32 to index
          %parallel_loop3A_245 = arith.index_cast %parallel_loop3A_243 : i32 to index
          %parallel_loop3A_246 = arith.constant 16 : index
          %parallel_loop3A_247 = tpu.vector_load %arg8[%parallel_loop3A_244, %parallel_loop3A_245, %parallel_loop3A_246] {strides = array<i32>} : memref<129x1x128xf32, #tpu.memory_space<vmem>>, vector<16xf32>,
          tpu.vector_store %arg8[%parallel_loop3A_244, %parallel_loop3A_245, %parallel_loop3A_246], %parallel_loop3A_242 {strides = array<i32>} : memref<129x1x128xf32, #tpu.memory_space<vmem>>, vector<16xf32>,
          %parallel_loop3A_248 = arith.constant 32 : i32
          %parallel_loop3A_249 = arith.muli %parallel_loop3A_227, %parallel_loop3A_248 : i32
          %parallel_loop3A_250 = vector.broadcast %parallel_loop3A_249 : i32 to vector<16xi32>
          %parallel_loop3A_251 = arith.addi %get3A_185, %parallel_loop3A_250 : vector<16xi32>
          %parallel_loop3A_252 = tpu.vector_load_idx %arg5[%parallel_loop3A_251] : memref<4128xf32, #tpu.memory_space<vmem>>[vector<16xi32>], vector<16xf32>,
          %parallel_loop3A_253 = arith.constant 0 : i32
          %parallel_loop3A_254 = arith.index_cast %parallel_loop3A_227 : i32 to index
          %parallel_loop3A_255 = arith.index_cast %parallel_loop3A_253 : i32 to index
          %parallel_loop3A_256 = arith.constant 32 : index
          %parallel_loop3A_257 = tpu.vector_load %arg8[%parallel_loop3A_254, %parallel_loop3A_255, %parallel_loop3A_256] {strides = array<i32>} : memref<129x1x128xf32, #tpu.memory_space<vmem>>, vector<16xf32>,
          tpu.vector_store %arg8[%parallel_loop3A_254, %parallel_loop3A_255, %parallel_loop3A_256], %parallel_loop3A_252 {strides = array<i32>} : memref<129x1x128xf32, #tpu.memory_space<vmem>>, vector<16xf32>,
          %parallel_loop3A_258 = arith.constant 32 : i32
          %parallel_loop3A_259 = arith.muli %parallel_loop3A_227, %parallel_loop3A_258 : i32
          %parallel_loop3A_260 = vector.broadcast %parallel_loop3A_259 : i32 to vector<16xi32>
          %parallel_loop3A_261 = arith.addi %get3A_191, %parallel_loop3A_260 : vector<16xi32>
          %parallel_loop3A_262 = tpu.vector_load_idx %arg5[%parallel_loop3A_261] : memref<4128xf32, #tpu.memory_space<vmem>>[vector<16xi32>], vector<16xf32>,
          %parallel_loop3A_263 = arith.constant 0 : i32
          %parallel_loop3A_264 = arith.index_cast %parallel_loop3A_227 : i32 to index
          %parallel_loop3A_265 = arith.index_cast %parallel_loop3A_263 : i32 to index
          %parallel_loop3A_266 = arith.constant 48 : index
          %parallel_loop3A_267 = tpu.vector_load %arg8[%parallel_loop3A_264, %parallel_loop3A_265, %parallel_loop3A_266] {strides = array<i32>} : memref<129x1x128xf32, #tpu.memory_space<vmem>>, vector<16xf32>,
          tpu.vector_store %arg8[%parallel_loop3A_264, %parallel_loop3A_265, %parallel_loop3A_266], %parallel_loop3A_262 {strides = array<i32>} : memref<129x1x128xf32, #tpu.memory_space<vmem>>, vector<16xf32>,
          %parallel_loop3A_268 = arith.constant 32 : i32
          %parallel_loop3A_269 = arith.muli %parallel_loop3A_227, %parallel_loop3A_268 : i32
          %parallel_loop3A_270 = vector.broadcast %parallel_loop3A_269 : i32 to vector<16xi32>
          %parallel_loop3A_271 = arith.addi %get3A_197, %parallel_loop3A_270 : vector<16xi32>
          %parallel_loop3A_272 = tpu.vector_load_idx %arg5[%parallel_loop3A_271] : memref<4128xf32, #tpu.memory_space<vmem>>[vector<16xi32>], vector<16xf32>,
          %parallel_loop3A_273 = arith.constant 0 : i32
          %parallel_loop3A_274 = arith.index_cast %parallel_loop3A_227 : i32 to index
          %parallel_loop3A_275 = arith.index_cast %parallel_loop3A_273 : i32 to index
          %parallel_loop3A_276 = arith.constant 64 : index
          %parallel_loop3A_277 = tpu.vector_load %arg8[%parallel_loop3A_274, %parallel_loop3A_275, %parallel_loop3A_276] {strides = array<i32>} : memref<129x1x128xf32, #tpu.memory_space<vmem>>, vector<16xf32>,
          tpu.vector_store %arg8[%parallel_loop3A_274, %parallel_loop3A_275, %parallel_loop3A_276], %parallel_loop3A_272 {strides = array<i32>} : memref<129x1x128xf32, #tpu.memory_space<vmem>>, vector<16xf32>,
          %parallel_loop3A_278 = arith.constant 32 : i32
          %parallel_loop3A_279 = arith.muli %parallel_loop3A_227, %parallel_loop3A_278 : i32
          %parallel_loop3A_280 = vector.broadcast %parallel_loop3A_279 : i32 to vector<16xi32>
          %parallel_loop3A_281 = arith.addi %get3A_203, %parallel_loop3A_280 : vector<16xi32>
          %parallel_loop3A_282 = tpu.vector_load_idx %arg5[%parallel_loop3A_281] : memref<4128xf32, #tpu.memory_space<vmem>>[vector<16xi32>], vector<16xf32>,
          %parallel_loop3A_283 = arith.constant 0 : i32
          %parallel_loop3A_284 = arith.index_cast %parallel_loop3A_227 : i32 to index
          %parallel_loop3A_285 = arith.index_cast %parallel_loop3A_283 : i32 to index
          %parallel_loop3A_286 = arith.constant 80 : index
          %parallel_loop3A_287 = tpu.vector_load %arg8[%parallel_loop3A_284, %parallel_loop3A_285, %parallel_loop3A_286] {strides = array<i32>} : memref<129x1x128xf32, #tpu.memory_space<vmem>>, vector<16xf32>,
          tpu.vector_store %arg8[%parallel_loop3A_284, %parallel_loop3A_285, %parallel_loop3A_286], %parallel_loop3A_282 {strides = array<i32>} : memref<129x1x128xf32, #tpu.memory_space<vmem>>, vector<16xf32>,
          %parallel_loop3A_288 = arith.constant 32 : i32
          %parallel_loop3A_289 = arith.muli %parallel_loop3A_227, %parallel_loop3A_288 : i32
          %parallel_loop3A_290 = vector.broadcast %parallel_loop3A_289 : i32 to vector<16xi32>
          %parallel_loop3A_291 = arith.addi %get3A_209, %parallel_loop3A_290 : vector<16xi32>
          %parallel_loop3A_292 = tpu.vector_load_idx %arg5[%parallel_loop3A_291] : memref<4128xf32, #tpu.memory_space<vmem>>[vector<16xi32>], vector<16xf32>,
          %parallel_loop3A_293 = arith.constant 0 : i32
          %parallel_loop3A_294 = arith.index_cast %parallel_loop3A_227 : i32 to index
          %parallel_loop3A_295 = arith.index_cast %parallel_loop3A_293 : i32 to index
          %parallel_loop3A_296 = arith.constant 96 : index
          %parallel_loop3A_297 = tpu.vector_load %arg8[%parallel_loop3A_294, %parallel_loop3A_295, %parallel_loop3A_296] {strides = array<i32>} : memref<129x1x128xf32, #tpu.memory_space<vmem>>, vector<16xf32>,
          tpu.vector_store %arg8[%parallel_loop3A_294, %parallel_loop3A_295, %parallel_loop3A_296], %parallel_loop3A_292 {strides = array<i32>} : memref<129x1x128xf32, #tpu.memory_space<vmem>>, vector<16xf32>,
          %parallel_loop3A_298 = arith.constant 32 : i32
          %parallel_loop3A_299 = arith.muli %parallel_loop3A_227, %parallel_loop3A_298 : i32
          %parallel_loop3A_300 = vector.broadcast %parallel_loop3A_299 : i32 to vector<16xi32>
          %parallel_loop3A_301 = arith.addi %get3A_215, %parallel_loop3A_300 : vector<16xi32>
          %parallel_loop3A_302 = tpu.vector_load_idx %arg5[%parallel_loop3A_301] : memref<4128xf32, #tpu.memory_space<vmem>>[vector<16xi32>], vector<16xf32>,
          %parallel_loop3A_303 = arith.constant 0 : i32
          %parallel_loop3A_304 = arith.index_cast %parallel_loop3A_227 : i32 to index
          %parallel_loop3A_305 = arith.index_cast %parallel_loop3A_303 : i32 to index
          %parallel_loop3A_306 = arith.constant 112 : index
          %parallel_loop3A_307 = tpu.vector_load %arg8[%parallel_loop3A_304, %parallel_loop3A_305, %parallel_loop3A_306] {strides = array<i32>} : memref<129x1x128xf32, #tpu.memory_space<vmem>>, vector<16xf32>,
          tpu.vector_store %arg8[%parallel_loop3A_304, %parallel_loop3A_305, %parallel_loop3A_306], %parallel_loop3A_302 {strides = array<i32>} : memref<129x1x128xf32, #tpu.memory_space<vmem>>, vector<16xf32>,
        } {sc.loop_unroll_factor = 8 : i64, sc.parallel_access}
        %add3A_219 = arith.constant 3 : i32
        %add3A_220 = arith.addi %mul3A_90, %add3A_219 : i32
        %mul3A_221 = arith.constant 128 : i32
        %mul3A_222 = arith.muli %add3A_220, %mul3A_221 : i32
        %dma_start3A_223 = arith.constant 0 : i32
        %dma_start3A_224 = tpu.memref_slice %arg4[%dma_start3A_223, %while3A_18, %mul3A_222] : memref<129x200x4096xf32, #tpu.memory_space<hbm>> -> memref<129x1x128xf32, #tpu.memory_space<hbm>>
        %dma_start3A_225 = arith.constant 0 : i32
        %dma_start3A_226 = tpu.memref_slice %arg4[%dma_start3A_225, %while3A_18, %mul3A_222] : memref<129x200x4096xf32, #tpu.memory_space<hbm>> -> memref<129x1x128xf32, #tpu.memory_space<hbm>>
        tpu.enqueue_dma source(%arg8 : memref<129x1x128xf32, #tpu.memory_space<vmem>>) target(%dma_start3A_226 : memref<129x1x128xf32, #tpu.memory_space<hbm>>) target_semaphore(%arg10 : memref<!tpu.dma_semaphore, #tpu.memory_space<semaphore_mem>>)
      }
      %scan3A_76 = arith.constant 15 : i32
      %dma_wait3A = arith.constant 0 : i32
      %dma_wait3A_77 = arith.constant 3840 : i32
      %dma_wait3A_78 = tpu.memref_slice %arg4[%dma_wait3A, %while3A_18, %dma_wait3A_77] : memref<129x200x4096xf32, #tpu.memory_space<hbm>> -> memref<129x1x128xf32, #tpu.memory_space<hbm>>
      %dma_wait3A_79 = arith.constant 0 : i32
      %dma_wait3A_80 = arith.constant 3840 : i32
      %dma_wait3A_81 = tpu.memref_slice %arg4[%dma_wait3A_79, %while3A_18, %dma_wait3A_80] : memref<129x200x4096xf32, #tpu.memory_space<hbm>> -> memref<129x1x128xf32, #tpu.memory_space<hbm>>
      tpu.wait_dma2 semaphore(%arg9 : memref<!tpu.dma_semaphore, #tpu.memory_space<semaphore_mem>>) src(%arg7 : memref<129x1x128xf32, #tpu.memory_space<vmem>>) dst(%dma_wait3A_81 : memref<129x1x128xf32, #tpu.memory_space<hbm>>)
      %dma_wait3A_82 = arith.constant 0 : i32
      %dma_wait3A_83 = arith.constant 3968 : i32
      %dma_wait3A_84 = tpu.memref_slice %arg4[%dma_wait3A_82, %while3A_18, %dma_wait3A_83] : memref<129x200x4096xf32, #tpu.memory_space<hbm>> -> memref<129x1x128xf32, #tpu.memory_space<hbm>>
      %dma_wait3A_85 = arith.constant 0 : i32
      %dma_wait3A_86 = arith.constant 3968 : i32
      %dma_wait3A_87 = tpu.memref_slice %arg4[%dma_wait3A_85, %while3A_18, %dma_wait3A_86] : memref<129x200x4096xf32, #tpu.memory_space<hbm>> -> memref<129x1x128xf32, #tpu.memory_space<hbm>>
      tpu.wait_dma2 semaphore(%arg10 : memref<!tpu.dma_semaphore, #tpu.memory_space<semaphore_mem>>) src(%arg8 : memref<129x1x128xf32, #tpu.memory_space<vmem>>) dst(%dma_wait3A_87 : memref<129x1x128xf32, #tpu.memory_space<hbm>>)
    }
    return
  }
}

module attributes {stable_mosaic.version = 14 : i64} {
  func.func @body(%arg0: memref<32x128xf32, #tpu.memory_space<vmem>>, %arg1: memref<32x1xf32, #tpu.memory_space<vmem>>, %arg2: memref<200x129xf32, #tpu.memory_space<vmem>>, %arg3: memref<200x129x32xf32, #tpu.memory_space<vmem>>) attributes {dimension_semantics = [], scalar_prefetch = 0 : i64, scratch_operands = 0 : i64, tpu.core_type = #tpu.core_type<tc>} {
    %get3A = arith.constant 0 : index
    %get3A_0 = arith.constant 0 : index
    %get3A_1 = vector.load %arg0[%get3A, %get3A_0] : memref<32x128xf32, #tpu.memory_space<vmem>>, vector<32x128xf32>
    %get3A_2 = arith.constant 0 : index
    %get3A_3 = arith.constant 0 : index
    %get3A_4 = vector.load %arg1[%get3A_2, %get3A_3] : memref<32x1xf32, #tpu.memory_space<vmem>>, vector<32x1xf32>
    %concatenate3A = tpu.concatenate %get3A_1, %get3A_4 in 1 : vector<32x128xf32>, vector<32x1xf32> -> vector<32x129xf32>
    %transpose3A = tpu.transpose %concatenate3A, [1, 0] : vector<32x129xf32> -> vector<129x32xf32>
    %broadcast_in_dim3A = vector.shape_cast %transpose3A : vector<129x32xf32> to vector<1x129x32xf32>
    %get3A_5 = arith.constant 0 : index
    %get3A_6 = arith.constant 0 : index
    %get3A_7 = vector.load %arg2[%get3A_5, %get3A_6] : memref<200x129xf32, #tpu.memory_space<vmem>>, vector<200x129xf32>
    %broadcast_in_dim3A_8 = vector.shape_cast %get3A_7 : vector<200x129xf32> to vector<200x129x1xf32>
    %add3A = vector.broadcast %broadcast_in_dim3A : vector<1x129x32xf32> to vector<200x129x32xf32>
    %add3A_9 = vector.broadcast %broadcast_in_dim3A_8 : vector<200x129x1xf32> to vector<200x129x32xf32>
    %add3A_10 = arith.addf %add3A, %add3A_9 : vector<200x129x32xf32>
    %swap3A = arith.constant 0 : index
    %swap3A_11 = arith.constant 0 : index
    %swap3A_12 = arith.constant 0 : index
    %swap3A_13 = vector.load %arg3[%swap3A, %swap3A_11, %swap3A_12] : memref<200x129x32xf32, #tpu.memory_space<vmem>>, vector<200x129x32xf32>
    tpu.vector_store %arg3[%swap3A, %swap3A_11, %swap3A_12], %add3A_10 {strides = array<i32>} : memref<200x129x32xf32, #tpu.memory_space<vmem>>, vector<200x129x32xf32>,
    return
  }
}

</mosaic_0001>

<sc_bundles>
// kernel: kernel.4.cloned.1.call-start
scs
__scs_entry_jumppad:
0x0: {  	(pc) =	sbr.rel $0x88, $3  }
0x1: {  	(tag) =	ssettag $0x0;
	lr =	simm.s32 $0x1  }
0x2: {  	[smem:$0x3F9D] =	sst lr;
	_ =	strace $0xD0000000  }
0x3: {  	_ = 	snop  }
0x4: {  	_ = 	snop  }
0x5: {  	_ = 	snop  }
0x6: {  	_ = 	snop  }
0x7: {  	_ = 	snop  }
__scs_overlays_trampoline_lowered:
0x8: {  	[smem:$0x3FAC] =	sst s0  }
0x9: {  	[smem:$0x3FAD] =	sst s1  }
0xa: {  	[smem:$0x3FAE] =	sst s2  }
0xb: {  	[smem:$0x3FAF] =	sst s3  }
0xc: {  	[smem:$0x3FB0] =	sst s4  }
0xd: {  	[smem:$0x3FB1] =	sst s5  }
0xe: {  	[smem:$0x3FB2] =	sst s6  }
0xf: {  	[smem:$0x3FB3] =	sst s7  }
0x10: {  	[smem:$0x3FB4] =	sst s8  }
0x11: {  	[smem:$0x3FB5] =	sst s9;
	s0 =	simm.s32 @!p0 $0x0  }
0x12: {  	s1 =	sld [smem:$0x3F9B];
	s0 =	simm.s32 @p0 $0x1  }
0x13: {  	[smem:$0x3FB6] =	sst s0;
	s0 =	simm.s32 @!p1 $0x0  }
0x14: {  	s2 =	sld [smem:$0x3F9A];
	s0 =	simm.s32 @p1 $0x1  }
0x15: {  	[smem:$0x3FB7] =	sst s0;
	s0 =	simm.s32 @!p2 $0x0  }
0x16: {  	s3 =	sld [smem:$0x3FDB];
	s0 =	simm.s32 @p2 $0x1  }
0x17: {  	s4 =	simm.s32 $0x1BF5;
	[smem:$0x3FB9] =	sst s0  }
0x18: {  	s0 =	sld [smem:$0x3F9C];
	_ =	swait.ge [sflag:s4], $0x0  }
0x19: {  	s7 =	sld [smem:$0x3F9D]  }
0x1a: {  	s8 =	sadd.s32 $0xFFFFE003, lr  }
0x1b: {  	s9 =	sadd.s32 $0xFFFFFEF7, lr;
	s5 =	simm.s32 $0xFFFFFFFF;
	p2 =	slt.u32 s8, $0xFFFFF086  }
0x1c: {  	p1 =	slt.u32 s9, $0xF7A;
	s5 =	simm.s32 @!p2 $0x0  }
0x1d: {  	s5 =	simm.s32 @p1 $0x1;
	p0 =	seq.s32 s7, s2  }
0x1e: {  	s7 =	smul.u32 @!p0 $0xF7A, s2;
	p2 =	seq.s32 @!p0 s5, $0x0  }
0x1f: {  	s9 =	smul.u32 $0xF7A, s1;
	s8 =	simm.s32 @!p0 $0x1BF5;
	p2 =	por !p2, p0  }
0x20: {  	[sflag:s8] =	ssyncset.s32 @!p0 $0xFFFFF086;
	s6 =	sadd.s32 @!p0 s3, s7;
	s7 =	simm.s32 @!p0 $0x108  }
0x21: {  	s3 =	sadd.s32 s3, s9;
	s6 =	sadd.s32 @!p0 $0x88, s6;
	s7 =	simm.s32 @p2 $0x1082  }
0x22: {  	[simem:s7], [sflag:s8] =	dma.local @!p0 [hbm:s6], $0xF7A  }
0x23: {  	s9 =	sor.u32 $0xD0000000, s2;
	s6 =	simm.s32 $0x108;
	_ =	swait.ge @!p0 [sflag:s8], $0x0  }
0x24: {  	s3 =	sadd.s32 $0x88, s3;
	s6 =	simm.s32 @!p1 $0x1082;
	[sflag:s4] =	ssyncset.s32 $0xFFFFF086  }
0x25: {  	[simem:s6], [sflag:s4] =	dma.local [hbm:s3], $0xF7A  }
0x26: {  	[smem:$0x3F9D] =	sst s1;
	(tag) =	ssettag s2;
	_ =	strace s9  }
0x27: {  	s1 =	sld [smem:$0x3FAD]  }
0x28: {  	s2 =	sld [smem:$0x3FAE]  }
0x29: {  	s4 =	sld [smem:$0x3FB0]  }
0x2a: {  	p0 =	seq.s32 s5, $0x0;
	s5 =	sld [smem:$0x3FB1]  }
0x2b: {  	s6 =	sld [smem:$0x3FB2]  }
0x2c: {  	s7 =	sld [smem:$0x3FB3]  }
0x2d: {  	s3 =	simm.s32 $0x108;
	s8 =	sld [smem:$0x3FB4]  }
0x2e: {  	s3 =	simm.s32 @!p0 $0x1082;
	s9 =	sld [smem:$0x3FB5]  }
0x2f: {  	lr =	sadd.s32 s0, s3;
	s0 =	sld [smem:$0x3FAC]  }
0x30: {  	s3 =	sld [smem:$0x3FAF]  }
0x31: {  	[smem:$0x3FB8] =	sst s10  }
0x32: {  	s10 =	sld [smem:$0x3FB6];
	_ =	sdelay $0x3  }
0x33: {  	p0 =	seq.s32 s10, $0x1;
	s10 =	sld [smem:$0x3FB8];
	_ =	sdelay $0x3  }
0x34: {  	[smem:$0x3FB8] =	sst s10  }
0x35: {  	s10 =	sld [smem:$0x3FB7];
	_ =	sdelay $0x3  }
0x36: {  	p1 =	seq.s32 s10, $0x1;
	s10 =	sld [smem:$0x3FB8];
	_ =	sdelay $0x3  }
0x37: {  	[smem:$0x3FB8] =	sst s10  }
0x38: {  	s10 =	sld [smem:$0x3FB9]  }
0x39: {  	_ = 	snop;
	(pc) =	sbr.ind lr, $3  }
0x3a: {  	_ = 	snop  }
0x3b: {  	_ = 	snop  }
0x3c: {  	p2 =	seq.s32 s10, $0x1;
	s10 =	sld [smem:$0x3FB8]  }
0x3d: {  	_ =	shalt  }
0x3e: {  	_ =	shalt  }
0x3f: {  	_ =	shalt  }
0x40: {  	_ =	shalt  }
0x41: {  	_ =	shalt  }
0x42: {  	_ =	shalt  }
0x43: {  	_ =	shalt  }
0x44: {  	_ =	shalt  }
0x45: {  	_ =	shalt  }
0x46: {  	_ =	shalt  }
0x47: {  	_ =	shalt  }
0x48: {  	_ =	shalt  }
0x49: {  	_ =	shalt  }
0x4a: {  	_ =	shalt  }
0x4b: {  	_ =	shalt  }
0x4c: {  	_ =	shalt  }
0x4d: {  	_ =	shalt  }
0x4e: {  	_ =	shalt  }
0x4f: {  	_ =	shalt  }
0x50: {  	_ =	shalt  }
0x51: {  	_ =	shalt  }
0x52: {  	_ =	shalt  }
0x53: {  	_ =	shalt  }
0x54: {  	_ =	shalt  }
0x55: {  	_ =	shalt  }
0x56: {  	_ =	shalt  }
0x57: {  	_ =	shalt  }
0x58: {  	_ =	shalt  }
0x59: {  	_ =	shalt  }
0x5a: {  	_ =	shalt  }
0x5b: {  	_ =	shalt  }
0x5c: {  	_ =	shalt  }
0x5d: {  	_ =	shalt  }
0x5e: {  	_ =	shalt  }
0x5f: {  	_ =	shalt  }
0x60: {  	_ =	shalt  }
0x61: {  	_ =	shalt  }
0x62: {  	_ =	shalt  }
0x63: {  	_ =	shalt  }
0x64: {  	_ =	shalt  }
0x65: {  	_ =	shalt  }
0x66: {  	_ =	shalt  }
0x67: {  	_ =	shalt  }
0x68: {  	_ =	shalt  }
0x69: {  	_ =	shalt  }
0x6a: {  	_ =	shalt  }
0x6b: {  	_ =	shalt  }
0x6c: {  	_ =	shalt  }
0x6d: {  	_ =	shalt  }
0x6e: {  	_ =	shalt  }
0x6f: {  	_ =	shalt  }
0x70: {  	_ =	shalt  }
0x71: {  	_ =	shalt  }
0x72: {  	_ =	shalt  }
0x73: {  	_ =	shalt  }
0x74: {  	_ =	shalt  }
0x75: {  	_ =	shalt  }
0x76: {  	_ =	shalt  }
0x77: {  	_ =	shalt  }
0x78: {  	_ =	shalt  }
0x79: {  	_ =	shalt  }
0x7a: {  	_ =	shalt  }
0x7b: {  	_ =	shalt  }
0x7c: {  	_ =	shalt  }
0x7d: {  	_ =	shalt  }
0x7e: {  	_ =	shalt  }
0x7f: {  	_ =	shalt  }
0x80: {  	_ =	shalt  }
0x81: {  	_ =	shalt  }
0x82: {  	_ =	shalt  }
0x83: {  	_ =	shalt  }
0x84: {  	_ =	shalt  }
0x85: {  	_ =	shalt  }
0x86: {  	_ =	shalt  }
0x87: {  	_ =	shalt  }
.Lfunc_end0:
.L_simem_size_0:
called_computation_lowered:
.L_overlay_start_0:
0x88: {  	s2 =	sld [smem:$0x3FD9]  }
0x89: {  	s3 =	sld [smem:$0x3FFE];
	_ =	sdelay $0x1  }
0x8a: {  	s1 =	srdreg.scid  }
0x8b: {  	s0 =	sand.u32 $0x1, s1  }
0x8c: {  	s17 =	sshll.u32 s0, $0xA;
	s2 =	sadd.s32 s3, s2  }
0x8d: {  	s2 =	sadd.s32 s2, s17  }
0x8e: {  	[smem:$0x3FC4] =	sst s2  }
0x8f: {  	_ = 	snop  }
0x90: {  	s2 =	sld [smem:$0x3FD0];
	(tm) =	ssettm $0x1  }
0x91: {  	s18 =	sld [smem:$0x3FFB];
	_ =	sdelay $0x3  }
0x92: {  	_ =	strace s18  }
0x93: {  	s3 =	sld [smem:$0x3FFC];
	_ =	sdelay $0x3  }
0x94: {  	_ =	strace s3  }
0x95: {  	s3 =	sld [smem:$0x3FFD];
	_ =	sdelay $0x3  }
0x96: {  	_ =	strace s3  }
0x97: {  	_ =	strace $0x8FFFFFFF  }
0x98: {  	s19 =	sld [smem:$0x3FDB];
	_ =	sdelay $0x1  }
0x99: {  	s4 =	simm.s32 $_scs_section_size  }
0x9a: {  	s5 =	simm.s32 $_size__tile_overlayer_lowered;
	s6 =	simm.s32 $_tile_overlayer_lowered  }
0x9b: {  	s22 =	simm.s32 $0x1BFF;
	s21 =	sshll.u32 s6, $0x1;
	s3 =	sadd.s32 s4, s19  }
0x9c: {  	s7 =	simm.s32 $0x0;
	s20 =	sshll.u32 s5, $0x1;
	s5 =	sadd.s32 s21, s3  }
0x9d: {  	[timem:s7], [sflag:s22] =	dma.local [hbm:s5], s20  }
0x9e: {  	_ =	swait.ge [sflag:s22], s20  }
0x9f: {  	s4 =	ssub.s32 $0x0, s20;
	[sflag:s22] =	ssyncset.done $0x0  }
0xa0: {  	[sflag:s22] =	ssyncadd.s32 s4;
	_ =	sdelay $0x1  }
0xa1: {  	s23 =	simm.s32 $0x1B8B  }
0xa2: {  	_ =	swait.ge [sflag:s23], $0x1  }
0xa3: {  	[sflag:s23] =	ssyncset.done $0x0  }
0xa4: {  	s25 =	simm.s32 $0x1B8E;
	s24 =	sld [smem:$0x3FFE];
	[sflag:s23] =	ssyncadd.s32 $0xFFFFFFFF  }
0xa5: {  	s26 =	simm.s32 $execute0_lowered;
	[smem:$0x3FD2] =	sst s25  }
0xa6: {  	s5 =	sshll.u32 s26, $0x1;
	_ =	strace $0x80000046;
	[dreg:$0x1] =	wrdreg $0xFFFFFFFF  }
0xa7: {  	s28 =	simm.s32 $_size_execute0_lowered;
	s3 =	sadd.s32 s3, s5;
	[dreg:$0x0] =	wrdreg $0x0  }
0xa8: {  	s5 =	sshll.u32 s28, $0x1;
	[dreg:$0x2] =	wrdreg s3  }
0xa9: {  	[dreg:$0x3] =	wrdreg s5  }
0xaa: {  	[dreg:$0x4] =	wrdreg $0xC0  }
0xab: {  	_ =	task [dreg:s7], $0x5FFFF  }
0xac: {  	[dreg:$0x1] =	wrdreg $0xFFFFFFFF  }
0xad: {  	[dreg:$0x0] =	wrdreg $0x60  }
0xae: {  	[dreg:$0x2] =	wrdreg s24  }
0xaf: {  	[dreg:$0x3] =	wrdreg s2  }
0xb0: {  	[dreg:$0x4] =	wrdreg $0x9  }
0xb1: {  	_ =	task.clear_ibuf [dreg:s7], $0x5FFFF;
	_ =	strace $0x90000046  }
0xb2: {  	s29 =	simm.s32 $0x9;
	_ =	strace $0x80000048  }
0xb3: {  	_ =	swait.ge [sflag:s29], $0x1  }
0xb4: {  	[sflag:s29] =	ssyncadd.s32 $0xFFFFFFFF  }
0xb5: {  	_ =	strace $0x90000048  }
0xb6: {  	_ =	sfence  }
0xb7: {  	s30 =	sld [smem:$0x0];
	_ =	sdelay $0x2  }
0xb8: {  	s31 =	sshll.u32 s1, $0xD;
	s1 =	sshrl.u32 s1, $0x2  }
0xb9: {  	s3 =	sand.u32 $0x4000, s31;
	s1 =	sadd.s32 s1, s30  }
0xba: {  	s0 =	sor.u32 s3, s0;
	s1 =	sshll.u32 s1, $0x11  }
0xbb: {  	s0 =	sor.u32 s1, s0  }
0xbc: {  	s0 =	sadd.s32 $0x8F2B, s0  }
0xbd: {  	[sflag:s0] =	ssyncadd.remote.s32 $0x1  }
0xbe: {  	_ =	sfence.sel $0xFFFF  }
0xbf: {  	[dreg:$0x0] =	wrdreg $0xFFFFFFFF;
	(pc) =	sbr.abs _section_cstart, $3  }
0xc0: {  	[dreg:$0x1] =	wrdreg $0xFFFFFFFF  }
0xc1: {  	_ =	task.clear_ibuf [dreg:s7], $0x2FFFF;
	_ =	strace $0x9FFFFFFF  }
0xc2: {  	(tm) =	ssettm $0x7FFFFFFF  }
0xc3: {  	_ =	shalt  }
tec
execute0_lowered:
.L_overlay_start_1:
0x0: {  	(tag) =	ssettag $0x1  }
0x1: {  	s0 =	rddreg [dreg:$0x0]  }
0x2: {  	s1 =	rddreg [dreg:$0x1];
	s3 =	simm.s32 $0x0;
	s2 =	srdreg.scid  }
0x3: {  	s5 =	stileid.u32;
	s7 =	simm.s32 $0x7;
	s10 =	simm.s32 $0x3  }
0x4: {  	s12 =	simm.s32 $0x80;
	s13 =	simm.s32 $0xC8000;
	s14 =	simm.s32 $0x2080  }
0x5: {  	s15 =	simm.s32 $0x6100;
	s16 =	simm.s32 $0x1;
	[smem:$0x7FF] =	sst s3  }
0x6: {  	s2 =	sand.u32 $0x1, s2;
	s4 =	sshll.u32 s5, $0x1;
	s6 =	sadd.s32 $0x19600, s0  }
0x7: {  	s0 =	sadd.s32 $0x600, s0;
	s30 =	ssub.s32 $0x2, s2;
	s2 =	sor.u32 s2, s4  }
0x8: {  	p0 =	slt.u32 s5, $0x4;
	_ =	strace $0x80000047;
	s4 =	smul.u32 $0x6, s2  }
0x9: {  	[dreg:$0x3] =	wrdreg s6;
	s31 =	sshrl.u32 s30, $0x1;
	s2 =	smin.u32 s2, $0x8  }
0xa: {  	[dreg:$0x4] =	wrdreg s0;
	s0 =	ssub.s32 s30, s31;
	s2 =	sadd.s32 s2, s4  }
0xb: {  	s7 =	simm.s32 @!p0 $0x6;
	s0 =	smax.u32 s0, $0x1;
	[dreg:$0x5] =	wrdreg s2  }
0xc: {  	s17 =	simm.s32 $0x2;
	s2 =	sadd.s32 s2, s7;
	[dreg:$0x7] =	wrdreg s0  }
0xd: {  	s8 =	sadd.s32 $0x80, s1;
	[dreg:$0x6] =	wrdreg s2;
	s2 =	simm.s32 $0x0  }
.LBB2_1:
0xe: {  	[dreg:$0x8] =	wrdreg s2  }
0xf: {  	s19 =	rddreg [dreg:$0x5]  }
.LBB2_2:
0x10: {  	s0 =	smul.u32 $0x204, s19  }
0x11: {  	s2 =	rddreg [dreg:$0x3]  }
0x12: {  	s23 =	simm.s32 $0x0;
	s0 =	sadd.s32 s2, s0  }
0x13: {  	[tilespmem:s23], [sflag:$0x3] =	stream.linear.gather [hbm4b:s0+s23], $0x1020, $0x38;
	[tilespmem:$0xA180] =	vst v63  }
0x14: {  	s26 =	sshll.u32 s19, $0x9;
	_ =	swait.ge [sflag:s10], $0x1020  }
0x15: {  	s0 =	sand.u32 $0x1FFFFE00, s26;
	[sflag:s10] =	ssyncset.done $0x0;
	s28 =	rddreg [dreg:$0x4]  }
0x16: {  	s29 =	simm.s32 $0x1080;
	[sflag:s10] =	ssyncadd.s32 $0xFFFFEFE0;
	s0 =	sadd.s32 s28, s0  }
0x17: {  	[tilespmem:s29], [sflag:$0x3] =	stream.linear.gather [hbm4b:s0+s23], $0x1000, $0x38;
	[tilespmem:$0xA180] =	vst v63  }
0x18: {  	_ =	swait.ge [sflag:s10], $0x1000  }
0x19: {  	[sflag:s10] =	ssyncset.done $0x0  }
0x1a: {  	[sflag:s10] =	ssyncadd.s32 $0xFFFFF000  }
0x1b: {  	v7 =	vld [tilespmem:$0x1080];
	_ =	sdelay $0x1  }
0x1c: {  	v6 =	vld [tilespmem:$0x1090]  }
0x1d: {  	v5 =	vld [tilespmem:$0x10A0]  }
0x1e: {  	s22 =	simm.s32 $0x20;
	v4 =	vld [tilespmem:$0x10B0]  }
0x1f: {  	s9 =	simm.s32 $0x80;
	v0 =	vld [tilespmem:$0x10C0];
	v8 =	vadd.s32 s22, v7  }
0x20: {  	s21 =	simm.s32 $0xE0;
	v1 =	vld [tilespmem:$0x10D0];
	v9 =	vadd.s32 s9, v7  }
0x21: {  	s6 =	simm.s32 $0x60;
	v2 =	vld [tilespmem:$0x10E0];
	v10 =	vadd.s32 s21, v7  }
0x22: {  	s30 =	simm.s32 $0xA0;
	v3 =	vld [tilespmem:$0x10F0];
	v11 =	vadd.s32 s6, v7  }
0x23: {  	s31 =	simm.s32 $0x40;
	v12 =	vadd.s32 s30, v7;
	v13 =	vld.idx.msk [tilespmem:v7+s3+$0x0], $0xffff  }
0x24: {  	s24 =	simm.s32 $0xC0;
	v14 =	vadd.s32 s31, v7;
	v8 =	vld.idx.msk [tilespmem:v8+s3+$0x0], $0xffff  }
0x25: {  	v18 =	vadd.s32 s24, v7;
	v9 =	vld.idx.msk [tilespmem:v9+s3+$0x0], $0xffff  }
0x26: {  	v10 =	vld.idx.msk [tilespmem:v10+s3+$0x0], $0xffff  }
0x27: {  	v15 =	vadd.s32 s9, v6;
	v11 =	vld.idx.msk [tilespmem:v11+s3+$0x0], $0xffff  }
0x28: {  	s20 =	simm.s32 $0x2280;
	v16 =	vadd.s32 s22, v6;
	v12 =	vld.idx.msk [tilespmem:v12+s3+$0x0], $0xffff  }
0x29: {  	v17 =	vadd.s32 s6, v6;
	v14 =	vld.idx.msk [tilespmem:v14+s3+$0x0], $0xffff;
	[tilespmem:s20+$0xFFFFFE00] =	vst v13  }
0x2a: {  	v18 =	vld.idx.msk [tilespmem:v18+s3+$0x0], $0xffff;
	v13 =	vadd.s32 s30, v6;
	[tilespmem:s20+$0x0] =	vst v9  }
0x2b: {  	v19 =	vld.idx.msk [tilespmem:v6+s3+$0x0], $0xffff;
	v9 =	vadd.s32 s21, v6;
	[tilespmem:s20+$0xFFFFFE80] =	vst v8  }
0x2c: {  	[tilespmem:s20+$0xFFFFFF80] =	vst v11;
	v11 =	vadd.s32 s31, v6;
	v8 =	vld.idx.msk [tilespmem:v15+s3+$0x0], $0xffff  }
0x2d: {  	[tilespmem:s20+$0x80] =	vst v12;
	v15 =	vld.idx.msk [tilespmem:v16+s3+$0x0], $0xffff;
	v16 =	vadd.s32 s9, v5  }
0x2e: {  	[tilespmem:s20+$0x180] =	vst v10;
	v12 =	vld.idx.msk [tilespmem:v17+s3+$0x0], $0xffff  }
0x2f: {  	[tilespmem:s20+$0xFFFFFF00] =	vst v14;
	v17 =	vadd.s32 s6, v5;
	v13 =	vld.idx.msk [tilespmem:v13+s3+$0x0], $0xffff  }
0x30: {  	v10 =	vadd.s32 s30, v5;
	[tilespmem:s20+$0x100] =	vst v18;
	v9 =	vld.idx.msk [tilespmem:v9+s3+$0x0], $0xffff  }
0x31: {  	v11 =	vld.idx.msk [tilespmem:v11+s3+$0x0], $0xffff;
	[tilespmem:s20+$0x10] =	vst v8;
	v8 =	vadd.s32 s24, v6  }
0x32: {  	[tilespmem:s20+$0xFFFFFE10] =	vst v19;
	v14 =	vld.idx.msk [tilespmem:v16+s3+$0x0], $0xffff;
	v16 =	vadd.s32 s31, v5  }
0x33: {  	v19 =	vld.idx.msk [tilespmem:v5+s3+$0x0], $0xffff;
	[tilespmem:s20+$0xFFFFFF90] =	vst v12;
	v12 =	vadd.s32 s9, v4  }
0x34: {  	[tilespmem:s20+$0x90] =	vst v13;
	v13 =	vld.idx.msk [tilespmem:v17+s3+$0x0], $0xffff  }
0x35: {  	[tilespmem:s20+$0xFFFFFE90] =	vst v15;
	v17 =	vadd.s32 s6, v4;
	v10 =	vld.idx.msk [tilespmem:v10+s3+$0x0], $0xffff  }
0x36: {  	v18 =	vadd.s32 s30, v4;
	[tilespmem:s20+$0xFFFFFF10] =	vst v11;
	v8 =	vld.idx.msk [tilespmem:v8+s3+$0x0], $0xffff  }
0x37: {  	v20 =	vadd.s32 s22, v5;
	[tilespmem:s20+$0x20] =	vst v14;
	v14 =	vld.idx.msk [tilespmem:v16+s3+$0x0], $0xffff  }
0x38: {  	[tilespmem:s20+$0xFFFFFE20] =	vst v19;
	v11 =	vld.idx.msk [tilespmem:v12+s3+$0x0], $0xffff;
	v12 =	vadd.s32 s24, v5  }
0x39: {  	v21 =	vld.idx.msk [tilespmem:v4+s3+$0x0], $0xffff;
	[tilespmem:s20+$0xFFFFFFA0] =	vst v13;
	v13 =	vadd.s32 s31, v4  }
0x3a: {  	v16 =	vld.idx.msk [tilespmem:v17+s3+$0x0], $0xffff;
	[tilespmem:s20+$0xA0] =	vst v10;
	v10 =	vadd.s32 s9, v0  }
0x3b: {  	[tilespmem:s20+$0x190] =	vst v9;
	v17 =	vadd.s32 s21, v5;
	v15 =	vld.idx.msk [tilespmem:v18+s3+$0x0], $0xffff  }
0x3c: {  	v18 =	vadd.s32 s6, v0;
	[tilespmem:s20+$0x110] =	vst v8;
	v8 =	vld.idx.msk [tilespmem:v20+s3+$0x0], $0xffff  }
0x3d: {  	[tilespmem:s20+$0xFFFFFF20] =	vst v14;
	v14 =	vadd.s32 s30, v0;
	v12 =	vld.idx.msk [tilespmem:v12+s3+$0x0], $0xffff  }
0x3e: {  	v9 =	vadd.s32 s22, v4;
	v13 =	vld.idx.msk [tilespmem:v13+s3+$0x0], $0xffff;
	[tilespmem:s20+$0x30] =	vst v11  }
0x3f: {  	v11 =	vadd.s32 s24, v4;
	v10 =	vld.idx.msk [tilespmem:v10+s3+$0x0], $0xffff  }
0x40: {  	v19 =	vadd.s32 s31, v0;
	[tilespmem:s20+$0xFFFFFFB0] =	vst v16;
	v16 =	vld.idx.msk [tilespmem:v17+s3+$0x0], $0xffff  }
0x41: {  	v17 =	vld.idx.msk [tilespmem:v18+s3+$0x0], $0xffff;
	v18 =	vadd.s32 s9, v1;
	[tilespmem:s20+$0xB0] =	vst v15  }
0x42: {  	[tilespmem:s20+$0xFFFFFEA0] =	vst v8;
	v8 =	vadd.s32 s6, v1;
	v14 =	vld.idx.msk [tilespmem:v14+s3+$0x0], $0xffff  }
0x43: {  	v9 =	vld.idx.msk [tilespmem:v9+s3+$0x0], $0xffff;
	[tilespmem:s20+$0x120] =	vst v12;
	v12 =	vadd.s32 s21, v4  }
0x44: {  	[tilespmem:s20+$0xFFFFFF30] =	vst v13;
	v13 =	vadd.s32 s30, v1;
	v11 =	vld.idx.msk [tilespmem:v11+s3+$0x0], $0xffff  }
0x45: {  	v15 =	vld.idx.msk [tilespmem:v19+s3+$0x0], $0xffff;
	[tilespmem:s20+$0x40] =	vst v10;
	v19 =	vadd.s32 s22, v0  }
0x46: {  	v10 =	vadd.s32 s24, v0;
	v18 =	vld.idx.msk [tilespmem:v18+s3+$0x0], $0xffff;
	[tilespmem:s20+$0xFFFFFFC0] =	vst v17  }
0x47: {  	[tilespmem:s20+$0x1A0] =	vst v16;
	v16 =	vadd.s32 s31, v1;
	v8 =	vld.idx.msk [tilespmem:v8+s3+$0x0], $0xffff  }
0x48: {  	v17 =	vadd.s32 s9, v2;
	[tilespmem:s20+$0xC0] =	vst v14;
	v12 =	vld.idx.msk [tilespmem:v12+s3+$0x0], $0xffff  }
0x49: {  	[tilespmem:s20+$0xFFFFFEB0] =	vst v9;
	v9 =	vadd.s32 s6, v2;
	v13 =	vld.idx.msk [tilespmem:v13+s3+$0x0], $0xffff  }
0x4a: {  	[tilespmem:s20+$0x130] =	vst v11;
	v11 =	vadd.s32 s21, v0;
	v14 =	vld.idx.msk [tilespmem:v19+s3+$0x0], $0xffff  }
0x4b: {  	[tilespmem:s20+$0xFFFFFF40] =	vst v15;
	v15 =	vadd.s32 s30, v2;
	v10 =	vld.idx.msk [tilespmem:v10+s3+$0x0], $0xffff  }
0x4c: {  	v19 =	vadd.s32 s22, v1;
	v16 =	vld.idx.msk [tilespmem:v16+s3+$0x0], $0xffff;
	[tilespmem:s20+$0x50] =	vst v18  }
0x4d: {  	v18 =	vadd.s32 s24, v1;
	v17 =	vld.idx.msk [tilespmem:v17+s3+$0x0], $0xffff;
	[tilespmem:s20+$0xFFFFFFD0] =	vst v8  }
0x4e: {  	v20 =	vadd.s32 s31, v2;
	v23 =	vld.idx.msk [tilespmem:v9+s3+$0x0], $0xffff;
	[tilespmem:s20+$0x1B0] =	vst v12  }
0x4f: {  	v24 =	vadd.s32 s9, v3;
	[tilespmem:s20+$0xD0] =	vst v13;
	v22 =	vld.idx.msk [tilespmem:v11+s3+$0x0], $0xffff  }
0x50: {  	v31 =	vadd.s32 s21, v1;
	v34 =	vadd.s32 s6, v3;
	v13 =	vld.idx.msk [tilespmem:v15+s3+$0x0], $0xffff;
	[tilespmem:s20+$0xFFFFFEC0] =	vst v14  }
0x51: {  	v33 =	vadd.s32 s30, v3;
	v27 =	vadd.s32 s21, v2;
	v8 =	vadd.s32 $0x100, v7;
	[tilespmem:s20+$0x140] =	vst v10;
	v26 =	vld.idx.msk [tilespmem:v19+s3+$0x0], $0xffff  }
0x52: {  	v29 =	vadd.s32 s31, v3;
	v9 =	vadd.s32 $0x100, v6;
	v35 =	vadd.s32 s23, v8;
	[tilespmem:s20+$0xFFFFFF50] =	vst v16;
	v25 =	vld.idx.msk [tilespmem:v18+s3+$0x0], $0xffff  }
0x53: {  	v12 =	vadd.s32 $0x100, v4;
	v14 =	vadd.s32 $0x100, v0;
	v15 =	vadd.s32 $0x100, v1;
	v30 =	vld.idx.msk [tilespmem:v20+s3+$0x0], $0xffff;
	[tilespmem:s20+$0x60] =	vst v17;
	v20 =	vmovc v0  }
0x54: {  	v11 =	vadd.s32 s22, v2;
	v10 =	vadd.s32 $0x100, v5;
	v16 =	vadd.s32 $0x100, v2;
	v28 =	vld.idx.msk [tilespmem:v24+s3+$0x0], $0xffff;
	[tilespmem:s20+$0xFFFFFFE0] =	vst v23  }
0x55: {  	v36 =	vadd.s32 s23, v14;
	v32 =	vadd.s32 s23, v15;
	v17 =	vadd.s32 $0x100, v3;
	v34 =	vld.idx.msk [tilespmem:v34+s3+$0x0], $0xffff;
	[tilespmem:s20+$0x1C0] =	vst v22  }
0x56: {  	s25 =	simm.s32 $0x0;
	s26 =	simm.s32 $0x100;
	s0 =	simm.s32 $0x2680;
	v19 =	vmovc v1;
	v18 =	vmovc v2;
	v24 =	vadd.s32 s23, v16;
	v22 =	vadd.s32 s23, v17;
	[tilespmem:s20+$0xE0] =	vst v13;
	v13 =	vmov v3;
	v31 =	vld.idx.msk [tilespmem:v31+s3+$0x0], $0xffff  }
.LBB2_3:
0x57: {  	s4 =	sadd.s32 $0x20, s26;
	s6 =	sadd.s32 $0x80, s26;
	s11 =	sadd.s32 $0xC0, s26;
	v37 =	vadd.s32 s23, v9;
	v38 =	vadd.s32 s23, v10;
	v23 =	vadd.s32 s23, v12;
	[tilespmem:s20+$0xFFFFFE30] =	vst v21;
	v21 =	vld.idx.msk [tilespmem:v33+s3+$0x0], $0xffff  }
0x58: {  	s2 =	sadd.s32 $0x40, s26;
	s9 =	sadd.s32 $0xA0, s26;
	s28 =	sadd.s32 $0xE0, s26;
	v33 =	vadd.s32 s4, v7;
	v39 =	vadd.s32 s6, v7;
	v40 =	vadd.s32 s11, v7;
	v41 =	vld.idx.msk [tilespmem:v20+s3+$0x0], $0xffff;
	v20 =	vmovc v36  }
0x59: {  	s18 =	sadd.s32 $0x60, s26;
	s25 =	sadd.s32 $0x8, s25;
	s23 =	smov.u32 s26;
	v36 =	vadd.s32 s2, v7;
	v42 =	vadd.s32 s9, v7;
	v43 =	vadd.s32 s28, v7;
	[tilespmem:s20+$0xFFFFFF60] =	vst v30  }
0x5a: {  	v44 =	vadd.s32 s18, v7;
	p0 =	slt.u32 s25, $0x78;
	v30 =	vadd.s32 s4, v2;
	v29 =	vld.idx.msk [tilespmem:v29+s3+$0x0], $0xffff;
	[tilespmem:s20+$0x70] =	vst v28  }
0x5b: {  	v28 =	vld.idx.msk [tilespmem:v35+s3+$0x0], $0xffff;
	[tilespmem:s20+$0xFFFFFED0] =	vst v26  }
0x5c: {  	v26 =	vld.idx.msk [tilespmem:v11+s3+$0x0], $0xffff;
	[tilespmem:s20+$0xFFFFFFF0] =	vst v34;
	v11 =	vmov v30  }
0x5d: {  	v30 =	vld.idx.msk [tilespmem:v33+s3+$0x0], $0xffff;
	[tilespmem:s20+$0x1D0] =	vst v31  }
0x5e: {  	v31 =	vadd.s32 s22, v3;
	s22 =	smov.u32 s4;
	[tilespmem:s20+$0xFFFFFE40] =	vst v41;
	v27 =	vld.idx.msk [tilespmem:v27+s3+$0x0], $0xffff  }
0x5f: {  	v33 =	vadd.s32 s22, v6;
	v34 =	vld.idx.msk [tilespmem:v43+s3+$0x0], $0xffff;
	[tilespmem:s20+$0xF0] =	vst v21  }
0x60: {  	v35 =	vadd.s32 s28, v6;
	v21 =	vld.idx.msk [tilespmem:v39+s3+$0x0], $0xffff;
	[tilespmem:s20+$0xFFFFFF70] =	vst v29  }
0x61: {  	[tilespmem:s0+$0xFFFFFE00] =	vst v28;
	v28 =	vadd.s32 s6, v6;
	v29 =	vld.idx.msk [tilespmem:v19+s3+$0x0], $0xffff;
	v19 =	vmov v32  }
0x62: {  	v39 =	vadd.s32 s9, v6;
	v32 =	vld.idx.msk [tilespmem:v44+s3+$0x0], $0xffff;
	[tilespmem:s20+$0xFFFFFEE0] =	vst v26  }
0x63: {  	[tilespmem:s0+$0xFFFFFE80] =	vst v30;
	v26 =	vld.idx.msk [tilespmem:v31+s3+$0x0], $0xffff  }
0x64: {  	v30 =	vadd.s32 s2, v6;
	v31 =	vld.idx.msk [tilespmem:v42+s3+$0x0], $0xffff;
	[tilespmem:s20+$0x1E0] =	vst v27  }
0x65: {  	v27 =	vld.idx.msk [tilespmem:v36+s3+$0x0], $0xffff;
	v36 =	vadd.s32 s18, v6;
	[tilespmem:s0+$0x180] =	vst v34;
	v34 =	vadd.s32 s21, v3;
	s21 =	smov.u32 s28  }
0x66: {  	v41 =	vadd.s32 s22, v5;
	v37 =	vld.idx.msk [tilespmem:v37+s3+$0x0], $0xffff;
	[tilespmem:s0+$0x0] =	vst v21  }
0x67: {  	v21 =	vld.idx.msk [tilespmem:v33+s3+$0x0], $0xffff;
	v33 =	vadd.s32 s21, v5;
	[tilespmem:s20+$0xFFFFFE50] =	vst v29  }
0x68: {  	v29 =	vadd.s32 s6, v5;
	v28 =	vld.idx.msk [tilespmem:v28+s3+$0x0], $0xffff;
	[tilespmem:s20+$0x150] =	vst v25  }
0x69: {  	v25 =	vadd.s32 s9, v5;
	v40 =	vld.idx.msk [tilespmem:v40+s3+$0x0], $0xffff;
	[tilespmem:s20+$0xFFFFFEF0] =	vst v26  }
0x6a: {  	v26 =	vadd.s32 s11, v6;
	[tilespmem:s0+$0x80] =	vst v31;
	v31 =	vadd.s32 s24, v2;
	v34 =	vld.idx.msk [tilespmem:v34+s3+$0x0], $0xffff  }
0x6b: {  	v42 =	vadd.s32 s2, v5;
	[tilespmem:s0+$0xFFFFFF80] =	vst v32;
	v32 =	vld.idx.msk [tilespmem:v39+s3+$0x0], $0xffff  }
0x6c: {  	[tilespmem:s0+$0xFFFFFE10] =	vst v37;
	v36 =	vld.idx.msk [tilespmem:v36+s3+$0x0], $0xffff;
	v37 =	vadd.s32 s18, v5  }
0x6d: {  	[tilespmem:s0+$0xFFFFFE90] =	vst v21;
	v21 =	vld.idx.msk [tilespmem:v35+s3+$0x0], $0xffff  }
0x6e: {  	v35 =	vld.idx.msk [tilespmem:v38+s3+$0x0], $0xffff;
	[tilespmem:s0+$0x10] =	vst v28  }
0x6f: {  	[tilespmem:s0+$0x100] =	vst v40;
	v28 =	vld.idx.msk [tilespmem:v31+s3+$0x0], $0xffff  }
0x70: {  	[tilespmem:s0+$0xFFFFFF00] =	vst v27;
	v27 =	vld.idx.msk [tilespmem:v29+s3+$0x0], $0xffff  }
0x71: {  	v29 =	vld.idx.msk [tilespmem:v30+s3+$0x0], $0xffff;
	[tilespmem:s0+$0x90] =	vst v32;
	v30 =	vadd.s32 s24, v3;
	s24 =	smov.u32 s11  }
0x72: {  	v31 =	vadd.s32 s6, v4;
	[tilespmem:s0+$0xFFFFFF90] =	vst v36;
	v32 =	vld.idx.msk [tilespmem:v18+s3+$0x0], $0xffff;
	v18 =	vmov v24  }
0x73: {  	v24 =	vld.idx.msk [tilespmem:v37+s3+$0x0], $0xffff;
	[tilespmem:s0+$0x190] =	vst v21  }
0x74: {  	[tilespmem:s0+$0xFFFFFE20] =	vst v35;
	v21 =	vld.idx.msk [tilespmem:v25+s3+$0x0], $0xffff  }
0x75: {  	v25 =	vadd.s32 s18, v4;
	v26 =	vld.idx.msk [tilespmem:v26+s3+$0x0], $0xffff;
	[tilespmem:s20+$0x160] =	vst v28  }
0x76: {  	[tilespmem:s0+$0x20] =	vst v27;
	v27 =	vadd.s32 s9, v4;
	v28 =	vld.idx.msk [tilespmem:v30+s3+$0x0], $0xffff  }
0x77: {  	[tilespmem:s0+$0xFFFFFF10] =	vst v29;
	v29 =	vld.idx.msk [tilespmem:v31+s3+$0x0], $0xffff  }
0x78: {  	v31 =	vadd.s32 s24, v5;
	v30 =	vld.idx.msk [tilespmem:v42+s3+$0x0], $0xffff;
	[tilespmem:s20+$0xFFFFFE60] =	vst v32  }
0x79: {  	[tilespmem:s0+$0xFFFFFFA0] =	vst v24;
	v24 =	vld.idx.msk [tilespmem:v13+s3+$0x0], $0xffff;
	v13 =	vmov v22  }
0x7a: {  	v22 =	vadd.s32 s2, v4;
	v25 =	vld.idx.msk [tilespmem:v25+s3+$0x0], $0xffff;
	[tilespmem:s0+$0xA0] =	vst v21  }
0x7b: {  	v32 =	vadd.s32 s6, v0;
	v27 =	vld.idx.msk [tilespmem:v27+s3+$0x0], $0xffff;
	[tilespmem:s0+$0x110] =	vst v26  }
0x7c: {  	v26 =	vld.idx.msk [tilespmem:v41+s3+$0x0], $0xffff;
	[tilespmem:s20+$0x170] =	vst v28  }
0x7d: {  	v28 =	vadd.s32 s18, v0;
	v31 =	vld.idx.msk [tilespmem:v31+s3+$0x0], $0xffff;
	[tilespmem:s20+$0x1F0] =	vst v34  }
0x7e: {  	v21 =	vld.idx.msk [tilespmem:v23+s3+$0x0], $0xffff;
	[tilespmem:s0+$0xFFFFFF20] =	vst v30;
	v23 =	vadd.s32 s9, v0  }
0x7f: {  	v22 =	vld.idx.msk [tilespmem:v22+s3+$0x0], $0xffff;
	[tilespmem:s0+$0x30] =	vst v29;
	v29 =	vadd.s32 s24, v4  }
0x80: {  	v30 =	vadd.s32 s22, v4;
	v32 =	vld.idx.msk [tilespmem:v32+s3+$0x0], $0xffff;
	[tilespmem:s20+$0xFFFFFE70] =	vst v24;
	s20 =	smov.u32 s0  }
0x81: {  	v24 =	vadd.s32 s2, v0;
	[tilespmem:s0+$0xFFFFFFB0] =	vst v25;
	v25 =	vld.idx.msk [tilespmem:v33+s3+$0x0], $0xffff  }
0x82: {  	v33 =	vadd.s32 s6, v1;
	v28 =	vld.idx.msk [tilespmem:v28+s3+$0x0], $0xffff;
	[tilespmem:s0+$0xB0] =	vst v27  }
0x83: {  	v27 =	vadd.s32 s21, v4;
	v23 =	vld.idx.msk [tilespmem:v23+s3+$0x0], $0xffff;
	[tilespmem:s0+$0x120] =	vst v31  }
0x84: {  	[tilespmem:s0+$0xFFFFFEA0] =	vst v26;
	v26 =	vadd.s32 s18, v1;
	v29 =	vld.idx.msk [tilespmem:v29+s3+$0x0], $0xffff  }
0x85: {  	v30 =	vld.idx.msk [tilespmem:v30+s3+$0x0], $0xffff;
	[tilespmem:s0+$0xFFFFFF30] =	vst v22;
	v22 =	vadd.s32 s9, v1  }
0x86: {  	v31 =	vadd.s32 s24, v0;
	v24 =	vld.idx.msk [tilespmem:v24+s3+$0x0], $0xffff;
	[tilespmem:s0+$0x40] =	vst v32  }
0x87: {  	v32 =	vadd.s32 s22, v0;
	v33 =	vld.idx.msk [tilespmem:v33+s3+$0x0], $0xffff;
	[tilespmem:s0+$0x1A0] =	vst v25  }
0x88: {  	v25 =	vadd.s32 s2, v1;
	[tilespmem:s0+$0xFFFFFFC0] =	vst v28;
	v27 =	vld.idx.msk [tilespmem:v27+s3+$0x0], $0xffff  }
0x89: {  	v28 =	vadd.s32 s6, v2;
	v26 =	vld.idx.msk [tilespmem:v26+s3+$0x0], $0xffff;
	[tilespmem:s0+$0xC0] =	vst v23  }
0x8a: {  	v23 =	vadd.s32 s21, v0;
	v22 =	vld.idx.msk [tilespmem:v22+s3+$0x0], $0xffff;
	[tilespmem:s0+$0x130] =	vst v29  }
0x8b: {  	v29 =	vadd.s32 s18, v2;
	[tilespmem:s0+$0xFFFFFEB0] =	vst v30;
	v30 =	vld.idx.msk [tilespmem:v31+s3+$0x0], $0xffff  }
0x8c: {  	v31 =	vld.idx.msk [tilespmem:v32+s3+$0x0], $0xffff;
	[tilespmem:s0+$0xFFFFFF40] =	vst v24;
	v24 =	vadd.s32 s9, v2  }
0x8d: {  	v32 =	vld.idx.msk [tilespmem:v25+s3+$0x0], $0xffff;
	[tilespmem:s0+$0x50] =	vst v33;
	v25 =	vadd.s32 s24, v1  }
0x8e: {  	v33 =	vadd.s32 s22, v1;
	v28 =	vld.idx.msk [tilespmem:v28+s3+$0x0], $0xffff;
	[tilespmem:s0+$0x1B0] =	vst v27  }
0x8f: {  	v27 =	vadd.s32 s2, v2;
	[tilespmem:s0+$0xFFFFFFD0] =	vst v26;
	v23 =	vld.idx.msk [tilespmem:v23+s3+$0x0], $0xffff  }
0x90: {  	v34 =	vld.idx.msk [tilespmem:v29+s3+$0x0], $0xffff;
	v29 =	vadd.s32 s6, v3;
	[tilespmem:s0+$0xD0] =	vst v22  }
0x91: {  	v35 =	vadd.s32 s21, v1;
	v37 =	vld.idx.msk [tilespmem:v24+s3+$0x0], $0xffff;
	[tilespmem:s0+$0x140] =	vst v30  }
0x92: {  	v38 =	vadd.s32 s18, v3;
	[tilespmem:s0+$0xFFFFFEC0] =	vst v31;
	v25 =	vld.idx.msk [tilespmem:v25+s3+$0x0], $0xffff  }
.Ltmp0:
0x93: {  	v26 =	vld.idx.msk [tilespmem:v33+s3+$0x0], $0xffff;
	[tilespmem:s0+$0xFFFFFF50] =	vst v32;
	v33 =	vadd.s32 s9, v3;
	(pc) =	sbr.rel @p0 .LBB2_3-.Ltmp0, $4  }
0x94: {  	v30 =	vld.idx.msk [tilespmem:v27+s3+$0x0], $0xffff;
	[tilespmem:s0+$0x60] =	vst v28  }
0x95: {  	v27 =	vadd.s32 s21, v2;
	v28 =	vld.idx.msk [tilespmem:v29+s3+$0x0], $0xffff;
	[tilespmem:s0+$0x1C0] =	vst v23  }
0x96: {  	v22 =	vadd.s32 s26, v17;
	v24 =	vadd.s32 s26, v16;
	v29 =	vadd.s32 s2, v3;
	[tilespmem:s0+$0xFFFFFFE0] =	vst v34;
	v31 =	vld.idx.msk [tilespmem:v35+s3+$0x0], $0xffff  }
0x97: {  	v36 =	vadd.s32 s23, v14;
	s26 =	sadd.s32 $0x100, s26;
	v32 =	vadd.s32 s23, v15;
	v35 =	vadd.s32 s23, v8;
	s0 =	sadd.s32 $0x400, s0;
	v34 =	vld.idx.msk [tilespmem:v38+s3+$0x0], $0xffff;
	[tilespmem:s20+$0xE0] =	vst v37  }
0x98: {  	_ =	sdelay $0x2  }
0x99: {  	[tilespmem:s20+$0xFFFFFE30] =	vst v21  }
0x9a: {  	v8 =	vld.idx.msk [tilespmem:v20+s3+$0x0], $0xffff;
	_ =	sdelay $0x4  }
0x9b: {  	[tilespmem:s20+$0xFFFFFE40] =	vst v8;
	v8 =	vadd.s32 s24, v2  }
0x9c: {  	v9 =	vld.idx.msk [tilespmem:v19+s3+$0x0], $0xffff  }
0x9d: {  	[tilespmem:s20+$0xFFFFFED0] =	vst v26  }
0x9e: {  	[tilespmem:s20+$0x150] =	vst v25  }
0x9f: {  	[tilespmem:s20+$0xFFFFFF60] =	vst v30;
	v10 =	vld.idx.msk [tilespmem:v11+s3+$0x0], $0xffff  }
0xa0: {  	v11 =	vadd.s32 s22, v3;
	[tilespmem:s20+$0x1D0] =	vst v31;
	v8 =	vld.idx.msk [tilespmem:v8+s3+$0x0], $0xffff  }
0xa1: {  	v12 =	vld.idx.msk [tilespmem:v27+s3+$0x0], $0xffff;
	[tilespmem:s20+$0xFFFFFE50] =	vst v9;
	v9 =	vadd.s32 s24, v3  }
0xa2: {  	v14 =	vadd.s32 s21, v3;
	[tilespmem:s20+$0x70] =	vst v28;
	v15 =	vld.idx.msk [tilespmem:v18+s3+$0x0], $0xffff  }
0xa3: {  	v16 =	vld.idx.msk [tilespmem:v33+s3+$0x0], $0xffff;
	[tilespmem:s20+$0xFFFFFFF0] =	vst v34  }
0xa4: {  	v17 =	vld.idx.msk [tilespmem:v29+s3+$0x0], $0xffff;
	[tilespmem:s20+$0xFFFFFEE0] =	vst v10  }
0xa5: {  	v10 =	vld.idx.msk [tilespmem:v11+s3+$0x0], $0xffff;
	[tilespmem:s20+$0x160] =	vst v8  }
0xa6: {  	[tilespmem:s20+$0x1E0] =	vst v12;
	v8 =	vld.idx.msk [tilespmem:v9+s3+$0x0], $0xffff  }
0xa7: {  	v9 =	vld.idx.msk [tilespmem:v14+s3+$0x0], $0xffff;
	[tilespmem:s20+$0xFFFFFE60] =	vst v15  }
0xa8: {  	[tilespmem:s20+$0xF0] =	vst v16;
	v11 =	vld.idx.msk [tilespmem:v13+s3+$0x0], $0xffff  }
0xa9: {  	v7 =	vadd.s32 $0x1000, v7;
	[tilespmem:s20+$0xFFFFFF70] =	vst v17  }
0xaa: {  	[tilespmem:s20+$0xFFFFFEF0] =	vst v10  }
0xab: {  	[tilespmem:s20+$0x170] =	vst v8  }
0xac: {  	[tilespmem:s20+$0x1F0] =	vst v9  }
0xad: {  	s21 =	simm.s32 $0x0;
	[tilespmem:s20+$0xFFFFFE70] =	vst v11  }
0xae: {  	v7 =	vld.idx.msk [tilespmem:v7+s21+$0x0], $0xffff  }
0xaf: {  	v6 =	vadd.s32 $0x1000, v6;
	_ =	sdelay $0x3  }
0xb0: {  	[tilespmem:$0x6080] =	vst v7  }
0xb1: {  	v6 =	vld.idx.msk [tilespmem:v6+s21+$0x0], $0xffff  }
0xb2: {  	v5 =	vadd.s32 $0x1000, v5;
	_ =	sdelay $0x3  }
0xb3: {  	[tilespmem:$0x6090] =	vst v6  }
0xb4: {  	v5 =	vld.idx.msk [tilespmem:v5+s21+$0x0], $0xffff  }
0xb5: {  	v4 =	vadd.s32 $0x1000, v4;
	_ =	sdelay $0x3  }
0xb6: {  	[tilespmem:$0x60A0] =	vst v5  }
0xb7: {  	v4 =	vld.idx.msk [tilespmem:v4+s21+$0x0], $0xffff  }
0xb8: {  	v0 =	vadd.s32 $0x1000, v0;
	_ =	sdelay $0x3  }
0xb9: {  	[tilespmem:$0x60B0] =	vst v4  }
0xba: {  	v0 =	vld.idx.msk [tilespmem:v0+s21+$0x0], $0xffff  }
0xbb: {  	v1 =	vadd.s32 $0x1000, v1;
	_ =	sdelay $0x3  }
0xbc: {  	[tilespmem:$0x60C0] =	vst v0  }
0xbd: {  	v0 =	vld.idx.msk [tilespmem:v1+s21+$0x0], $0xffff  }
0xbe: {  	v1 =	vadd.s32 $0x1000, v2;
	_ =	sdelay $0x3  }
0xbf: {  	[tilespmem:$0x60D0] =	vst v0  }
0xc0: {  	v0 =	vld.idx.msk [tilespmem:v1+s21+$0x0], $0xffff  }
0xc1: {  	v1 =	vadd.s32 $0x1000, v3;
	_ =	sdelay $0x3  }
0xc2: {  	[tilespmem:$0x60E0] =	vst v0  }
0xc3: {  	v0 =	vld.idx.msk [tilespmem:v1+s21+$0x0], $0xffff  }
0xc4: {  	s0 =	sshll.u32 s19, $0xC;
	s2 =	sshll.u32 s19, $0x7  }
0xc5: {  	s0 =	sand.u32 $0xFFFF8000, s0;
	s2 =	sand.u32 $0x380, s2  }
0xc6: {  	s0 =	sor.u32 s2, s0  }
0xc7: {  	s20 =	sshrl.u32 s0, $0x3  }
0xc8: {  	s0 =	sadd.s32 s1, s20;
	[tilespmem:$0x60F0] =	vst v0  }
0xc9: {  	[hbm4b:s0+s12] =	stream.strided.scatter [tilespmem:s14], [sflag:$0x1], $0x4080, s13, s12, $0x38;
	[tilespmem:$0xA180] =	vst v63  }
0xca: {  	v7 =	vld [tilespmem:$0x1100];
	_ =	sdelay $0x1  }
0xcb: {  	v6 =	vld [tilespmem:$0x1110]  }
0xcc: {  	v5 =	vld [tilespmem:$0x1120]  }
0xcd: {  	s24 =	simm.s32 $0x20;
	v4 =	vld [tilespmem:$0x1130]  }
0xce: {  	s9 =	simm.s32 $0x80;
	v0 =	vld [tilespmem:$0x1140];
	v8 =	vadd.s32 s24, v7  }
0xcf: {  	s23 =	simm.s32 $0xE0;
	v1 =	vld [tilespmem:$0x1150];
	v9 =	vadd.s32 s9, v7  }
0xd0: {  	s6 =	simm.s32 $0x60;
	v2 =	vld [tilespmem:$0x1160];
	v10 =	vadd.s32 s23, v7  }
0xd1: {  	s30 =	simm.s32 $0xA0;
	v3 =	vld [tilespmem:$0x1170];
	v11 =	vadd.s32 s6, v7  }
0xd2: {  	s31 =	simm.s32 $0x40;
	v12 =	vadd.s32 s30, v7;
	v13 =	vld.idx.msk [tilespmem:v7+s3+$0x0], $0xffff  }
0xd3: {  	s25 =	simm.s32 $0xC0;
	v14 =	vadd.s32 s31, v7;
	v8 =	vld.idx.msk [tilespmem:v8+s3+$0x0], $0xffff  }
0xd4: {  	v18 =	vadd.s32 s25, v7;
	v9 =	vld.idx.msk [tilespmem:v9+s3+$0x0], $0xffff  }
0xd5: {  	v10 =	vld.idx.msk [tilespmem:v10+s3+$0x0], $0xffff  }
0xd6: {  	v15 =	vadd.s32 s9, v6;
	v11 =	vld.idx.msk [tilespmem:v11+s3+$0x0], $0xffff  }
0xd7: {  	s22 =	simm.s32 $0x6300;
	v16 =	vadd.s32 s24, v6;
	v12 =	vld.idx.msk [tilespmem:v12+s3+$0x0], $0xffff  }
0xd8: {  	v17 =	vadd.s32 s6, v6;
	v14 =	vld.idx.msk [tilespmem:v14+s3+$0x0], $0xffff;
	[tilespmem:s22+$0xFFFFFE00] =	vst v13  }
0xd9: {  	v18 =	vld.idx.msk [tilespmem:v18+s3+$0x0], $0xffff;
	v13 =	vadd.s32 s30, v6;
	[tilespmem:s22+$0x0] =	vst v9  }
0xda: {  	v19 =	vld.idx.msk [tilespmem:v6+s3+$0x0], $0xffff;
	v9 =	vadd.s32 s23, v6;
	[tilespmem:s22+$0xFFFFFE80] =	vst v8  }
0xdb: {  	[tilespmem:s22+$0xFFFFFF80] =	vst v11;
	v11 =	vadd.s32 s31, v6;
	v8 =	vld.idx.msk [tilespmem:v15+s3+$0x0], $0xffff  }
0xdc: {  	[tilespmem:s22+$0x80] =	vst v12;
	v15 =	vld.idx.msk [tilespmem:v16+s3+$0x0], $0xffff;
	v16 =	vadd.s32 s9, v5  }
0xdd: {  	[tilespmem:s22+$0x180] =	vst v10;
	v12 =	vld.idx.msk [tilespmem:v17+s3+$0x0], $0xffff  }
0xde: {  	[tilespmem:s22+$0xFFFFFF00] =	vst v14;
	v17 =	vadd.s32 s6, v5;
	v13 =	vld.idx.msk [tilespmem:v13+s3+$0x0], $0xffff  }
0xdf: {  	v10 =	vadd.s32 s30, v5;
	[tilespmem:s22+$0x100] =	vst v18;
	v9 =	vld.idx.msk [tilespmem:v9+s3+$0x0], $0xffff  }
0xe0: {  	v11 =	vld.idx.msk [tilespmem:v11+s3+$0x0], $0xffff;
	[tilespmem:s22+$0x10] =	vst v8;
	v8 =	vadd.s32 s25, v6  }
0xe1: {  	[tilespmem:s22+$0xFFFFFE10] =	vst v19;
	v14 =	vld.idx.msk [tilespmem:v16+s3+$0x0], $0xffff;
	v16 =	vadd.s32 s31, v5  }
0xe2: {  	v19 =	vld.idx.msk [tilespmem:v5+s3+$0x0], $0xffff;
	[tilespmem:s22+$0xFFFFFF90] =	vst v12;
	v12 =	vadd.s32 s9, v4  }
0xe3: {  	[tilespmem:s22+$0x90] =	vst v13;
	v13 =	vld.idx.msk [tilespmem:v17+s3+$0x0], $0xffff  }
0xe4: {  	[tilespmem:s22+$0xFFFFFE90] =	vst v15;
	v17 =	vadd.s32 s6, v4;
	v10 =	vld.idx.msk [tilespmem:v10+s3+$0x0], $0xffff  }
0xe5: {  	v18 =	vadd.s32 s30, v4;
	[tilespmem:s22+$0xFFFFFF10] =	vst v11;
	v8 =	vld.idx.msk [tilespmem:v8+s3+$0x0], $0xffff  }
0xe6: {  	v20 =	vadd.s32 s24, v5;
	[tilespmem:s22+$0x20] =	vst v14;
	v14 =	vld.idx.msk [tilespmem:v16+s3+$0x0], $0xffff  }
0xe7: {  	[tilespmem:s22+$0xFFFFFE20] =	vst v19;
	v11 =	vld.idx.msk [tilespmem:v12+s3+$0x0], $0xffff;
	v12 =	vadd.s32 s25, v5  }
0xe8: {  	v21 =	vld.idx.msk [tilespmem:v4+s3+$0x0], $0xffff;
	[tilespmem:s22+$0xFFFFFFA0] =	vst v13;
	v13 =	vadd.s32 s31, v4  }
0xe9: {  	v16 =	vld.idx.msk [tilespmem:v17+s3+$0x0], $0xffff;
	[tilespmem:s22+$0xA0] =	vst v10;
	v10 =	vadd.s32 s9, v0  }
0xea: {  	[tilespmem:s22+$0x190] =	vst v9;
	v17 =	vadd.s32 s23, v5;
	v15 =	vld.idx.msk [tilespmem:v18+s3+$0x0], $0xffff  }
0xeb: {  	v18 =	vadd.s32 s6, v0;
	[tilespmem:s22+$0x110] =	vst v8;
	v8 =	vld.idx.msk [tilespmem:v20+s3+$0x0], $0xffff  }
0xec: {  	[tilespmem:s22+$0xFFFFFF20] =	vst v14;
	v14 =	vadd.s32 s30, v0;
	v12 =	vld.idx.msk [tilespmem:v12+s3+$0x0], $0xffff  }
0xed: {  	v9 =	vadd.s32 s24, v4;
	v13 =	vld.idx.msk [tilespmem:v13+s3+$0x0], $0xffff;
	[tilespmem:s22+$0x30] =	vst v11  }
0xee: {  	v11 =	vadd.s32 s25, v4;
	v10 =	vld.idx.msk [tilespmem:v10+s3+$0x0], $0xffff  }
0xef: {  	v19 =	vadd.s32 s31, v0;
	[tilespmem:s22+$0xFFFFFFB0] =	vst v16;
	v16 =	vld.idx.msk [tilespmem:v17+s3+$0x0], $0xffff  }
0xf0: {  	v17 =	vld.idx.msk [tilespmem:v18+s3+$0x0], $0xffff;
	v18 =	vadd.s32 s9, v1;
	[tilespmem:s22+$0xB0] =	vst v15  }
0xf1: {  	[tilespmem:s22+$0xFFFFFEA0] =	vst v8;
	v8 =	vadd.s32 s6, v1;
	v14 =	vld.idx.msk [tilespmem:v14+s3+$0x0], $0xffff  }
0xf2: {  	v9 =	vld.idx.msk [tilespmem:v9+s3+$0x0], $0xffff;
	[tilespmem:s22+$0x120] =	vst v12;
	v12 =	vadd.s32 s23, v4  }
0xf3: {  	[tilespmem:s22+$0xFFFFFF30] =	vst v13;
	v13 =	vadd.s32 s30, v1;
	v11 =	vld.idx.msk [tilespmem:v11+s3+$0x0], $0xffff  }
0xf4: {  	v15 =	vld.idx.msk [tilespmem:v19+s3+$0x0], $0xffff;
	[tilespmem:s22+$0x40] =	vst v10;
	v19 =	vadd.s32 s24, v0  }
0xf5: {  	v10 =	vadd.s32 s25, v0;
	v18 =	vld.idx.msk [tilespmem:v18+s3+$0x0], $0xffff;
	[tilespmem:s22+$0xFFFFFFC0] =	vst v17  }
0xf6: {  	[tilespmem:s22+$0x1A0] =	vst v16;
	v16 =	vadd.s32 s31, v1;
	v8 =	vld.idx.msk [tilespmem:v8+s3+$0x0], $0xffff  }
0xf7: {  	v17 =	vadd.s32 s9, v2;
	[tilespmem:s22+$0xC0] =	vst v14;
	v12 =	vld.idx.msk [tilespmem:v12+s3+$0x0], $0xffff  }
0xf8: {  	[tilespmem:s22+$0xFFFFFEB0] =	vst v9;
	v9 =	vadd.s32 s6, v2;
	v13 =	vld.idx.msk [tilespmem:v13+s3+$0x0], $0xffff  }
0xf9: {  	[tilespmem:s22+$0x130] =	vst v11;
	v11 =	vadd.s32 s23, v0;
	v14 =	vld.idx.msk [tilespmem:v19+s3+$0x0], $0xffff  }
0xfa: {  	[tilespmem:s22+$0xFFFFFF40] =	vst v15;
	v15 =	vadd.s32 s30, v2;
	v10 =	vld.idx.msk [tilespmem:v10+s3+$0x0], $0xffff  }
0xfb: {  	v19 =	vadd.s32 s24, v1;
	v16 =	vld.idx.msk [tilespmem:v16+s3+$0x0], $0xffff;
	[tilespmem:s22+$0x50] =	vst v18  }
0xfc: {  	v18 =	vadd.s32 s25, v1;
	v17 =	vld.idx.msk [tilespmem:v17+s3+$0x0], $0xffff;
	[tilespmem:s22+$0xFFFFFFD0] =	vst v8  }
0xfd: {  	v20 =	vadd.s32 s31, v2;
	v23 =	vld.idx.msk [tilespmem:v9+s3+$0x0], $0xffff;
	[tilespmem:s22+$0x1B0] =	vst v12  }
0xfe: {  	v24 =	vadd.s32 s9, v3;
	[tilespmem:s22+$0xD0] =	vst v13;
	v22 =	vld.idx.msk [tilespmem:v11+s3+$0x0], $0xffff  }
0xff: {  	v31 =	vadd.s32 s23, v1;
	v63 =	vadd.s32 s6, v3;
	v13 =	vld.idx.msk [tilespmem:v15+s3+$0x0], $0xffff;
	[tilespmem:s22+$0xFFFFFEC0] =	vst v14  }
0x100: {  	v33 =	vadd.s32 s30, v3;
	v27 =	vadd.s32 s23, v2;
	v8 =	vadd.s32 $0x100, v7;
	[tilespmem:s22+$0x140] =	vst v10;
	v26 =	vld.idx.msk [tilespmem:v19+s3+$0x0], $0xffff  }
0x101: {  	v29 =	vadd.s32 s31, v3;
	v9 =	vadd.s32 $0x100, v6;
	v35 =	vadd.s32 s21, v8;
	[tilespmem:s22+$0xFFFFFF50] =	vst v16;
	v25 =	vld.idx.msk [tilespmem:v18+s3+$0x0], $0xffff  }
0x102: {  	v12 =	vadd.s32 $0x100, v4;
	v14 =	vadd.s32 $0x100, v0;
	v15 =	vadd.s32 $0x100, v1;
	v30 =	vld.idx.msk [tilespmem:v20+s3+$0x0], $0xffff;
	[tilespmem:s22+$0x60] =	vst v17;
	v20 =	vmovc v0  }
0x103: {  	v11 =	vadd.s32 s24, v2;
	v10 =	vadd.s32 $0x100, v5;
	v16 =	vadd.s32 $0x100, v2;
	v28 =	vld.idx.msk [tilespmem:v24+s3+$0x0], $0xffff;
	[tilespmem:s22+$0xFFFFFFE0] =	vst v23  }
0x104: {  	v36 =	vadd.s32 s21, v14;
	v32 =	vadd.s32 s21, v15;
	v17 =	vadd.s32 $0x100, v3;
	v34 =	vld.idx.msk [tilespmem:v63+s3+$0x0], $0xffff;
	[tilespmem:s22+$0x1C0] =	vst v22  }
0x105: {  	s26 =	simm.s32 $0x0;
	s28 =	simm.s32 $0x100;
	s0 =	simm.s32 $0x6700;
	v19 =	vmovc v1;
	v18 =	vmovc v2;
	v24 =	vadd.s32 s21, v16;
	v22 =	vadd.s32 s21, v17;
	[tilespmem:s22+$0xE0] =	vst v13;
	v13 =	vmov v3;
	v31 =	vld.idx.msk [tilespmem:v31+s3+$0x0], $0xffff  }
.LBB2_5:
0x106: {  	s4 =	sadd.s32 $0x20, s28;
	s6 =	sadd.s32 $0x80, s28;
	s11 =	sadd.s32 $0xC0, s28;
	v37 =	vadd.s32 s21, v9;
	v38 =	vadd.s32 s21, v10;
	v23 =	vadd.s32 s21, v12;
	[tilespmem:s22+$0xFFFFFE30] =	vst v21;
	v21 =	vld.idx.msk [tilespmem:v33+s3+$0x0], $0xffff  }
0x107: {  	s2 =	sadd.s32 $0x40, s28;
	s9 =	sadd.s32 $0xA0, s28;
	s29 =	sadd.s32 $0xE0, s28;
	v33 =	vadd.s32 s4, v7;
	v39 =	vadd.s32 s6, v7;
	v40 =	vadd.s32 s11, v7;
	v41 =	vld.idx.msk [tilespmem:v20+s3+$0x0], $0xffff;
	v20 =	vmovc v36  }
0x108: {  	s18 =	sadd.s32 $0x60, s28;
	s26 =	sadd.s32 $0x8, s26;
	s21 =	smov.u32 s28;
	v36 =	vadd.s32 s2, v7;
	v42 =	vadd.s32 s9, v7;
	v43 =	vadd.s32 s29, v7;
	[tilespmem:s22+$0xFFFFFF60] =	vst v30  }
0x109: {  	v44 =	vadd.s32 s18, v7;
	p0 =	slt.u32 s26, $0x78;
	v30 =	vadd.s32 s4, v2;
	v29 =	vld.idx.msk [tilespmem:v29+s3+$0x0], $0xffff;
	[tilespmem:s22+$0x70] =	vst v28  }
0x10a: {  	v28 =	vld.idx.msk [tilespmem:v35+s3+$0x0], $0xffff;
	[tilespmem:s22+$0xFFFFFED0] =	vst v26  }
0x10b: {  	v26 =	vld.idx.msk [tilespmem:v11+s3+$0x0], $0xffff;
	[tilespmem:s22+$0xFFFFFFF0] =	vst v34;
	v11 =	vmov v30  }
0x10c: {  	v30 =	vld.idx.msk [tilespmem:v33+s3+$0x0], $0xffff;
	[tilespmem:s22+$0x1D0] =	vst v31  }
0x10d: {  	v31 =	vadd.s32 s24, v3;
	s24 =	smov.u32 s4;
	[tilespmem:s22+$0xFFFFFE40] =	vst v41;
	v27 =	vld.idx.msk [tilespmem:v27+s3+$0x0], $0xffff  }
0x10e: {  	v33 =	vadd.s32 s24, v6;
	v34 =	vld.idx.msk [tilespmem:v43+s3+$0x0], $0xffff;
	[tilespmem:s22+$0xF0] =	vst v21  }
0x10f: {  	v35 =	vadd.s32 s29, v6;
	v21 =	vld.idx.msk [tilespmem:v39+s3+$0x0], $0xffff;
	[tilespmem:s22+$0xFFFFFF70] =	vst v29  }
0x110: {  	[tilespmem:s0+$0xFFFFFE00] =	vst v28;
	v28 =	vadd.s32 s6, v6;
	v29 =	vld.idx.msk [tilespmem:v19+s3+$0x0], $0xffff;
	v19 =	vmov v32  }
0x111: {  	v39 =	vadd.s32 s9, v6;
	v32 =	vld.idx.msk [tilespmem:v44+s3+$0x0], $0xffff;
	[tilespmem:s22+$0xFFFFFEE0] =	vst v26  }
0x112: {  	[tilespmem:s0+$0xFFFFFE80] =	vst v30;
	v26 =	vld.idx.msk [tilespmem:v31+s3+$0x0], $0xffff  }
0x113: {  	v30 =	vadd.s32 s2, v6;
	v31 =	vld.idx.msk [tilespmem:v42+s3+$0x0], $0xffff;
	[tilespmem:s22+$0x1E0] =	vst v27  }
0x114: {  	v27 =	vld.idx.msk [tilespmem:v36+s3+$0x0], $0xffff;
	v36 =	vadd.s32 s18, v6;
	[tilespmem:s0+$0x180] =	vst v34;
	v34 =	vadd.s32 s23, v3;
	s23 =	smov.u32 s29  }
0x115: {  	v41 =	vadd.s32 s24, v5;
	v37 =	vld.idx.msk [tilespmem:v37+s3+$0x0], $0xffff;
	[tilespmem:s0+$0x0] =	vst v21  }
0x116: {  	v21 =	vld.idx.msk [tilespmem:v33+s3+$0x0], $0xffff;
	v33 =	vadd.s32 s23, v5;
	[tilespmem:s22+$0xFFFFFE50] =	vst v29  }
0x117: {  	v29 =	vadd.s32 s6, v5;
	v28 =	vld.idx.msk [tilespmem:v28+s3+$0x0], $0xffff;
	[tilespmem:s22+$0x150] =	vst v25  }
0x118: {  	v25 =	vadd.s32 s9, v5;
	v40 =	vld.idx.msk [tilespmem:v40+s3+$0x0], $0xffff;
	[tilespmem:s22+$0xFFFFFEF0] =	vst v26  }
0x119: {  	v26 =	vadd.s32 s11, v6;
	[tilespmem:s0+$0x80] =	vst v31;
	v31 =	vadd.s32 s25, v2;
	v34 =	vld.idx.msk [tilespmem:v34+s3+$0x0], $0xffff  }
0x11a: {  	v42 =	vadd.s32 s2, v5;
	[tilespmem:s0+$0xFFFFFF80] =	vst v32;
	v32 =	vld.idx.msk [tilespmem:v39+s3+$0x0], $0xffff  }
0x11b: {  	[tilespmem:s0+$0xFFFFFE10] =	vst v37;
	v36 =	vld.idx.msk [tilespmem:v36+s3+$0x0], $0xffff;
	v37 =	vadd.s32 s18, v5  }
0x11c: {  	[tilespmem:s0+$0xFFFFFE90] =	vst v21;
	v21 =	vld.idx.msk [tilespmem:v35+s3+$0x0], $0xffff  }
0x11d: {  	v35 =	vld.idx.msk [tilespmem:v38+s3+$0x0], $0xffff;
	[tilespmem:s0+$0x10] =	vst v28  }
0x11e: {  	[tilespmem:s0+$0x100] =	vst v40;
	v28 =	vld.idx.msk [tilespmem:v31+s3+$0x0], $0xffff  }
0x11f: {  	[tilespmem:s0+$0xFFFFFF00] =	vst v27;
	v27 =	vld.idx.msk [tilespmem:v29+s3+$0x0], $0xffff  }
0x120: {  	v29 =	vld.idx.msk [tilespmem:v30+s3+$0x0], $0xffff;
	[tilespmem:s0+$0x90] =	vst v32;
	v30 =	vadd.s32 s25, v3;
	s25 =	smov.u32 s11  }
0x121: {  	v31 =	vadd.s32 s6, v4;
	[tilespmem:s0+$0xFFFFFF90] =	vst v36;
	v32 =	vld.idx.msk [tilespmem:v18+s3+$0x0], $0xffff;
	v18 =	vmov v24  }
0x122: {  	v24 =	vld.idx.msk [tilespmem:v37+s3+$0x0], $0xffff;
	[tilespmem:s0+$0x190] =	vst v21  }
0x123: {  	[tilespmem:s0+$0xFFFFFE20] =	vst v35;
	v21 =	vld.idx.msk [tilespmem:v25+s3+$0x0], $0xffff  }
0x124: {  	v25 =	vadd.s32 s18, v4;
	v26 =	vld.idx.msk [tilespmem:v26+s3+$0x0], $0xffff;
	[tilespmem:s22+$0x160] =	vst v28  }
0x125: {  	[tilespmem:s0+$0x20] =	vst v27;
	v27 =	vadd.s32 s9, v4;
	v28 =	vld.idx.msk [tilespmem:v30+s3+$0x0], $0xffff  }
0x126: {  	[tilespmem:s0+$0xFFFFFF10] =	vst v29;
	v29 =	vld.idx.msk [tilespmem:v31+s3+$0x0], $0xffff  }
0x127: {  	v31 =	vadd.s32 s25, v5;
	v30 =	vld.idx.msk [tilespmem:v42+s3+$0x0], $0xffff;
	[tilespmem:s22+$0xFFFFFE60] =	vst v32  }
0x128: {  	[tilespmem:s0+$0xFFFFFFA0] =	vst v24;
	v24 =	vld.idx.msk [tilespmem:v13+s3+$0x0], $0xffff;
	v13 =	vmov v22  }
0x129: {  	v22 =	vadd.s32 s2, v4;
	v25 =	vld.idx.msk [tilespmem:v25+s3+$0x0], $0xffff;
	[tilespmem:s0+$0xA0] =	vst v21  }
0x12a: {  	v32 =	vadd.s32 s6, v0;
	v27 =	vld.idx.msk [tilespmem:v27+s3+$0x0], $0xffff;
	[tilespmem:s0+$0x110] =	vst v26  }
0x12b: {  	v26 =	vld.idx.msk [tilespmem:v41+s3+$0x0], $0xffff;
	[tilespmem:s22+$0x170] =	vst v28  }
0x12c: {  	v28 =	vadd.s32 s18, v0;
	v31 =	vld.idx.msk [tilespmem:v31+s3+$0x0], $0xffff;
	[tilespmem:s22+$0x1F0] =	vst v34  }
0x12d: {  	v21 =	vld.idx.msk [tilespmem:v23+s3+$0x0], $0xffff;
	[tilespmem:s0+$0xFFFFFF20] =	vst v30;
	v23 =	vadd.s32 s9, v0  }
0x12e: {  	v22 =	vld.idx.msk [tilespmem:v22+s3+$0x0], $0xffff;
	[tilespmem:s0+$0x30] =	vst v29;
	v29 =	vadd.s32 s25, v4  }
0x12f: {  	v30 =	vadd.s32 s24, v4;
	v32 =	vld.idx.msk [tilespmem:v32+s3+$0x0], $0xffff;
	[tilespmem:s22+$0xFFFFFE70] =	vst v24;
	s22 =	smov.u32 s0  }
0x130: {  	v24 =	vadd.s32 s2, v0;
	[tilespmem:s0+$0xFFFFFFB0] =	vst v25;
	v25 =	vld.idx.msk [tilespmem:v33+s3+$0x0], $0xffff  }
0x131: {  	v33 =	vadd.s32 s6, v1;
	v28 =	vld.idx.msk [tilespmem:v28+s3+$0x0], $0xffff;
	[tilespmem:s0+$0xB0] =	vst v27  }
0x132: {  	v27 =	vadd.s32 s23, v4;
	v23 =	vld.idx.msk [tilespmem:v23+s3+$0x0], $0xffff;
	[tilespmem:s0+$0x120] =	vst v31  }
0x133: {  	[tilespmem:s0+$0xFFFFFEA0] =	vst v26;
	v26 =	vadd.s32 s18, v1;
	v29 =	vld.idx.msk [tilespmem:v29+s3+$0x0], $0xffff  }
0x134: {  	v30 =	vld.idx.msk [tilespmem:v30+s3+$0x0], $0xffff;
	[tilespmem:s0+$0xFFFFFF30] =	vst v22;
	v22 =	vadd.s32 s9, v1  }
0x135: {  	v31 =	vadd.s32 s25, v0;
	v24 =	vld.idx.msk [tilespmem:v24+s3+$0x0], $0xffff;
	[tilespmem:s0+$0x40] =	vst v32  }
0x136: {  	v32 =	vadd.s32 s24, v0;
	v33 =	vld.idx.msk [tilespmem:v33+s3+$0x0], $0xffff;
	[tilespmem:s0+$0x1A0] =	vst v25  }
0x137: {  	v25 =	vadd.s32 s2, v1;
	[tilespmem:s0+$0xFFFFFFC0] =	vst v28;
	v27 =	vld.idx.msk [tilespmem:v27+s3+$0x0], $0xffff  }
0x138: {  	v28 =	vadd.s32 s6, v2;
	v26 =	vld.idx.msk [tilespmem:v26+s3+$0x0], $0xffff;
	[tilespmem:s0+$0xC0] =	vst v23  }
0x139: {  	v23 =	vadd.s32 s23, v0;
	v22 =	vld.idx.msk [tilespmem:v22+s3+$0x0], $0xffff;
	[tilespmem:s0+$0x130] =	vst v29  }
0x13a: {  	v29 =	vadd.s32 s18, v2;
	[tilespmem:s0+$0xFFFFFEB0] =	vst v30;
	v30 =	vld.idx.msk [tilespmem:v31+s3+$0x0], $0xffff  }
0x13b: {  	v31 =	vld.idx.msk [tilespmem:v32+s3+$0x0], $0xffff;
	[tilespmem:s0+$0xFFFFFF40] =	vst v24;
	v24 =	vadd.s32 s9, v2  }
0x13c: {  	v32 =	vld.idx.msk [tilespmem:v25+s3+$0x0], $0xffff;
	[tilespmem:s0+$0x50] =	vst v33;
	v25 =	vadd.s32 s25, v1  }
0x13d: {  	v33 =	vadd.s32 s24, v1;
	v28 =	vld.idx.msk [tilespmem:v28+s3+$0x0], $0xffff;
	[tilespmem:s0+$0x1B0] =	vst v27  }
0x13e: {  	v27 =	vadd.s32 s2, v2;
	[tilespmem:s0+$0xFFFFFFD0] =	vst v26;
	v23 =	vld.idx.msk [tilespmem:v23+s3+$0x0], $0xffff  }
0x13f: {  	v34 =	vld.idx.msk [tilespmem:v29+s3+$0x0], $0xffff;
	v29 =	vadd.s32 s6, v3;
	[tilespmem:s0+$0xD0] =	vst v22  }
0x140: {  	v35 =	vadd.s32 s23, v1;
	v37 =	vld.idx.msk [tilespmem:v24+s3+$0x0], $0xffff;
	[tilespmem:s0+$0x140] =	vst v30  }
0x141: {  	v38 =	vadd.s32 s18, v3;
	[tilespmem:s0+$0xFFFFFEC0] =	vst v31;
	v25 =	vld.idx.msk [tilespmem:v25+s3+$0x0], $0xffff  }
.Ltmp1:
0x142: {  	v26 =	vld.idx.msk [tilespmem:v33+s3+$0x0], $0xffff;
	[tilespmem:s0+$0xFFFFFF50] =	vst v32;
	v33 =	vadd.s32 s9, v3;
	(pc) =	sbr.rel @p0 .LBB2_5-.Ltmp1, $4  }
0x143: {  	v30 =	vld.idx.msk [tilespmem:v27+s3+$0x0], $0xffff;
	[tilespmem:s0+$0x60] =	vst v28  }
0x144: {  	v27 =	vadd.s32 s23, v2;
	v28 =	vld.idx.msk [tilespmem:v29+s3+$0x0], $0xffff;
	[tilespmem:s0+$0x1C0] =	vst v23  }
0x145: {  	v22 =	vadd.s32 s28, v17;
	v24 =	vadd.s32 s28, v16;
	v29 =	vadd.s32 s2, v3;
	[tilespmem:s0+$0xFFFFFFE0] =	vst v34;
	v31 =	vld.idx.msk [tilespmem:v35+s3+$0x0], $0xffff  }
0x146: {  	v36 =	vadd.s32 s21, v14;
	s28 =	sadd.s32 $0x100, s28;
	v32 =	vadd.s32 s21, v15;
	v35 =	vadd.s32 s21, v8;
	s0 =	sadd.s32 $0x400, s0;
	v34 =	vld.idx.msk [tilespmem:v38+s3+$0x0], $0xffff;
	[tilespmem:s22+$0xE0] =	vst v37  }
0x147: {  	_ =	sdelay $0x2  }
0x148: {  	[tilespmem:s22+$0xFFFFFE30] =	vst v21  }
0x149: {  	v8 =	vld.idx.msk [tilespmem:v20+s3+$0x0], $0xffff;
	_ =	sdelay $0x4  }
0x14a: {  	[tilespmem:s22+$0xFFFFFE40] =	vst v8  }
0x14b: {  	v57 =	vadd.s32 s25, v2;
	v9 =	vld.idx.msk [tilespmem:v19+s3+$0x0], $0xffff  }
0x14c: {  	[tilespmem:s22+$0xFFFFFED0] =	vst v26  }
0x14d: {  	[tilespmem:s22+$0x150] =	vst v25  }
0x14e: {  	v10 =	vld.idx.msk [tilespmem:v11+s3+$0x0], $0xffff;
	[tilespmem:s22+$0x1D0] =	vst v31  }
0x14f: {  	v58 =	vadd.s32 s24, v3;
	[tilespmem:s22+$0xFFFFFF60] =	vst v30;
	v12 =	vld.idx.msk [tilespmem:v27+s3+$0x0], $0xffff  }
0x150: {  	v14 =	vadd.s32 s23, v3;
	v8 =	vld.idx.msk [tilespmem:v57+s3+$0x0], $0xffff;
	[tilespmem:s22+$0xFFFFFE50] =	vst v9  }
0x151: {  	v59 =	vadd.s32 s25, v3;
	[tilespmem:s22+$0x70] =	vst v28;
	v15 =	vld.idx.msk [tilespmem:v18+s3+$0x0], $0xffff  }
0x152: {  	v16 =	vld.idx.msk [tilespmem:v33+s3+$0x0], $0xffff;
	[tilespmem:s22+$0xFFFFFFF0] =	vst v34  }
0x153: {  	v17 =	vld.idx.msk [tilespmem:v29+s3+$0x0], $0xffff;
	[tilespmem:s22+$0xFFFFFEE0] =	vst v10  }
0x154: {  	v10 =	vld.idx.msk [tilespmem:v58+s3+$0x0], $0xffff;
	[tilespmem:s22+$0x1E0] =	vst v12  }
0x155: {  	v60 =	vld.idx.msk [tilespmem:v14+s3+$0x0], $0xffff;
	[tilespmem:s22+$0x160] =	vst v8  }
0x156: {  	v8 =	vld.idx.msk [tilespmem:v59+s3+$0x0], $0xffff;
	[tilespmem:s22+$0xFFFFFE60] =	vst v15  }
0x157: {  	[tilespmem:s22+$0xF0] =	vst v16;
	v61 =	vld.idx.msk [tilespmem:v13+s3+$0x0], $0xffff  }
0x158: {  	v7 =	vadd.s32 $0x1000, v7;
	[tilespmem:s22+$0xFFFFFF70] =	vst v17  }
0x159: {  	[tilespmem:s22+$0xFFFFFEF0] =	vst v10  }
0x15a: {  	[tilespmem:s22+$0x1F0] =	vst v60  }
0x15b: {  	[tilespmem:s22+$0x170] =	vst v8  }
0x15c: {  	s21 =	simm.s32 $0x0;
	[tilespmem:s22+$0xFFFFFE70] =	vst v61  }
0x15d: {  	v7 =	vld.idx.msk [tilespmem:v7+s21+$0x0], $0xffff  }
0x15e: {  	v6 =	vadd.s32 $0x1000, v6;
	_ =	sdelay $0x3  }
0x15f: {  	[tilespmem:$0xA100] =	vst v7  }
0x160: {  	v6 =	vld.idx.msk [tilespmem:v6+s21+$0x0], $0xffff  }
0x161: {  	v5 =	vadd.s32 $0x1000, v5;
	_ =	sdelay $0x3  }
0x162: {  	[tilespmem:$0xA110] =	vst v6  }
0x163: {  	v5 =	vld.idx.msk [tilespmem:v5+s21+$0x0], $0xffff  }
0x164: {  	v4 =	vadd.s32 $0x1000, v4;
	_ =	sdelay $0x3  }
0x165: {  	[tilespmem:$0xA120] =	vst v5  }
0x166: {  	v4 =	vld.idx.msk [tilespmem:v4+s21+$0x0], $0xffff  }
0x167: {  	v0 =	vadd.s32 $0x1000, v0;
	_ =	sdelay $0x3  }
0x168: {  	[tilespmem:$0xA130] =	vst v4  }
0x169: {  	v0 =	vld.idx.msk [tilespmem:v0+s21+$0x0], $0xffff  }
0x16a: {  	v1 =	vadd.s32 $0x1000, v1;
	_ =	sdelay $0x3  }
0x16b: {  	[tilespmem:$0xA140] =	vst v0  }
0x16c: {  	v0 =	vld.idx.msk [tilespmem:v1+s21+$0x0], $0xffff  }
0x16d: {  	v62 =	vadd.s32 $0x1000, v2;
	_ =	sdelay $0x3  }
0x16e: {  	[tilespmem:$0xA150] =	vst v0  }
0x16f: {  	v0 =	vld.idx.msk [tilespmem:v62+s21+$0x0], $0xffff  }
0x170: {  	v63 =	vadd.s32 $0x1000, v3;
	_ =	sdelay $0x3  }
0x171: {  	[tilespmem:$0xA160] =	vst v0  }
0x172: {  	v0 =	vld.idx.msk [tilespmem:v63+s21+$0x0], $0xffff;
	_ =	sdelay $0x4  }
0x173: {  	s0 =	sadd.s32 s20, s8;
	s22 =	simm.s32 $0x0;
	[tilespmem:$0xA170] =	vst v0  }
0x174: {  	[hbm4b:s0+s12] =	stream.strided.scatter [tilespmem:s15], [sflag:$0x2], $0x4080, s13, s12, $0x38;
	[tilespmem:$0xA180] =	vst v63  }
.LBB2_7:
0x175: {  	_ =	swait.ge [sflag:s16], $0x4080  }
0x176: {  	[sflag:s16] =	ssyncset.done $0x0  }
0x177: {  	s23 =	sshll.u32 s22, $0x8;
	[sflag:s16] =	ssyncadd.s32 $0xFFFFBF80  }
0x178: {  	v7 =	vld [tilespmem:s23+$0x1180];
	_ =	sdelay $0x1  }
0x179: {  	v6 =	vld [tilespmem:s23+$0x1190]  }
0x17a: {  	v5 =	vld [tilespmem:s23+$0x11A0]  }
0x17b: {  	s26 =	simm.s32 $0x20;
	v4 =	vld [tilespmem:s23+$0x11B0]  }
0x17c: {  	s9 =	simm.s32 $0x80;
	v0 =	vld [tilespmem:s23+$0x11C0];
	v8 =	vadd.s32 s26, v7  }
0x17d: {  	s25 =	simm.s32 $0xE0;
	v1 =	vld [tilespmem:s23+$0x11D0];
	v9 =	vadd.s32 s9, v7  }
0x17e: {  	s6 =	simm.s32 $0x60;
	v2 =	vld [tilespmem:s23+$0x11E0];
	v10 =	vadd.s32 s25, v7  }
0x17f: {  	s2 =	simm.s32 $0xA0;
	v3 =	vld [tilespmem:s23+$0x11F0];
	v11 =	vadd.s32 s6, v7  }
0x180: {  	s0 =	simm.s32 $0x40;
	v12 =	vadd.s32 s2, v7;
	v13 =	vld.idx.msk [tilespmem:v7+s3+$0x0], $0xffff  }
0x181: {  	s28 =	simm.s32 $0xC0;
	v14 =	vadd.s32 s0, v7;
	v8 =	vld.idx.msk [tilespmem:v8+s3+$0x0], $0xffff  }
0x182: {  	v18 =	vadd.s32 s28, v7;
	v9 =	vld.idx.msk [tilespmem:v9+s3+$0x0], $0xffff  }
0x183: {  	v10 =	vld.idx.msk [tilespmem:v10+s3+$0x0], $0xffff  }
0x184: {  	v15 =	vadd.s32 s9, v6;
	v11 =	vld.idx.msk [tilespmem:v11+s3+$0x0], $0xffff  }
0x185: {  	s24 =	simm.s32 $0x2280;
	v16 =	vadd.s32 s26, v6;
	v12 =	vld.idx.msk [tilespmem:v12+s3+$0x0], $0xffff  }
0x186: {  	v17 =	vadd.s32 s6, v6;
	v14 =	vld.idx.msk [tilespmem:v14+s3+$0x0], $0xffff;
	[tilespmem:s24+$0xFFFFFE00] =	vst v13  }
0x187: {  	v18 =	vld.idx.msk [tilespmem:v18+s3+$0x0], $0xffff;
	v13 =	vadd.s32 s2, v6;
	[tilespmem:s24+$0x0] =	vst v9  }
0x188: {  	v19 =	vld.idx.msk [tilespmem:v6+s3+$0x0], $0xffff;
	v9 =	vadd.s32 s25, v6;
	[tilespmem:s24+$0xFFFFFE80] =	vst v8  }
0x189: {  	[tilespmem:s24+$0xFFFFFF80] =	vst v11;
	v11 =	vadd.s32 s0, v6;
	v8 =	vld.idx.msk [tilespmem:v15+s3+$0x0], $0xffff  }
0x18a: {  	[tilespmem:s24+$0x80] =	vst v12;
	v15 =	vld.idx.msk [tilespmem:v16+s3+$0x0], $0xffff;
	v16 =	vadd.s32 s9, v5  }
0x18b: {  	[tilespmem:s24+$0x180] =	vst v10;
	v12 =	vld.idx.msk [tilespmem:v17+s3+$0x0], $0xffff  }
0x18c: {  	[tilespmem:s24+$0xFFFFFF00] =	vst v14;
	v17 =	vadd.s32 s6, v5;
	v13 =	vld.idx.msk [tilespmem:v13+s3+$0x0], $0xffff  }
0x18d: {  	v10 =	vadd.s32 s2, v5;
	[tilespmem:s24+$0x100] =	vst v18;
	v9 =	vld.idx.msk [tilespmem:v9+s3+$0x0], $0xffff  }
0x18e: {  	v11 =	vld.idx.msk [tilespmem:v11+s3+$0x0], $0xffff;
	[tilespmem:s24+$0x10] =	vst v8;
	v8 =	vadd.s32 s28, v6  }
0x18f: {  	[tilespmem:s24+$0xFFFFFE10] =	vst v19;
	v14 =	vld.idx.msk [tilespmem:v16+s3+$0x0], $0xffff;
	v16 =	vadd.s32 s0, v5  }
0x190: {  	v19 =	vld.idx.msk [tilespmem:v5+s3+$0x0], $0xffff;
	[tilespmem:s24+$0xFFFFFF90] =	vst v12;
	v12 =	vadd.s32 s9, v4  }
0x191: {  	[tilespmem:s24+$0x90] =	vst v13;
	v13 =	vld.idx.msk [tilespmem:v17+s3+$0x0], $0xffff  }
0x192: {  	[tilespmem:s24+$0xFFFFFE90] =	vst v15;
	v17 =	vadd.s32 s6, v4;
	v10 =	vld.idx.msk [tilespmem:v10+s3+$0x0], $0xffff  }
0x193: {  	v18 =	vadd.s32 s2, v4;
	[tilespmem:s24+$0xFFFFFF10] =	vst v11;
	v8 =	vld.idx.msk [tilespmem:v8+s3+$0x0], $0xffff  }
0x194: {  	v20 =	vadd.s32 s26, v5;
	[tilespmem:s24+$0x20] =	vst v14;
	v14 =	vld.idx.msk [tilespmem:v16+s3+$0x0], $0xffff  }
0x195: {  	[tilespmem:s24+$0xFFFFFE20] =	vst v19;
	v11 =	vld.idx.msk [tilespmem:v12+s3+$0x0], $0xffff;
	v12 =	vadd.s32 s28, v5  }
0x196: {  	v21 =	vld.idx.msk [tilespmem:v4+s3+$0x0], $0xffff;
	[tilespmem:s24+$0xFFFFFFA0] =	vst v13;
	v13 =	vadd.s32 s0, v4  }
0x197: {  	v16 =	vld.idx.msk [tilespmem:v17+s3+$0x0], $0xffff;
	[tilespmem:s24+$0xA0] =	vst v10;
	v10 =	vadd.s32 s9, v0  }
0x198: {  	[tilespmem:s24+$0x190] =	vst v9;
	v17 =	vadd.s32 s25, v5;
	v15 =	vld.idx.msk [tilespmem:v18+s3+$0x0], $0xffff  }
0x199: {  	v18 =	vadd.s32 s6, v0;
	[tilespmem:s24+$0x110] =	vst v8;
	v8 =	vld.idx.msk [tilespmem:v20+s3+$0x0], $0xffff  }
0x19a: {  	[tilespmem:s24+$0xFFFFFF20] =	vst v14;
	v14 =	vadd.s32 s2, v0;
	v12 =	vld.idx.msk [tilespmem:v12+s3+$0x0], $0xffff  }
0x19b: {  	v9 =	vadd.s32 s26, v4;
	v13 =	vld.idx.msk [tilespmem:v13+s3+$0x0], $0xffff;
	[tilespmem:s24+$0x30] =	vst v11  }
0x19c: {  	v11 =	vadd.s32 s28, v4;
	v10 =	vld.idx.msk [tilespmem:v10+s3+$0x0], $0xffff  }
0x19d: {  	v19 =	vadd.s32 s0, v0;
	[tilespmem:s24+$0xFFFFFFB0] =	vst v16;
	v16 =	vld.idx.msk [tilespmem:v17+s3+$0x0], $0xffff  }
0x19e: {  	v17 =	vld.idx.msk [tilespmem:v18+s3+$0x0], $0xffff;
	v18 =	vadd.s32 s9, v1;
	[tilespmem:s24+$0xB0] =	vst v15  }
0x19f: {  	[tilespmem:s24+$0xFFFFFEA0] =	vst v8;
	v8 =	vadd.s32 s6, v1;
	v14 =	vld.idx.msk [tilespmem:v14+s3+$0x0], $0xffff  }
0x1a0: {  	v9 =	vld.idx.msk [tilespmem:v9+s3+$0x0], $0xffff;
	[tilespmem:s24+$0x120] =	vst v12;
	v12 =	vadd.s32 s25, v4  }
0x1a1: {  	[tilespmem:s24+$0xFFFFFF30] =	vst v13;
	v13 =	vadd.s32 s2, v1;
	v11 =	vld.idx.msk [tilespmem:v11+s3+$0x0], $0xffff  }
0x1a2: {  	v15 =	vld.idx.msk [tilespmem:v19+s3+$0x0], $0xffff;
	[tilespmem:s24+$0x40] =	vst v10;
	v19 =	vadd.s32 s26, v0  }
0x1a3: {  	v10 =	vadd.s32 s28, v0;
	v18 =	vld.idx.msk [tilespmem:v18+s3+$0x0], $0xffff;
	[tilespmem:s24+$0xFFFFFFC0] =	vst v17  }
0x1a4: {  	[tilespmem:s24+$0x1A0] =	vst v16;
	v16 =	vadd.s32 s0, v1;
	v8 =	vld.idx.msk [tilespmem:v8+s3+$0x0], $0xffff  }
0x1a5: {  	v17 =	vadd.s32 s9, v2;
	[tilespmem:s24+$0xC0] =	vst v14;
	v12 =	vld.idx.msk [tilespmem:v12+s3+$0x0], $0xffff  }
0x1a6: {  	[tilespmem:s24+$0xFFFFFEB0] =	vst v9;
	v9 =	vadd.s32 s6, v2;
	v13 =	vld.idx.msk [tilespmem:v13+s3+$0x0], $0xffff  }
0x1a7: {  	[tilespmem:s24+$0x130] =	vst v11;
	v11 =	vadd.s32 s25, v0;
	v14 =	vld.idx.msk [tilespmem:v19+s3+$0x0], $0xffff  }
0x1a8: {  	[tilespmem:s24+$0xFFFFFF40] =	vst v15;
	v15 =	vadd.s32 s2, v2;
	v10 =	vld.idx.msk [tilespmem:v10+s3+$0x0], $0xffff  }
0x1a9: {  	v19 =	vadd.s32 s26, v1;
	v16 =	vld.idx.msk [tilespmem:v16+s3+$0x0], $0xffff;
	[tilespmem:s24+$0x50] =	vst v18  }
0x1aa: {  	v18 =	vadd.s32 s28, v1;
	v17 =	vld.idx.msk [tilespmem:v17+s3+$0x0], $0xffff;
	[tilespmem:s24+$0xFFFFFFD0] =	vst v8  }
0x1ab: {  	v20 =	vadd.s32 s0, v2;
	v23 =	vld.idx.msk [tilespmem:v9+s3+$0x0], $0xffff;
	[tilespmem:s24+$0x1B0] =	vst v12  }
0x1ac: {  	v25 =	vadd.s32 s9, v3;
	[tilespmem:s24+$0xD0] =	vst v13;
	v22 =	vld.idx.msk [tilespmem:v11+s3+$0x0], $0xffff  }
0x1ad: {  	v37 =	vld.idx.msk [tilespmem:v15+s3+$0x0], $0xffff;
	[tilespmem:s24+$0xFFFFFEC0] =	vst v14;
	v14 =	vadd.s32 s6, v3  }
0x1ae: {  	v31 =	vadd.s32 s25, v1;
	v33 =	vadd.s32 s2, v3;
	v27 =	vadd.s32 s25, v2;
	[tilespmem:s24+$0x140] =	vst v10;
	v26 =	vld.idx.msk [tilespmem:v19+s3+$0x0], $0xffff  }
0x1af: {  	v29 =	vadd.s32 s0, v3;
	v8 =	vadd.s32 $0x100, v7;
	v9 =	vadd.s32 $0x100, v6;
	[tilespmem:s24+$0xFFFFFF50] =	vst v16;
	v24 =	vld.idx.msk [tilespmem:v18+s3+$0x0], $0xffff  }
0x1b0: {  	v35 =	vadd.s32 s21, v8;
	v12 =	vadd.s32 $0x100, v4;
	v13 =	vadd.s32 $0x100, v0;
	v30 =	vld.idx.msk [tilespmem:v20+s3+$0x0], $0xffff;
	[tilespmem:s24+$0x60] =	vst v17;
	v20 =	vmovc v0  }
0x1b1: {  	v15 =	vadd.s32 $0x100, v1;
	v11 =	vadd.s32 s26, v2;
	v36 =	vadd.s32 s21, v13;
	v28 =	vld.idx.msk [tilespmem:v25+s3+$0x0], $0xffff;
	[tilespmem:s24+$0xFFFFFFE0] =	vst v23  }
0x1b2: {  	s30 =	simm.s32 $0x0;
	s31 =	simm.s32 $0x100;
	v10 =	vadd.s32 $0x100, v5;
	v16 =	vadd.s32 $0x100, v2;
	v19 =	vmovc v1;
	v17 =	vadd.s32 $0x100, v3;
	[tilespmem:s24+$0x1C0] =	vst v22;
	v34 =	vld.idx.msk [tilespmem:v14+s3+$0x0], $0xffff  }
0x1b3: {  	s29 =	sadd.s32 $0x100, s23;
	s0 =	simm.s32 $0x2680;
	s2 =	simm.s32 $0x0;
	v18 =	vmovc v2;
	v25 =	vadd.s32 s21, v16;
	v22 =	vadd.s32 s21, v17;
	[tilespmem:s24+$0xE0] =	vst v37;
	v14 =	vmovc v3;
	v32 =	vld.idx.msk [tilespmem:v31+s3+$0x0], $0xffff;
	v31 =	vadd.s32 s21, v15  }
.LBB2_8:
0x1b4: {  	s5 =	sadd.s32 $0x20, s31;
	s18 =	sadd.s32 $0x80, s31;
	s4 =	sadd.s32 $0xC0, s31;
	v37 =	vadd.s32 s2, v9;
	v38 =	vadd.s32 s2, v10;
	v23 =	vadd.s32 s2, v12;
	[tilespmem:s24+$0xFFFFFE30] =	vst v21;
	v21 =	vld.idx.msk [tilespmem:v33+s3+$0x0], $0xffff  }
0x1b5: {  	s9 =	sadd.s32 $0x40, s31;
	s6 =	sadd.s32 $0xA0, s31;
	s7 =	sadd.s32 $0xE0, s31;
	v33 =	vadd.s32 s5, v7;
	v39 =	vadd.s32 s18, v7;
	v40 =	vadd.s32 s4, v7;
	v41 =	vld.idx.msk [tilespmem:v20+s3+$0x0], $0xffff;
	v20 =	vmovc v36  }
0x1b6: {  	s11 =	sadd.s32 $0x60, s31;
	s30 =	sadd.s32 $0x8, s30;
	s2 =	smov.u32 s31;
	v36 =	vadd.s32 s9, v7;
	v42 =	vadd.s32 s6, v7;
	v43 =	vadd.s32 s7, v7;
	[tilespmem:s24+$0xFFFFFF60] =	vst v30  }
0x1b7: {  	v44 =	vadd.s32 s11, v7;
	p0 =	slt.u32 s30, $0x78;
	v30 =	vadd.s32 s5, v2;
	v29 =	vld.idx.msk [tilespmem:v29+s3+$0x0], $0xffff;
	[tilespmem:s24+$0x70] =	vst v28  }
0x1b8: {  	v28 =	vld.idx.msk [tilespmem:v35+s3+$0x0], $0xffff;
	[tilespmem:s24+$0xFFFFFED0] =	vst v26  }
0x1b9: {  	v26 =	vld.idx.msk [tilespmem:v11+s3+$0x0], $0xffff;
	[tilespmem:s24+$0xFFFFFFF0] =	vst v34;
	v11 =	vmov v30  }
0x1ba: {  	v30 =	vld.idx.msk [tilespmem:v33+s3+$0x0], $0xffff;
	[tilespmem:s24+$0x1D0] =	vst v32  }
0x1bb: {  	v32 =	vadd.s32 s26, v3;
	s26 =	smov.u32 s5;
	[tilespmem:s24+$0xFFFFFE40] =	vst v41;
	v27 =	vld.idx.msk [tilespmem:v27+s3+$0x0], $0xffff  }
0x1bc: {  	v33 =	vadd.s32 s26, v6;
	v34 =	vld.idx.msk [tilespmem:v43+s3+$0x0], $0xffff;
	[tilespmem:s24+$0xF0] =	vst v21  }
0x1bd: {  	v35 =	vadd.s32 s7, v6;
	v21 =	vld.idx.msk [tilespmem:v39+s3+$0x0], $0xffff;
	[tilespmem:s24+$0xFFFFFF70] =	vst v29  }
0x1be: {  	[tilespmem:s0+$0xFFFFFE00] =	vst v28;
	v28 =	vadd.s32 s18, v6;
	v29 =	vld.idx.msk [tilespmem:v19+s3+$0x0], $0xffff;
	v19 =	vmov v31  }
0x1bf: {  	v39 =	vadd.s32 s6, v6;
	v31 =	vld.idx.msk [tilespmem:v44+s3+$0x0], $0xffff;
	[tilespmem:s24+$0xFFFFFEE0] =	vst v26  }
0x1c0: {  	[tilespmem:s0+$0xFFFFFE80] =	vst v30;
	v26 =	vld.idx.msk [tilespmem:v32+s3+$0x0], $0xffff  }
0x1c1: {  	v30 =	vadd.s32 s9, v6;
	v32 =	vld.idx.msk [tilespmem:v42+s3+$0x0], $0xffff;
	[tilespmem:s24+$0x1E0] =	vst v27  }
0x1c2: {  	v27 =	vld.idx.msk [tilespmem:v36+s3+$0x0], $0xffff;
	v36 =	vadd.s32 s11, v6;
	[tilespmem:s0+$0x180] =	vst v34;
	v34 =	vadd.s32 s25, v3;
	s25 =	smov.u32 s7  }
0x1c3: {  	v41 =	vadd.s32 s26, v5;
	v37 =	vld.idx.msk [tilespmem:v37+s3+$0x0], $0xffff;
	[tilespmem:s0+$0x0] =	vst v21  }
0x1c4: {  	v21 =	vld.idx.msk [tilespmem:v33+s3+$0x0], $0xffff;
	v33 =	vadd.s32 s25, v5;
	[tilespmem:s24+$0xFFFFFE50] =	vst v29  }
0x1c5: {  	v29 =	vadd.s32 s18, v5;
	v28 =	vld.idx.msk [tilespmem:v28+s3+$0x0], $0xffff;
	[tilespmem:s24+$0x150] =	vst v24  }
0x1c6: {  	v24 =	vadd.s32 s6, v5;
	v40 =	vld.idx.msk [tilespmem:v40+s3+$0x0], $0xffff;
	[tilespmem:s24+$0xFFFFFEF0] =	vst v26  }
0x1c7: {  	v26 =	vadd.s32 s4, v6;
	[tilespmem:s0+$0x80] =	vst v32;
	v32 =	vadd.s32 s28, v2;
	v34 =	vld.idx.msk [tilespmem:v34+s3+$0x0], $0xffff  }
0x1c8: {  	v42 =	vadd.s32 s9, v5;
	[tilespmem:s0+$0xFFFFFF80] =	vst v31;
	v31 =	vld.idx.msk [tilespmem:v39+s3+$0x0], $0xffff  }
0x1c9: {  	[tilespmem:s0+$0xFFFFFE10] =	vst v37;
	v36 =	vld.idx.msk [tilespmem:v36+s3+$0x0], $0xffff;
	v37 =	vadd.s32 s11, v5  }
0x1ca: {  	[tilespmem:s0+$0xFFFFFE90] =	vst v21;
	v21 =	vld.idx.msk [tilespmem:v35+s3+$0x0], $0xffff  }
0x1cb: {  	v35 =	vld.idx.msk [tilespmem:v38+s3+$0x0], $0xffff;
	[tilespmem:s0+$0x10] =	vst v28  }
0x1cc: {  	[tilespmem:s0+$0x100] =	vst v40;
	v28 =	vld.idx.msk [tilespmem:v32+s3+$0x0], $0xffff  }
0x1cd: {  	[tilespmem:s0+$0xFFFFFF00] =	vst v27;
	v27 =	vld.idx.msk [tilespmem:v29+s3+$0x0], $0xffff  }
0x1ce: {  	v29 =	vld.idx.msk [tilespmem:v30+s3+$0x0], $0xffff;
	[tilespmem:s0+$0x90] =	vst v31;
	v30 =	vadd.s32 s28, v3;
	s28 =	smov.u32 s4  }
0x1cf: {  	v31 =	vadd.s32 s18, v4;
	[tilespmem:s0+$0xFFFFFF90] =	vst v36;
	v32 =	vld.idx.msk [tilespmem:v18+s3+$0x0], $0xffff;
	v18 =	vmov v25  }
0x1d0: {  	v25 =	vld.idx.msk [tilespmem:v37+s3+$0x0], $0xffff;
	[tilespmem:s0+$0x190] =	vst v21  }
0x1d1: {  	[tilespmem:s0+$0xFFFFFE20] =	vst v35;
	v21 =	vld.idx.msk [tilespmem:v24+s3+$0x0], $0xffff  }
0x1d2: {  	v24 =	vadd.s32 s11, v4;
	v26 =	vld.idx.msk [tilespmem:v26+s3+$0x0], $0xffff;
	[tilespmem:s24+$0x160] =	vst v28  }
0x1d3: {  	[tilespmem:s0+$0x20] =	vst v27;
	v27 =	vadd.s32 s6, v4;
	v28 =	vld.idx.msk [tilespmem:v30+s3+$0x0], $0xffff  }
0x1d4: {  	[tilespmem:s0+$0xFFFFFF10] =	vst v29;
	v29 =	vld.idx.msk [tilespmem:v31+s3+$0x0], $0xffff  }
0x1d5: {  	v31 =	vadd.s32 s28, v5;
	v30 =	vld.idx.msk [tilespmem:v42+s3+$0x0], $0xffff;
	[tilespmem:s24+$0xFFFFFE60] =	vst v32  }
0x1d6: {  	[tilespmem:s0+$0xFFFFFFA0] =	vst v25;
	v25 =	vld.idx.msk [tilespmem:v14+s3+$0x0], $0xffff;
	v14 =	vmov v22  }
0x1d7: {  	v22 =	vadd.s32 s9, v4;
	v24 =	vld.idx.msk [tilespmem:v24+s3+$0x0], $0xffff;
	[tilespmem:s0+$0xA0] =	vst v21  }
0x1d8: {  	v32 =	vadd.s32 s18, v0;
	v27 =	vld.idx.msk [tilespmem:v27+s3+$0x0], $0xffff;
	[tilespmem:s0+$0x110] =	vst v26  }
0x1d9: {  	v26 =	vld.idx.msk [tilespmem:v41+s3+$0x0], $0xffff;
	[tilespmem:s24+$0x170] =	vst v28  }
0x1da: {  	v28 =	vadd.s32 s11, v0;
	v31 =	vld.idx.msk [tilespmem:v31+s3+$0x0], $0xffff;
	[tilespmem:s24+$0x1F0] =	vst v34  }
0x1db: {  	v21 =	vld.idx.msk [tilespmem:v23+s3+$0x0], $0xffff;
	[tilespmem:s0+$0xFFFFFF20] =	vst v30;
	v23 =	vadd.s32 s6, v0  }
0x1dc: {  	v22 =	vld.idx.msk [tilespmem:v22+s3+$0x0], $0xffff;
	[tilespmem:s0+$0x30] =	vst v29;
	v29 =	vadd.s32 s28, v4  }
0x1dd: {  	v30 =	vadd.s32 s26, v4;
	v32 =	vld.idx.msk [tilespmem:v32+s3+$0x0], $0xffff;
	[tilespmem:s24+$0xFFFFFE70] =	vst v25;
	s24 =	smov.u32 s0  }
0x1de: {  	v25 =	vadd.s32 s9, v0;
	[tilespmem:s0+$0xFFFFFFB0] =	vst v24;
	v24 =	vld.idx.msk [tilespmem:v33+s3+$0x0], $0xffff  }
0x1df: {  	v33 =	vadd.s32 s18, v1;
	v28 =	vld.idx.msk [tilespmem:v28+s3+$0x0], $0xffff;
	[tilespmem:s0+$0xB0] =	vst v27  }
0x1e0: {  	v27 =	vadd.s32 s25, v4;
	v23 =	vld.idx.msk [tilespmem:v23+s3+$0x0], $0xffff;
	[tilespmem:s0+$0x120] =	vst v31  }
0x1e1: {  	[tilespmem:s0+$0xFFFFFEA0] =	vst v26;
	v26 =	vadd.s32 s11, v1;
	v29 =	vld.idx.msk [tilespmem:v29+s3+$0x0], $0xffff  }
0x1e2: {  	v30 =	vld.idx.msk [tilespmem:v30+s3+$0x0], $0xffff;
	[tilespmem:s0+$0xFFFFFF30] =	vst v22;
	v22 =	vadd.s32 s6, v1  }
0x1e3: {  	v31 =	vadd.s32 s28, v0;
	v25 =	vld.idx.msk [tilespmem:v25+s3+$0x0], $0xffff;
	[tilespmem:s0+$0x40] =	vst v32  }
0x1e4: {  	v32 =	vadd.s32 s26, v0;
	v33 =	vld.idx.msk [tilespmem:v33+s3+$0x0], $0xffff;
	[tilespmem:s0+$0x1A0] =	vst v24  }
0x1e5: {  	v24 =	vadd.s32 s9, v1;
	[tilespmem:s0+$0xFFFFFFC0] =	vst v28;
	v27 =	vld.idx.msk [tilespmem:v27+s3+$0x0], $0xffff  }
0x1e6: {  	v28 =	vadd.s32 s18, v2;
	v26 =	vld.idx.msk [tilespmem:v26+s3+$0x0], $0xffff;
	[tilespmem:s0+$0xC0] =	vst v23  }
0x1e7: {  	v23 =	vadd.s32 s25, v0;
	v22 =	vld.idx.msk [tilespmem:v22+s3+$0x0], $0xffff;
	[tilespmem:s0+$0x130] =	vst v29  }
0x1e8: {  	v29 =	vadd.s32 s11, v2;
	[tilespmem:s0+$0xFFFFFEB0] =	vst v30;
	v30 =	vld.idx.msk [tilespmem:v31+s3+$0x0], $0xffff  }
0x1e9: {  	v31 =	vld.idx.msk [tilespmem:v32+s3+$0x0], $0xffff;
	[tilespmem:s0+$0xFFFFFF40] =	vst v25;
	v25 =	vadd.s32 s6, v2  }
0x1ea: {  	v32 =	vld.idx.msk [tilespmem:v24+s3+$0x0], $0xffff;
	[tilespmem:s0+$0x50] =	vst v33;
	v24 =	vadd.s32 s28, v1  }
0x1eb: {  	v33 =	vadd.s32 s26, v1;
	v28 =	vld.idx.msk [tilespmem:v28+s3+$0x0], $0xffff;
	[tilespmem:s0+$0x1B0] =	vst v27  }
0x1ec: {  	v27 =	vadd.s32 s9, v2;
	[tilespmem:s0+$0xFFFFFFD0] =	vst v26;
	v23 =	vld.idx.msk [tilespmem:v23+s3+$0x0], $0xffff  }
0x1ed: {  	v34 =	vld.idx.msk [tilespmem:v29+s3+$0x0], $0xffff;
	v29 =	vadd.s32 s18, v3;
	[tilespmem:s0+$0xD0] =	vst v22  }
0x1ee: {  	v35 =	vadd.s32 s25, v1;
	v37 =	vld.idx.msk [tilespmem:v25+s3+$0x0], $0xffff;
	[tilespmem:s0+$0x140] =	vst v30  }
0x1ef: {  	v38 =	vadd.s32 s11, v3;
	[tilespmem:s0+$0xFFFFFEC0] =	vst v31;
	v24 =	vld.idx.msk [tilespmem:v24+s3+$0x0], $0xffff  }
.Ltmp2:
0x1f0: {  	v26 =	vld.idx.msk [tilespmem:v33+s3+$0x0], $0xffff;
	[tilespmem:s0+$0xFFFFFF50] =	vst v32;
	v33 =	vadd.s32 s6, v3;
	(pc) =	sbr.rel @p0 .LBB2_8-.Ltmp2, $4  }
0x1f1: {  	v30 =	vld.idx.msk [tilespmem:v27+s3+$0x0], $0xffff;
	[tilespmem:s0+$0x60] =	vst v28  }
0x1f2: {  	v27 =	vadd.s32 s25, v2;
	v28 =	vld.idx.msk [tilespmem:v29+s3+$0x0], $0xffff;
	[tilespmem:s0+$0x1C0] =	vst v23  }
0x1f3: {  	v22 =	vadd.s32 s31, v17;
	v25 =	vadd.s32 s31, v16;
	v29 =	vadd.s32 s9, v3;
	[tilespmem:s0+$0xFFFFFFE0] =	vst v34;
	v32 =	vld.idx.msk [tilespmem:v35+s3+$0x0], $0xffff  }
0x1f4: {  	v36 =	vadd.s32 s2, v13;
	s31 =	sadd.s32 $0x100, s31;
	v31 =	vadd.s32 s2, v15;
	v35 =	vadd.s32 s2, v8;
	s0 =	sadd.s32 $0x400, s0;
	v34 =	vld.idx.msk [tilespmem:v38+s3+$0x0], $0xffff;
	[tilespmem:s24+$0xE0] =	vst v37  }
0x1f5: {  	_ =	sdelay $0x2  }
0x1f6: {  	[tilespmem:s24+$0xFFFFFE30] =	vst v21  }
0x1f7: {  	v8 =	vld.idx.msk [tilespmem:v20+s3+$0x0], $0xffff;
	_ =	sdelay $0x4  }
0x1f8: {  	[tilespmem:s24+$0xFFFFFE40] =	vst v8;
	v8 =	vadd.s32 s28, v2  }
0x1f9: {  	v9 =	vld.idx.msk [tilespmem:v19+s3+$0x0], $0xffff  }
0x1fa: {  	[tilespmem:s24+$0xFFFFFED0] =	vst v26  }
0x1fb: {  	[tilespmem:s24+$0x150] =	vst v24  }
0x1fc: {  	[tilespmem:s24+$0xFFFFFF60] =	vst v30;
	v10 =	vld.idx.msk [tilespmem:v11+s3+$0x0], $0xffff  }
0x1fd: {  	v11 =	vadd.s32 s26, v3;
	[tilespmem:s24+$0x1D0] =	vst v32;
	v8 =	vld.idx.msk [tilespmem:v8+s3+$0x0], $0xffff  }
0x1fe: {  	v12 =	vld.idx.msk [tilespmem:v27+s3+$0x0], $0xffff;
	[tilespmem:s24+$0xFFFFFE50] =	vst v9;
	v9 =	vadd.s32 s28, v3  }
0x1ff: {  	v13 =	vadd.s32 s25, v3;
	[tilespmem:s24+$0x70] =	vst v28;
	v15 =	vld.idx.msk [tilespmem:v18+s3+$0x0], $0xffff  }
0x200: {  	v16 =	vld.idx.msk [tilespmem:v33+s3+$0x0], $0xffff;
	[tilespmem:s24+$0xFFFFFFF0] =	vst v34  }
0x201: {  	v17 =	vld.idx.msk [tilespmem:v29+s3+$0x0], $0xffff;
	[tilespmem:s24+$0xFFFFFEE0] =	vst v10  }
0x202: {  	v10 =	vld.idx.msk [tilespmem:v11+s3+$0x0], $0xffff;
	[tilespmem:s24+$0x160] =	vst v8  }
0x203: {  	[tilespmem:s24+$0x1E0] =	vst v12;
	v8 =	vld.idx.msk [tilespmem:v9+s3+$0x0], $0xffff  }
0x204: {  	v9 =	vld.idx.msk [tilespmem:v13+s3+$0x0], $0xffff;
	[tilespmem:s24+$0xFFFFFE60] =	vst v15  }
0x205: {  	[tilespmem:s24+$0xF0] =	vst v16;
	v11 =	vld.idx.msk [tilespmem:v14+s3+$0x0], $0xffff  }
0x206: {  	v7 =	vadd.s32 $0x1000, v7;
	[tilespmem:s24+$0xFFFFFF70] =	vst v17  }
0x207: {  	[tilespmem:s24+$0xFFFFFEF0] =	vst v10  }
0x208: {  	[tilespmem:s24+$0x170] =	vst v8  }
0x209: {  	[tilespmem:s24+$0x1F0] =	vst v9  }
0x20a: {  	[tilespmem:s24+$0xFFFFFE70] =	vst v11;
	s24 =	simm.s32 $0x0  }
0x20b: {  	v7 =	vld.idx.msk [tilespmem:v7+s24+$0x0], $0xffff  }
0x20c: {  	v6 =	vadd.s32 $0x1000, v6;
	_ =	sdelay $0x3  }
0x20d: {  	[tilespmem:$0x6080] =	vst v7  }
0x20e: {  	v6 =	vld.idx.msk [tilespmem:v6+s24+$0x0], $0xffff  }
0x20f: {  	v5 =	vadd.s32 $0x1000, v5;
	_ =	sdelay $0x3  }
0x210: {  	[tilespmem:$0x6090] =	vst v6  }
0x211: {  	v5 =	vld.idx.msk [tilespmem:v5+s24+$0x0], $0xffff  }
0x212: {  	v4 =	vadd.s32 $0x1000, v4;
	_ =	sdelay $0x3  }
0x213: {  	[tilespmem:$0x60A0] =	vst v5  }
0x214: {  	v4 =	vld.idx.msk [tilespmem:v4+s24+$0x0], $0xffff  }
0x215: {  	v0 =	vadd.s32 $0x1000, v0;
	_ =	sdelay $0x3  }
0x216: {  	[tilespmem:$0x60B0] =	vst v4  }
0x217: {  	v0 =	vld.idx.msk [tilespmem:v0+s24+$0x0], $0xffff  }
0x218: {  	v1 =	vadd.s32 $0x1000, v1;
	_ =	sdelay $0x3  }
0x219: {  	[tilespmem:$0x60C0] =	vst v0  }
0x21a: {  	v0 =	vld.idx.msk [tilespmem:v1+s24+$0x0], $0xffff  }
0x21b: {  	v1 =	vadd.s32 $0x1000, v2;
	_ =	sdelay $0x3  }
0x21c: {  	[tilespmem:$0x60D0] =	vst v0  }
0x21d: {  	v0 =	vld.idx.msk [tilespmem:v1+s24+$0x0], $0xffff  }
0x21e: {  	v1 =	vadd.s32 $0x1000, v3;
	_ =	sdelay $0x3  }
0x21f: {  	[tilespmem:$0x60E0] =	vst v0  }
0x220: {  	v0 =	vld.idx.msk [tilespmem:v1+s24+$0x0], $0xffff;
	_ =	sdelay $0x2  }
0x221: {  	s0 =	sadd.s32 s29, s20  }
0x222: {  	s0 =	sand.u32 $0x1FFFFF70, s0  }
0x223: {  	s0 =	sadd.s32 s1, s0;
	[tilespmem:$0x60F0] =	vst v0  }
0x224: {  	[hbm4b:s0+s12] =	stream.strided.scatter [tilespmem:s14], [sflag:$0x1], $0x4080, s13, s12, $0x38;
	[tilespmem:$0xA180] =	vst v63  }
0x225: {  	_ =	swait.ge [sflag:s17], $0x4080  }
0x226: {  	[sflag:s17] =	ssyncset.done $0x0  }
0x227: {  	[sflag:s17] =	ssyncadd.s32 $0xFFFFBF80  }
0x228: {  	v7 =	vld [tilespmem:s23+$0x1200];
	_ =	sdelay $0x1  }
0x229: {  	v6 =	vld [tilespmem:s23+$0x1210]  }
0x22a: {  	v5 =	vld [tilespmem:s23+$0x1220]  }
0x22b: {  	s28 =	simm.s32 $0x20;
	v4 =	vld [tilespmem:s23+$0x1230]  }
0x22c: {  	s9 =	simm.s32 $0x80;
	v0 =	vld [tilespmem:s23+$0x1240];
	v8 =	vadd.s32 s28, v7  }
0x22d: {  	s26 =	simm.s32 $0xE0;
	v1 =	vld [tilespmem:s23+$0x1250];
	v9 =	vadd.s32 s9, v7  }
0x22e: {  	s6 =	simm.s32 $0x60;
	v2 =	vld [tilespmem:s23+$0x1260];
	v10 =	vadd.s32 s26, v7  }
0x22f: {  	s2 =	simm.s32 $0xA0;
	v3 =	vld [tilespmem:s23+$0x1270];
	v11 =	vadd.s32 s6, v7  }
0x230: {  	s18 =	simm.s32 $0x40;
	v12 =	vadd.s32 s2, v7;
	v13 =	vld.idx.msk [tilespmem:v7+s3+$0x0], $0xffff  }
0x231: {  	s29 =	simm.s32 $0xC0;
	v14 =	vadd.s32 s18, v7;
	v8 =	vld.idx.msk [tilespmem:v8+s3+$0x0], $0xffff  }
0x232: {  	v18 =	vadd.s32 s29, v7;
	v9 =	vld.idx.msk [tilespmem:v9+s3+$0x0], $0xffff  }
0x233: {  	v10 =	vld.idx.msk [tilespmem:v10+s3+$0x0], $0xffff  }
0x234: {  	v15 =	vadd.s32 s9, v6;
	v11 =	vld.idx.msk [tilespmem:v11+s3+$0x0], $0xffff  }
0x235: {  	s25 =	simm.s32 $0x6300;
	v16 =	vadd.s32 s28, v6;
	v12 =	vld.idx.msk [tilespmem:v12+s3+$0x0], $0xffff  }
0x236: {  	v17 =	vadd.s32 s6, v6;
	v14 =	vld.idx.msk [tilespmem:v14+s3+$0x0], $0xffff;
	[tilespmem:s25+$0xFFFFFE00] =	vst v13  }
0x237: {  	v18 =	vld.idx.msk [tilespmem:v18+s3+$0x0], $0xffff;
	v13 =	vadd.s32 s2, v6;
	[tilespmem:s25+$0x0] =	vst v9  }
0x238: {  	v19 =	vld.idx.msk [tilespmem:v6+s3+$0x0], $0xffff;
	v9 =	vadd.s32 s26, v6;
	[tilespmem:s25+$0xFFFFFE80] =	vst v8  }
0x239: {  	[tilespmem:s25+$0xFFFFFF80] =	vst v11;
	v11 =	vadd.s32 s18, v6;
	v8 =	vld.idx.msk [tilespmem:v15+s3+$0x0], $0xffff  }
0x23a: {  	[tilespmem:s25+$0x80] =	vst v12;
	v15 =	vld.idx.msk [tilespmem:v16+s3+$0x0], $0xffff;
	v16 =	vadd.s32 s9, v5  }
0x23b: {  	[tilespmem:s25+$0x180] =	vst v10;
	v12 =	vld.idx.msk [tilespmem:v17+s3+$0x0], $0xffff  }
0x23c: {  	[tilespmem:s25+$0xFFFFFF00] =	vst v14;
	v17 =	vadd.s32 s6, v5;
	v13 =	vld.idx.msk [tilespmem:v13+s3+$0x0], $0xffff  }
0x23d: {  	v10 =	vadd.s32 s2, v5;
	[tilespmem:s25+$0x100] =	vst v18;
	v9 =	vld.idx.msk [tilespmem:v9+s3+$0x0], $0xffff  }
0x23e: {  	v11 =	vld.idx.msk [tilespmem:v11+s3+$0x0], $0xffff;
	[tilespmem:s25+$0x10] =	vst v8;
	v8 =	vadd.s32 s29, v6  }
0x23f: {  	[tilespmem:s25+$0xFFFFFE10] =	vst v19;
	v14 =	vld.idx.msk [tilespmem:v16+s3+$0x0], $0xffff;
	v16 =	vadd.s32 s18, v5  }
0x240: {  	v19 =	vld.idx.msk [tilespmem:v5+s3+$0x0], $0xffff;
	[tilespmem:s25+$0xFFFFFF90] =	vst v12;
	v12 =	vadd.s32 s9, v4  }
0x241: {  	[tilespmem:s25+$0x90] =	vst v13;
	v13 =	vld.idx.msk [tilespmem:v17+s3+$0x0], $0xffff  }
0x242: {  	[tilespmem:s25+$0xFFFFFE90] =	vst v15;
	v17 =	vadd.s32 s6, v4;
	v10 =	vld.idx.msk [tilespmem:v10+s3+$0x0], $0xffff  }
0x243: {  	v18 =	vadd.s32 s2, v4;
	[tilespmem:s25+$0xFFFFFF10] =	vst v11;
	v8 =	vld.idx.msk [tilespmem:v8+s3+$0x0], $0xffff  }
0x244: {  	v20 =	vadd.s32 s28, v5;
	[tilespmem:s25+$0x20] =	vst v14;
	v14 =	vld.idx.msk [tilespmem:v16+s3+$0x0], $0xffff  }
0x245: {  	[tilespmem:s25+$0xFFFFFE20] =	vst v19;
	v11 =	vld.idx.msk [tilespmem:v12+s3+$0x0], $0xffff;
	v12 =	vadd.s32 s29, v5  }
0x246: {  	v21 =	vld.idx.msk [tilespmem:v4+s3+$0x0], $0xffff;
	[tilespmem:s25+$0xFFFFFFA0] =	vst v13;
	v13 =	vadd.s32 s18, v4  }
0x247: {  	v16 =	vld.idx.msk [tilespmem:v17+s3+$0x0], $0xffff;
	[tilespmem:s25+$0xA0] =	vst v10;
	v10 =	vadd.s32 s9, v0  }
0x248: {  	[tilespmem:s25+$0x190] =	vst v9;
	v17 =	vadd.s32 s26, v5;
	v15 =	vld.idx.msk [tilespmem:v18+s3+$0x0], $0xffff  }
0x249: {  	v18 =	vadd.s32 s6, v0;
	[tilespmem:s25+$0x110] =	vst v8;
	v8 =	vld.idx.msk [tilespmem:v20+s3+$0x0], $0xffff  }
0x24a: {  	[tilespmem:s25+$0xFFFFFF20] =	vst v14;
	v14 =	vadd.s32 s2, v0;
	v12 =	vld.idx.msk [tilespmem:v12+s3+$0x0], $0xffff  }
0x24b: {  	v9 =	vadd.s32 s28, v4;
	v13 =	vld.idx.msk [tilespmem:v13+s3+$0x0], $0xffff;
	[tilespmem:s25+$0x30] =	vst v11  }
0x24c: {  	v11 =	vadd.s32 s29, v4;
	v10 =	vld.idx.msk [tilespmem:v10+s3+$0x0], $0xffff  }
0x24d: {  	v19 =	vadd.s32 s18, v0;
	[tilespmem:s25+$0xFFFFFFB0] =	vst v16;
	v16 =	vld.idx.msk [tilespmem:v17+s3+$0x0], $0xffff  }
0x24e: {  	v17 =	vld.idx.msk [tilespmem:v18+s3+$0x0], $0xffff;
	v18 =	vadd.s32 s9, v1;
	[tilespmem:s25+$0xB0] =	vst v15  }
0x24f: {  	[tilespmem:s25+$0xFFFFFEA0] =	vst v8;
	v8 =	vadd.s32 s6, v1;
	v14 =	vld.idx.msk [tilespmem:v14+s3+$0x0], $0xffff  }
0x250: {  	v9 =	vld.idx.msk [tilespmem:v9+s3+$0x0], $0xffff;
	[tilespmem:s25+$0x120] =	vst v12;
	v12 =	vadd.s32 s26, v4  }
0x251: {  	[tilespmem:s25+$0xFFFFFF30] =	vst v13;
	v13 =	vadd.s32 s2, v1;
	v11 =	vld.idx.msk [tilespmem:v11+s3+$0x0], $0xffff  }
0x252: {  	v15 =	vld.idx.msk [tilespmem:v19+s3+$0x0], $0xffff;
	[tilespmem:s25+$0x40] =	vst v10;
	v19 =	vadd.s32 s28, v0  }
0x253: {  	v10 =	vadd.s32 s29, v0;
	v18 =	vld.idx.msk [tilespmem:v18+s3+$0x0], $0xffff;
	[tilespmem:s25+$0xFFFFFFC0] =	vst v17  }
0x254: {  	[tilespmem:s25+$0x1A0] =	vst v16;
	v16 =	vadd.s32 s18, v1;
	v8 =	vld.idx.msk [tilespmem:v8+s3+$0x0], $0xffff  }
0x255: {  	v17 =	vadd.s32 s9, v2;
	[tilespmem:s25+$0xC0] =	vst v14;
	v12 =	vld.idx.msk [tilespmem:v12+s3+$0x0], $0xffff  }
0x256: {  	[tilespmem:s25+$0xFFFFFEB0] =	vst v9;
	v9 =	vadd.s32 s6, v2;
	v13 =	vld.idx.msk [tilespmem:v13+s3+$0x0], $0xffff  }
0x257: {  	[tilespmem:s25+$0x130] =	vst v11;
	v11 =	vadd.s32 s26, v0;
	v14 =	vld.idx.msk [tilespmem:v19+s3+$0x0], $0xffff  }
0x258: {  	[tilespmem:s25+$0xFFFFFF40] =	vst v15;
	v15 =	vadd.s32 s2, v2;
	v10 =	vld.idx.msk [tilespmem:v10+s3+$0x0], $0xffff  }
0x259: {  	v19 =	vadd.s32 s28, v1;
	v16 =	vld.idx.msk [tilespmem:v16+s3+$0x0], $0xffff;
	[tilespmem:s25+$0x50] =	vst v18  }
0x25a: {  	v18 =	vadd.s32 s29, v1;
	v17 =	vld.idx.msk [tilespmem:v17+s3+$0x0], $0xffff;
	[tilespmem:s25+$0xFFFFFFD0] =	vst v8  }
0x25b: {  	v20 =	vadd.s32 s18, v2;
	v23 =	vld.idx.msk [tilespmem:v9+s3+$0x0], $0xffff;
	[tilespmem:s25+$0x1B0] =	vst v12  }
0x25c: {  	v25 =	vadd.s32 s9, v3;
	[tilespmem:s25+$0xD0] =	vst v13;
	v22 =	vld.idx.msk [tilespmem:v11+s3+$0x0], $0xffff  }
0x25d: {  	v31 =	vadd.s32 s26, v1;
	v37 =	vld.idx.msk [tilespmem:v15+s3+$0x0], $0xffff;
	[tilespmem:s25+$0xFFFFFEC0] =	vst v14;
	v14 =	vadd.s32 s6, v3  }
0x25e: {  	v33 =	vadd.s32 s2, v3;
	v27 =	vadd.s32 s26, v2;
	v8 =	vadd.s32 $0x100, v7;
	[tilespmem:s25+$0x140] =	vst v10;
	v26 =	vld.idx.msk [tilespmem:v19+s3+$0x0], $0xffff  }
0x25f: {  	v29 =	vadd.s32 s18, v3;
	v9 =	vadd.s32 $0x100, v6;
	v35 =	vadd.s32 s24, v8;
	[tilespmem:s25+$0xFFFFFF50] =	vst v16;
	v24 =	vld.idx.msk [tilespmem:v18+s3+$0x0], $0xffff  }
0x260: {  	v12 =	vadd.s32 $0x100, v4;
	v13 =	vadd.s32 $0x100, v0;
	v15 =	vadd.s32 $0x100, v1;
	v30 =	vld.idx.msk [tilespmem:v20+s3+$0x0], $0xffff;
	[tilespmem:s25+$0x60] =	vst v17;
	v20 =	vmovc v0  }
0x261: {  	v11 =	vadd.s32 s28, v2;
	v36 =	vadd.s32 s24, v13;
	v10 =	vadd.s32 $0x100, v5;
	v28 =	vld.idx.msk [tilespmem:v25+s3+$0x0], $0xffff;
	[tilespmem:s25+$0xFFFFFFE0] =	vst v23  }
0x262: {  	s30 =	simm.s32 $0x0;
	v16 =	vadd.s32 $0x100, v2;
	v32 =	vadd.s32 s24, v15;
	v17 =	vadd.s32 $0x100, v3;
	[tilespmem:s25+$0x1C0] =	vst v22;
	v34 =	vld.idx.msk [tilespmem:v14+s3+$0x0], $0xffff  }
0x263: {  	s31 =	simm.s32 $0x6700;
	s0 =	simm.s32 $0x100;
	s23 =	sadd.s32 $0x180, s23;
	v19 =	vmovc v1;
	v18 =	vmovc v2;
	v25 =	vadd.s32 s24, v16;
	v22 =	vadd.s32 s24, v17;
	[tilespmem:s25+$0xE0] =	vst v37;
	v14 =	vmov v3;
	v31 =	vld.idx.msk [tilespmem:v31+s3+$0x0], $0xffff  }
.LBB2_10:
0x264: {  	s5 =	sadd.s32 $0x20, s0;
	s9 =	sadd.s32 $0x80, s0;
	s4 =	sadd.s32 $0xC0, s0;
	v37 =	vadd.s32 s24, v9;
	v38 =	vadd.s32 s24, v10;
	v23 =	vadd.s32 s24, v12;
	[tilespmem:s25+$0xFFFFFE30] =	vst v21;
	v21 =	vld.idx.msk [tilespmem:v33+s3+$0x0], $0xffff  }
0x265: {  	s2 =	sadd.s32 $0x40, s0;
	s6 =	sadd.s32 $0xA0, s0;
	s7 =	sadd.s32 $0xE0, s0;
	v33 =	vadd.s32 s5, v7;
	v39 =	vadd.s32 s9, v7;
	v40 =	vadd.s32 s4, v7;
	v41 =	vld.idx.msk [tilespmem:v20+s3+$0x0], $0xffff;
	v20 =	vmovc v36  }
0x266: {  	s11 =	sadd.s32 $0x60, s0;
	s30 =	sadd.s32 $0x8, s30;
	s24 =	smov.u32 s0;
	v36 =	vadd.s32 s2, v7;
	v42 =	vadd.s32 s6, v7;
	v43 =	vadd.s32 s7, v7;
	[tilespmem:s25+$0xFFFFFF60] =	vst v30  }
0x267: {  	v44 =	vadd.s32 s11, v7;
	p0 =	slt.u32 s30, $0x78;
	v30 =	vadd.s32 s5, v2;
	v29 =	vld.idx.msk [tilespmem:v29+s3+$0x0], $0xffff;
	[tilespmem:s25+$0x70] =	vst v28  }
0x268: {  	v28 =	vld.idx.msk [tilespmem:v35+s3+$0x0], $0xffff;
	[tilespmem:s25+$0xFFFFFED0] =	vst v26  }
0x269: {  	v26 =	vld.idx.msk [tilespmem:v11+s3+$0x0], $0xffff;
	[tilespmem:s25+$0xFFFFFFF0] =	vst v34;
	v11 =	vmov v30  }
0x26a: {  	v30 =	vld.idx.msk [tilespmem:v33+s3+$0x0], $0xffff;
	[tilespmem:s25+$0x1D0] =	vst v31  }
0x26b: {  	v31 =	vadd.s32 s28, v3;
	s28 =	smov.u32 s5;
	[tilespmem:s25+$0xFFFFFE40] =	vst v41;
	v27 =	vld.idx.msk [tilespmem:v27+s3+$0x0], $0xffff  }
0x26c: {  	v33 =	vadd.s32 s28, v6;
	v34 =	vld.idx.msk [tilespmem:v43+s3+$0x0], $0xffff;
	[tilespmem:s25+$0xF0] =	vst v21  }
0x26d: {  	v35 =	vadd.s32 s7, v6;
	v21 =	vld.idx.msk [tilespmem:v39+s3+$0x0], $0xffff;
	[tilespmem:s25+$0xFFFFFF70] =	vst v29  }
0x26e: {  	[tilespmem:s31+$0xFFFFFE00] =	vst v28;
	v28 =	vadd.s32 s9, v6;
	v29 =	vld.idx.msk [tilespmem:v19+s3+$0x0], $0xffff;
	v19 =	vmov v32  }
0x26f: {  	v39 =	vadd.s32 s6, v6;
	v32 =	vld.idx.msk [tilespmem:v44+s3+$0x0], $0xffff;
	[tilespmem:s25+$0xFFFFFEE0] =	vst v26  }
0x270: {  	[tilespmem:s31+$0xFFFFFE80] =	vst v30;
	v26 =	vld.idx.msk [tilespmem:v31+s3+$0x0], $0xffff  }
0x271: {  	v30 =	vadd.s32 s2, v6;
	v31 =	vld.idx.msk [tilespmem:v42+s3+$0x0], $0xffff;
	[tilespmem:s25+$0x1E0] =	vst v27  }
0x272: {  	v27 =	vld.idx.msk [tilespmem:v36+s3+$0x0], $0xffff;
	v36 =	vadd.s32 s11, v6;
	[tilespmem:s31+$0x180] =	vst v34;
	v34 =	vadd.s32 s26, v3;
	s26 =	smov.u32 s7  }
0x273: {  	v41 =	vadd.s32 s28, v5;
	v37 =	vld.idx.msk [tilespmem:v37+s3+$0x0], $0xffff;
	[tilespmem:s31+$0x0] =	vst v21  }
0x274: {  	v21 =	vld.idx.msk [tilespmem:v33+s3+$0x0], $0xffff;
	v33 =	vadd.s32 s26, v5;
	[tilespmem:s25+$0xFFFFFE50] =	vst v29  }
0x275: {  	v29 =	vadd.s32 s9, v5;
	v28 =	vld.idx.msk [tilespmem:v28+s3+$0x0], $0xffff;
	[tilespmem:s25+$0x150] =	vst v24  }
0x276: {  	v24 =	vadd.s32 s6, v5;
	v40 =	vld.idx.msk [tilespmem:v40+s3+$0x0], $0xffff;
	[tilespmem:s25+$0xFFFFFEF0] =	vst v26  }
0x277: {  	v26 =	vadd.s32 s4, v6;
	[tilespmem:s31+$0x80] =	vst v31;
	v31 =	vadd.s32 s29, v2;
	v34 =	vld.idx.msk [tilespmem:v34+s3+$0x0], $0xffff  }
0x278: {  	v42 =	vadd.s32 s2, v5;
	[tilespmem:s31+$0xFFFFFF80] =	vst v32;
	v32 =	vld.idx.msk [tilespmem:v39+s3+$0x0], $0xffff  }
0x279: {  	[tilespmem:s31+$0xFFFFFE10] =	vst v37;
	v36 =	vld.idx.msk [tilespmem:v36+s3+$0x0], $0xffff;
	v37 =	vadd.s32 s11, v5  }
0x27a: {  	[tilespmem:s31+$0xFFFFFE90] =	vst v21;
	v21 =	vld.idx.msk [tilespmem:v35+s3+$0x0], $0xffff  }
0x27b: {  	v35 =	vld.idx.msk [tilespmem:v38+s3+$0x0], $0xffff;
	[tilespmem:s31+$0x10] =	vst v28  }
0x27c: {  	[tilespmem:s31+$0x100] =	vst v40;
	v28 =	vld.idx.msk [tilespmem:v31+s3+$0x0], $0xffff  }
0x27d: {  	[tilespmem:s31+$0xFFFFFF00] =	vst v27;
	v27 =	vld.idx.msk [tilespmem:v29+s3+$0x0], $0xffff  }
0x27e: {  	v29 =	vld.idx.msk [tilespmem:v30+s3+$0x0], $0xffff;
	[tilespmem:s31+$0x90] =	vst v32;
	v30 =	vadd.s32 s29, v3;
	s29 =	smov.u32 s4  }
0x27f: {  	v31 =	vadd.s32 s9, v4;
	[tilespmem:s31+$0xFFFFFF90] =	vst v36;
	v32 =	vld.idx.msk [tilespmem:v18+s3+$0x0], $0xffff;
	v18 =	vmov v25  }
0x280: {  	v25 =	vld.idx.msk [tilespmem:v37+s3+$0x0], $0xffff;
	[tilespmem:s31+$0x190] =	vst v21  }
0x281: {  	[tilespmem:s31+$0xFFFFFE20] =	vst v35;
	v21 =	vld.idx.msk [tilespmem:v24+s3+$0x0], $0xffff  }
0x282: {  	v24 =	vadd.s32 s11, v4;
	v26 =	vld.idx.msk [tilespmem:v26+s3+$0x0], $0xffff;
	[tilespmem:s25+$0x160] =	vst v28  }
0x283: {  	[tilespmem:s31+$0x20] =	vst v27;
	v27 =	vadd.s32 s6, v4;
	v28 =	vld.idx.msk [tilespmem:v30+s3+$0x0], $0xffff  }
0x284: {  	[tilespmem:s31+$0xFFFFFF10] =	vst v29;
	v29 =	vld.idx.msk [tilespmem:v31+s3+$0x0], $0xffff  }
0x285: {  	v31 =	vadd.s32 s29, v5;
	v30 =	vld.idx.msk [tilespmem:v42+s3+$0x0], $0xffff;
	[tilespmem:s25+$0xFFFFFE60] =	vst v32  }
0x286: {  	[tilespmem:s31+$0xFFFFFFA0] =	vst v25;
	v25 =	vld.idx.msk [tilespmem:v14+s3+$0x0], $0xffff;
	v14 =	vmov v22  }
0x287: {  	v22 =	vadd.s32 s2, v4;
	v24 =	vld.idx.msk [tilespmem:v24+s3+$0x0], $0xffff;
	[tilespmem:s31+$0xA0] =	vst v21  }
0x288: {  	v32 =	vadd.s32 s9, v0;
	v27 =	vld.idx.msk [tilespmem:v27+s3+$0x0], $0xffff;
	[tilespmem:s31+$0x110] =	vst v26  }
0x289: {  	v26 =	vld.idx.msk [tilespmem:v41+s3+$0x0], $0xffff;
	[tilespmem:s25+$0x170] =	vst v28  }
0x28a: {  	v28 =	vadd.s32 s11, v0;
	v31 =	vld.idx.msk [tilespmem:v31+s3+$0x0], $0xffff;
	[tilespmem:s25+$0x1F0] =	vst v34  }
0x28b: {  	v21 =	vld.idx.msk [tilespmem:v23+s3+$0x0], $0xffff;
	[tilespmem:s31+$0xFFFFFF20] =	vst v30;
	v23 =	vadd.s32 s6, v0  }
0x28c: {  	v22 =	vld.idx.msk [tilespmem:v22+s3+$0x0], $0xffff;
	[tilespmem:s31+$0x30] =	vst v29;
	v29 =	vadd.s32 s29, v4  }
0x28d: {  	v30 =	vadd.s32 s28, v4;
	v32 =	vld.idx.msk [tilespmem:v32+s3+$0x0], $0xffff;
	[tilespmem:s25+$0xFFFFFE70] =	vst v25;
	s25 =	smov.u32 s31  }
0x28e: {  	v25 =	vadd.s32 s2, v0;
	[tilespmem:s31+$0xFFFFFFB0] =	vst v24;
	v24 =	vld.idx.msk [tilespmem:v33+s3+$0x0], $0xffff  }
0x28f: {  	v33 =	vadd.s32 s9, v1;
	v28 =	vld.idx.msk [tilespmem:v28+s3+$0x0], $0xffff;
	[tilespmem:s31+$0xB0] =	vst v27  }
0x290: {  	v27 =	vadd.s32 s26, v4;
	v23 =	vld.idx.msk [tilespmem:v23+s3+$0x0], $0xffff;
	[tilespmem:s31+$0x120] =	vst v31  }
0x291: {  	[tilespmem:s31+$0xFFFFFEA0] =	vst v26;
	v26 =	vadd.s32 s11, v1;
	v29 =	vld.idx.msk [tilespmem:v29+s3+$0x0], $0xffff  }
0x292: {  	v30 =	vld.idx.msk [tilespmem:v30+s3+$0x0], $0xffff;
	[tilespmem:s31+$0xFFFFFF30] =	vst v22;
	v22 =	vadd.s32 s6, v1  }
0x293: {  	v31 =	vadd.s32 s29, v0;
	v25 =	vld.idx.msk [tilespmem:v25+s3+$0x0], $0xffff;
	[tilespmem:s31+$0x40] =	vst v32  }
0x294: {  	v32 =	vadd.s32 s28, v0;
	v33 =	vld.idx.msk [tilespmem:v33+s3+$0x0], $0xffff;
	[tilespmem:s31+$0x1A0] =	vst v24  }
0x295: {  	v24 =	vadd.s32 s2, v1;
	[tilespmem:s31+$0xFFFFFFC0] =	vst v28;
	v27 =	vld.idx.msk [tilespmem:v27+s3+$0x0], $0xffff  }
0x296: {  	v28 =	vadd.s32 s9, v2;
	v26 =	vld.idx.msk [tilespmem:v26+s3+$0x0], $0xffff;
	[tilespmem:s31+$0xC0] =	vst v23  }
0x297: {  	v23 =	vadd.s32 s26, v0;
	v22 =	vld.idx.msk [tilespmem:v22+s3+$0x0], $0xffff;
	[tilespmem:s31+$0x130] =	vst v29  }
0x298: {  	v29 =	vadd.s32 s11, v2;
	[tilespmem:s31+$0xFFFFFEB0] =	vst v30;
	v30 =	vld.idx.msk [tilespmem:v31+s3+$0x0], $0xffff  }
0x299: {  	v31 =	vld.idx.msk [tilespmem:v32+s3+$0x0], $0xffff;
	[tilespmem:s31+$0xFFFFFF40] =	vst v25;
	v25 =	vadd.s32 s6, v2  }
0x29a: {  	v32 =	vld.idx.msk [tilespmem:v24+s3+$0x0], $0xffff;
	[tilespmem:s31+$0x50] =	vst v33;
	v24 =	vadd.s32 s29, v1  }
0x29b: {  	v33 =	vadd.s32 s28, v1;
	v28 =	vld.idx.msk [tilespmem:v28+s3+$0x0], $0xffff;
	[tilespmem:s31+$0x1B0] =	vst v27  }
0x29c: {  	v27 =	vadd.s32 s2, v2;
	[tilespmem:s31+$0xFFFFFFD0] =	vst v26;
	v23 =	vld.idx.msk [tilespmem:v23+s3+$0x0], $0xffff  }
0x29d: {  	v34 =	vld.idx.msk [tilespmem:v29+s3+$0x0], $0xffff;
	v29 =	vadd.s32 s9, v3;
	[tilespmem:s31+$0xD0] =	vst v22  }
0x29e: {  	v35 =	vadd.s32 s26, v1;
	v37 =	vld.idx.msk [tilespmem:v25+s3+$0x0], $0xffff;
	[tilespmem:s31+$0x140] =	vst v30  }
0x29f: {  	v38 =	vadd.s32 s11, v3;
	[tilespmem:s31+$0xFFFFFEC0] =	vst v31;
	v24 =	vld.idx.msk [tilespmem:v24+s3+$0x0], $0xffff  }
.Ltmp3:
0x2a0: {  	v26 =	vld.idx.msk [tilespmem:v33+s3+$0x0], $0xffff;
	[tilespmem:s31+$0xFFFFFF50] =	vst v32;
	v33 =	vadd.s32 s6, v3;
	(pc) =	sbr.rel @p0 .LBB2_10-.Ltmp3, $4  }
0x2a1: {  	v30 =	vld.idx.msk [tilespmem:v27+s3+$0x0], $0xffff;
	[tilespmem:s31+$0x60] =	vst v28  }
0x2a2: {  	v27 =	vadd.s32 s26, v2;
	v28 =	vld.idx.msk [tilespmem:v29+s3+$0x0], $0xffff;
	[tilespmem:s31+$0x1C0] =	vst v23  }
0x2a3: {  	v22 =	vadd.s32 s0, v17;
	v25 =	vadd.s32 s0, v16;
	v29 =	vadd.s32 s2, v3;
	[tilespmem:s31+$0xFFFFFFE0] =	vst v34;
	v31 =	vld.idx.msk [tilespmem:v35+s3+$0x0], $0xffff  }
0x2a4: {  	v36 =	vadd.s32 s24, v13;
	s0 =	sadd.s32 $0x100, s0;
	v32 =	vadd.s32 s24, v15;
	v35 =	vadd.s32 s24, v8;
	s31 =	sadd.s32 $0x400, s31;
	v34 =	vld.idx.msk [tilespmem:v38+s3+$0x0], $0xffff;
	[tilespmem:s25+$0xE0] =	vst v37  }
0x2a5: {  	_ =	sdelay $0x2  }
0x2a6: {  	[tilespmem:s25+$0xFFFFFE30] =	vst v21  }
0x2a7: {  	v8 =	vld.idx.msk [tilespmem:v20+s3+$0x0], $0xffff;
	_ =	sdelay $0x4  }
0x2a8: {  	[tilespmem:s25+$0xFFFFFE40] =	vst v8  }
0x2a9: {  	v57 =	vadd.s32 s29, v2;
	v9 =	vld.idx.msk [tilespmem:v19+s3+$0x0], $0xffff  }
0x2aa: {  	[tilespmem:s25+$0xFFFFFED0] =	vst v26  }
0x2ab: {  	[tilespmem:s25+$0x150] =	vst v24  }
0x2ac: {  	v10 =	vld.idx.msk [tilespmem:v11+s3+$0x0], $0xffff;
	[tilespmem:s25+$0x1D0] =	vst v31  }
0x2ad: {  	v58 =	vadd.s32 s28, v3;
	[tilespmem:s25+$0xFFFFFF60] =	vst v30;
	v12 =	vld.idx.msk [tilespmem:v27+s3+$0x0], $0xffff  }
0x2ae: {  	v13 =	vadd.s32 s26, v3;
	v8 =	vld.idx.msk [tilespmem:v57+s3+$0x0], $0xffff;
	[tilespmem:s25+$0xFFFFFE50] =	vst v9  }
0x2af: {  	v59 =	vadd.s32 s29, v3;
	[tilespmem:s25+$0x70] =	vst v28;
	v15 =	vld.idx.msk [tilespmem:v18+s3+$0x0], $0xffff  }
0x2b0: {  	v16 =	vld.idx.msk [tilespmem:v33+s3+$0x0], $0xffff;
	[tilespmem:s25+$0xFFFFFFF0] =	vst v34  }
0x2b1: {  	v17 =	vld.idx.msk [tilespmem:v29+s3+$0x0], $0xffff;
	[tilespmem:s25+$0xFFFFFEE0] =	vst v10  }
0x2b2: {  	v10 =	vld.idx.msk [tilespmem:v58+s3+$0x0], $0xffff;
	[tilespmem:s25+$0x1E0] =	vst v12  }
0x2b3: {  	v60 =	vld.idx.msk [tilespmem:v13+s3+$0x0], $0xffff;
	[tilespmem:s25+$0x160] =	vst v8  }
0x2b4: {  	v8 =	vld.idx.msk [tilespmem:v59+s3+$0x0], $0xffff;
	[tilespmem:s25+$0xFFFFFE60] =	vst v15  }
0x2b5: {  	[tilespmem:s25+$0xF0] =	vst v16;
	v61 =	vld.idx.msk [tilespmem:v14+s3+$0x0], $0xffff  }
0x2b6: {  	v7 =	vadd.s32 $0x1000, v7;
	[tilespmem:s25+$0xFFFFFF70] =	vst v17  }
0x2b7: {  	[tilespmem:s25+$0xFFFFFEF0] =	vst v10  }
0x2b8: {  	[tilespmem:s25+$0x1F0] =	vst v60  }
0x2b9: {  	[tilespmem:s25+$0x170] =	vst v8  }
0x2ba: {  	[tilespmem:s25+$0xFFFFFE70] =	vst v61  }
0x2bb: {  	v7 =	vld.idx.msk [tilespmem:v7+s3+$0x0], $0xffff  }
0x2bc: {  	v6 =	vadd.s32 $0x1000, v6;
	_ =	sdelay $0x3  }
0x2bd: {  	[tilespmem:$0xA100] =	vst v7  }
0x2be: {  	v6 =	vld.idx.msk [tilespmem:v6+s3+$0x0], $0xffff  }
0x2bf: {  	v5 =	vadd.s32 $0x1000, v5;
	_ =	sdelay $0x3  }
0x2c0: {  	[tilespmem:$0xA110] =	vst v6  }
0x2c1: {  	v5 =	vld.idx.msk [tilespmem:v5+s3+$0x0], $0xffff  }
0x2c2: {  	v4 =	vadd.s32 $0x1000, v4;
	_ =	sdelay $0x3  }
0x2c3: {  	[tilespmem:$0xA120] =	vst v5  }
0x2c4: {  	v4 =	vld.idx.msk [tilespmem:v4+s3+$0x0], $0xffff  }
0x2c5: {  	v0 =	vadd.s32 $0x1000, v0;
	_ =	sdelay $0x3  }
0x2c6: {  	[tilespmem:$0xA130] =	vst v4  }
0x2c7: {  	v0 =	vld.idx.msk [tilespmem:v0+s3+$0x0], $0xffff  }
0x2c8: {  	v1 =	vadd.s32 $0x1000, v1;
	_ =	sdelay $0x3  }
0x2c9: {  	[tilespmem:$0xA140] =	vst v0  }
0x2ca: {  	v0 =	vld.idx.msk [tilespmem:v1+s3+$0x0], $0xffff  }
0x2cb: {  	v62 =	vadd.s32 $0x1000, v2;
	_ =	sdelay $0x3  }
0x2cc: {  	[tilespmem:$0xA150] =	vst v0  }
0x2cd: {  	v0 =	vld.idx.msk [tilespmem:v62+s3+$0x0], $0xffff  }
0x2ce: {  	v63 =	vadd.s32 $0x1000, v3;
	_ =	sdelay $0x3  }
0x2cf: {  	[tilespmem:$0xA160] =	vst v0  }
0x2d0: {  	s22 =	sadd.s32 $0x1, s22;
	v0 =	vld.idx.msk [tilespmem:v63+s3+$0x0], $0xffff  }
0x2d1: {  	p0 =	sne.s32 s22, $0xF  }
.Ltmp4:
0x2d2: {  	_ = 	snop;
	(pc) =	sbr.rel @p0 .LBB2_7-.Ltmp4, $4  }
0x2d3: {  	s0 =	sadd.s32 s23, s20  }
0x2d4: {  	s0 =	sand.u32 $0x1FFFFFF0, s0  }
0x2d5: {  	s0 =	sadd.s32 s1, s0;
	[tilespmem:$0xA170] =	vst v0  }
0x2d6: {  	[hbm4b:s0+s12] =	stream.strided.scatter [tilespmem:s15], [sflag:$0x2], $0x4080, s13, s12, $0x38;
	[tilespmem:$0xA180] =	vst v63  }
0x2d7: {  	_ =	swait.ge [sflag:s16], $0x4080  }
0x2d8: {  	[sflag:s16] =	ssyncset.done $0x0  }
0x2d9: {  	[sflag:s16] =	ssyncadd.s32 $0xFFFFBF80  }
0x2da: {  	_ =	swait.ge [sflag:s17], $0x4080  }
0x2db: {  	s19 =	sadd.s32 $0x1, s19;
	s0 =	rddreg [dreg:$0x6]  }
0x2dc: {  	p0 =	slt.u32 s19, s0  }
.Ltmp5:
0x2dd: {  	_ = 	snop;
	(pc) =	sbr.rel @p0 .LBB2_2-.Ltmp5, $3  }
0x2de: {  	_ =	sdelay $0x1  }
0x2df: {  	[sflag:s17] =	ssyncset.done $0x0  }
0x2e0: {  	[sflag:s17] =	ssyncadd.s32 $0xFFFFBF80  }
0x2e1: {  	s2 =	rddreg [dreg:$0x8]  }
0x2e2: {  	s0 =	rddreg [dreg:$0x7];
	s2 =	sadd.s32 $0x1, s2  }
0x2e3: {  	p0 =	sne.s32 s2, s0  }
.Ltmp6:
0x2e4: {  	_ = 	snop;
	(pc) =	sbr.rel @p0 .LBB2_1-.Ltmp6, $1  }
0x2e5: {  	_ =	sdelay $0x3  }
0x2e6: {  	_ =	sfence.sel $0x180000  }
0x2e7: {  	[bflag:$0x0] =	sbarrier.arrive $0xFFFF  }
0x2e8: {  	_ =	strace $0x90000047  }
0x2e9: {  	s0 =	stileid.u32;
	[bflag:$0x2] =	sbarrier.arrive $0xFFFF  }
0x2ea: {  	p0 =	sne.s32 s0, $0x0;
	s0 =	rddreg [dreg:$0x2]  }
0x2eb: {  	s0 =	sadd.s32 @!p0 $0x100000, s0  }
0x2ec: {  	[sflag:s0] =	ssyncadd.tile.s32 @!p0 $0x1;
	_ =	shalt  }
.Lfunc_end2:
_tile_overlayer_lowered:
.L_overlay_start_2:
0x2ed: {  	(tag) =	ssettag $0x2  }
0x2ee: {  	s0 =	rddreg [dreg:$0x0];
	s2 =	stileid.u32  }
0x2ef: {  	s1 =	rddreg [dreg:$0x1];
	p0 =	sne.s32 s2, $0x0  }
0x2f0: {  	s3 =	rddreg [dreg:$0x2];
	[bflag:$0x3] =	sbarrier.arrive $0xFFFF;
	s2 =	simm.s32 @!p0 $0x1C03  }
0x2f1: {  	[timem:s3], [sflag:s2] =	dma.local @!p0 [hbm:s0], s1  }
0x2f2: {  	s0 =	simm.s32 @!p0 $0x3  }
0x2f3: {  	_ =	swait.ge @!p0 [sflag:s0], s1  }
0x2f4: {  	s1 =	ssub.s32 @!p0 $0x0, s1;
	[sflag:s0] =	ssyncset.done @!p0 $0x0  }
0x2f5: {  	[sflag:s0] =	ssyncadd.s32 @!p0 s1  }
0x2f6: {  	[bflag:$0x3] =	sbarrier.arrive $0xFFFF  }
0x2f7: {  	_ =	shalt  }

</sc_bundles>
